<compile_context>
chip_gen: v7x
topology: tpu7x:2x2x1
jax: 0.10.2.dev20260603
libtpu: 0.0.44.dev20260713+nightly
codegen_flags: <defaults>
</compile_context>

<pallas_src>
import functools

import jax
import jax.numpy as jnp
from jax import lax
from jax.experimental import pallas as pl
from jax.experimental.pallas import tpu as pltpu
from jax.experimental.pallas import tpu_sc as plsc

_REF_PREC = jax.lax.Precision.DEFAULT
_EXACT_PREC = jax.lax.Precision.HIGHEST

_TP = 640
_KP = 456


def _fused_body(x_ref, w_ref, b_ref, m_ref, wp_ref, bp_ref,
                y_ref, uidx_ref, *, T, C, H, HD, K, NH, SCALE):
    xb = x_ref[0]
    qkv = jnp.dot(xb, w_ref[...], preferred_element_type=jnp.float32,
                  precision=_REF_PREC)
    qkv = qkv + b_ref[...]

    kpart = qkv[:, C:2 * C]
    hs = jnp.dot(kpart * kpart, m_ref[...],
                 preferred_element_type=jnp.float32,
                 precision=_EXACT_PREC)
    hmag = jnp.sqrt(hs)
    nrm = jnp.sqrt(jnp.sum(hmag * hmag, axis=1, keepdims=True))
    phi = hmag / jnp.clip(nrm, 1e-12, None)

    meanp = jnp.mean(phi, axis=0, keepdims=True)
    score = jnp.sum(phi * meanp, axis=1, keepdims=True)
    row_id = jax.lax.broadcasted_iota(jnp.int32, (T, 1), 0)
    score = jnp.where(row_id == 0, -jnp.inf, score)
    score_r = jnp.transpose(score)

    ii = jax.lax.broadcasted_iota(jnp.int32, (T, T), 0)
    jj = jax.lax.broadcasted_iota(jnp.int32, (T, T), 1)
    ltr = (score < score_r).astype(jnp.float32)
    eqr = ((score == score_r) & (ii < jj)).astype(jnp.float32)
    rank_row = jnp.sum(ltr + eqr, axis=0, keepdims=True)
    keep_row = rank_row < K

    upper = (ii <= jj).astype(jnp.float32)
    pos_row = jnp.dot(keep_row.astype(jnp.float32), upper,
                      preferred_element_type=jnp.float32) - 1.0

    sim = jax.lax.dot_general(phi, phi, (((1,), (1,)), ((), ())),
                              preferred_element_type=jnp.float32,
                              precision=_REF_PREC)
    simm = jnp.where(keep_row, sim, -jnp.inf)
    mx = jnp.max(simm, axis=1, keepdims=True)
    cand = jnp.where(simm == mx, pos_row, jnp.float32(1e9))
    assign_f = jnp.min(cand, axis=1, keepdims=True)
    assign_row = jnp.transpose(assign_f).astype(jnp.int32)

    b = pl.program_id(0)
    pad_z = jnp.zeros((1, _TP - T), jnp.int32)
    uidx_ref[0] = jnp.concatenate([assign_row + b * _KP, pad_z], axis=1)

    kk = jax.lax.broadcasted_iota(jnp.int32, (K, T), 0)
    sel = (kk == assign_row).astype(jnp.float32)
    mq = jnp.dot(sel, qkv, preferred_element_type=jnp.float32,
                 precision=_EXACT_PREC)
    den = jnp.sum(sel, axis=1, keepdims=True)
    dclip = jnp.clip(den, 1e-12, None)

    ys = []
    for h in range(H):
        qh = mq[:, h * HD:(h + 1) * HD] / dclip * SCALE
        kh = mq[:, C + h * HD:C + (h + 1) * HD] / dclip
        vh = mq[:, 2 * C + h * HD:2 * C + (h + 1) * HD] / dclip
        lg = jax.lax.dot_general(qh, kh, (((1,), (1,)), ((), ())),
                                 preferred_element_type=jnp.float32,
                                 precision=_REF_PREC)
        mxl = jnp.max(lg, axis=1, keepdims=True)
        e = jnp.exp(lg - mxl)
        p = e / jnp.sum(e, axis=1, keepdims=True)
        ys.append(jnp.dot(p, vh, preferred_element_type=jnp.float32,
                          precision=_REF_PREC))
    y = jnp.concatenate(ys, axis=1)
    y = jnp.dot(y, wp_ref[...], preferred_element_type=jnp.float32,
                precision=_REF_PREC)
    y = y + bp_ref[...]
    y_ref[0] = jnp.concatenate(
        [y, jnp.zeros((_KP - K, C), jnp.float32)], axis=0)


def _fused_call(x, W_qkv, b_qkv, W_proj, b_proj, H, R):
    B, T, C = x.shape
    HD = C // H
    K = T - R
    NH = 128
    SCALE = 1.0 / (HD ** 0.5)
    f32 = jnp.float32

    head_onehot = (jnp.arange(C)[:, None] // HD ==
                   jnp.arange(NH)[None, :]).astype(f32)
    b_qkv2 = b_qkv.reshape(1, 3 * C)
    b_proj2 = b_proj.reshape(1, C)

    return pl.pallas_call(
        functools.partial(_fused_body, T=T, C=C, H=H, HD=HD, K=K, NH=NH,
                          SCALE=SCALE),
        grid=(B,),
        in_specs=[
            pl.BlockSpec((1, T, C), lambda b: (b, 0, 0)),
            pl.BlockSpec((C, 3 * C), lambda b: (0, 0)),
            pl.BlockSpec((1, 3 * C), lambda b: (0, 0)),
            pl.BlockSpec((C, NH), lambda b: (0, 0)),
            pl.BlockSpec((C, C), lambda b: (0, 0)),
            pl.BlockSpec((1, C), lambda b: (0, 0)),
        ],
        out_specs=[
            pl.BlockSpec((1, _KP, C), lambda b: (b, 0, 0)),
            pl.BlockSpec((1, 1, _TP), lambda b: (b, 0, 0)),
        ],
        out_shape=[
            jax.ShapeDtypeStruct((B, _KP, C), f32),
            jax.ShapeDtypeStruct((B, 1, _TP), jnp.int32),
        ],
        compiler_params=pltpu.CompilerParams(
            dimension_semantics=("arbitrary",)),
    )(x, W_qkv, b_qkv2, head_onehot, W_proj, b_proj2)


def _sc_unmerge_call(ytab, uidx_flat, B, T):
    C = ytab.shape[1]
    NC = 2
    CH = 72
    TO = 584
    sizes = [CH] * (TO // CH) + ([TO % CH] if TO % CH else [])
    offs = [CH * i for i in range(len(sizes))]
    mesh = plsc.VectorSubcoreMesh(core_axis_name="c", subcore_axis_name="s")

    @functools.partial(
        pl.kernel, mesh=mesh,
        out_type=jax.ShapeDtypeStruct((B, TO, C), jnp.float32),
        scratch_types=[
            pltpu.VMEM((_TP,), jnp.int32),
            pltpu.VMEM((CH, C), jnp.float32),
            pltpu.VMEM((CH, C), jnp.float32),
            pltpu.SemaphoreType.DMA,
            pltpu.SemaphoreType.DMA,
        ],
    )
    def unmerge_k(ytab_hbm, uidx_hbm, out_hbm, idxb_v, rows_a, rows_b,
                  sem_a, sem_b):
        cid = lax.axis_index("c")
        sid = lax.axis_index("s")
        b = sid * NC + cid
        pltpu.sync_copy(
            uidx_hbm.at[pl.ds(pl.multiple_of(b * _TP, 8), _TP)], idxb_v)
        bufs = [rows_a, rows_b]
        sems = [sem_a, sem_b]

        def gather(c):
            return pltpu.async_copy(
                ytab_hbm.at[idxb_v.at[pl.ds(offs[c], sizes[c])]],
                bufs[c % 2].at[pl.ds(0, sizes[c])], sems[c % 2])

        cur = gather(0)
        for c in range(len(sizes)):
            nxt = gather(c + 1) if c + 1 < len(sizes) else None
            cur.wait()
            pltpu.sync_copy(bufs[c % 2].at[pl.ds(0, sizes[c])],
                            out_hbm.at[b, pl.ds(offs[c], sizes[c])])
            cur = nxt

    return unmerge_k(ytab, uidx_flat)


def _run(x, W_qkv, b_qkv, W_proj, b_proj, H, R):
    B, T, C = x.shape
    y, uidx = _fused_call(x, W_qkv, b_qkv, W_proj, b_proj, H, R)
    out = _sc_unmerge_call(y.reshape(B * _KP, C), uidx.reshape(-1), B, T)
    return out[:, :T, :]


def kernel(x, W_qkv, b_qkv, W_proj, b_proj, layer_idx, total_layers):
    return _run(x, W_qkv, b_qkv, W_proj, b_proj, H=12, R=128)

# --- scband reference (transcript-rebuilt; emitter-appended) ---
"""Pipeline reference for scband-ours-attention-51015621542530 (READ-ONLY COPY).

The authoritative reference and input builder live on the scoring server;
editing this copy changes nothing except your own understanding.
"""

import jax, jax.numpy as jnp
import numpy as np

B, T, C, H = 32, 577, 768, 12
HD = C // H
R = 128
K = T - R
SCALE = 1.0 / (HD ** 0.5)

def _normalize(a, axis=-1, eps=1e-12):
    return a / jnp.clip(jnp.linalg.norm(a, axis=axis, keepdims=True), eps, None)

def _selector(phi, k_keep):
    # hquota_ff: keep the k_keep most distinctive tokens (lowest cosine similarity
    # to the mean head-magnitude signature), always protecting the CLS token; then
    # assign every token to its nearest kept token by cosine similarity in phi-space.
    mean_phi = jnp.mean(phi, axis=1, keepdims=True)
    score = jnp.sum(phi * mean_phi, axis=-1)          # [B,T]
    score = score.at[:, 0].set(-jnp.inf)              # protect CLS
    _, keep_abs = jax.lax.top_k(-score, k_keep)       # k smallest scores
    keep_abs = jnp.sort(keep_abs, axis=-1)            # [B,K]
    phi_keep = jnp.take_along_axis(phi, keep_abs[:, :, None], axis=1)  # [B,K,H]
    sim = jnp.einsum('bth,bkh->btk', phi, phi_keep)   # [B,T,K]
    nearest = jnp.argmax(sim, axis=-1)                # [B,T]
    assign_abs = jnp.take_along_axis(keep_abs, nearest, axis=1)
    return keep_abs, assign_abs

def _merge_weighted(v, w, assign_idx, k_keep):
    # v [B,H,T,Hd], w [B,T], assign_idx [B,T] in [0,K)
    def one(vb, wb, ab):
        num = jnp.zeros((H, k_keep, HD), vb.dtype).at[:, ab, :].add(vb * wb[None, :, None])
        den = jnp.zeros((k_keep,), wb.dtype).at[ab].add(wb)
        return num / jnp.clip(den, 1e-12, None)[None, :, None], den
    return jax.vmap(one)(v, w, assign_idx)

def _forward(x, W_qkv, b_qkv, W_proj, b_proj):
    qkv = (x @ W_qkv + b_qkv).reshape(B, T, 3, H, HD).transpose(2, 0, 3, 1, 4)
    q, k, v = qkv[0], qkv[1], qkv[2]                  # [B,H,T,Hd]
    size = jnp.ones((B, T), x.dtype)
    h_mag = jnp.linalg.norm(k, axis=-1)               # [B,H,T]
    phi = _normalize(jnp.transpose(h_mag, (0, 2, 1))) # [B,T,H]
    keep_abs, assign_abs = _selector(phi, K)
    idx_map = jnp.full((B, T), -1, dtype=jnp.int32)
    idx_map = idx_map.at[jnp.arange(B)[:, None], keep_abs].set(
        jnp.broadcast_to(jnp.arange(K, dtype=jnp.int32)[None, :], (B, K)))
    assign_idx = jnp.take_along_axis(idx_map, assign_abs, axis=1)  # [B,T]
    v_m, size_m = _merge_weighted(v, size, assign_idx, K)          # size-weighted merge of v
    ones = jnp.ones((B, T), x.dtype)
    k_m, _ = _merge_weighted(k, ones, assign_idx, K)               # mean_merge_k
    q_m, _ = _merge_weighted(q, ones, assign_idx, K)               # mean merge of q (merge='kv')
    # l2_clip_tau=0, alpha=0, top_r=0, temp_eta=0 -> clip/pushlite/temperature are identity
    attn = jax.nn.softmax(jnp.einsum('bhkd,bhjd->bhkj', q_m * SCALE, k_m), axis=-1)
    y = jnp.einsum('bhkj,bhjd->bhkd', attn, v_m)      # [B,H,K,Hd]
    y = jnp.transpose(y, (0, 2, 1, 3)).reshape(B, K, C)
    y = y @ W_proj + b_proj                            # [B,K,C]
    # unmerge: broadcast each reduced token back to every source position
    return jnp.take_along_axis(y, assign_idx[:, :, None], axis=1)  # [B,T,C]

def setup_inputs(seed: int = 0):
    key = jax.random.key(seed)
    ks = jax.random.split(key, 4)
    x = jax.random.normal(ks[0], (B, T, C), dtype=jnp.float32)
    W_qkv = jax.random.normal(ks[1], (C, 3 * C), dtype=jnp.float32) * 0.02
    b_qkv = jnp.zeros((3 * C,), dtype=jnp.float32)
    W_proj = jax.random.normal(ks[2], (C, C), dtype=jnp.float32) * 0.02
    b_proj = jnp.zeros((C,), dtype=jnp.float32)
    return {'x': x, 'W_qkv': W_qkv, 'b_qkv': b_qkv, 'W_proj': W_proj, 'b_proj': b_proj, 'layer_idx': 0, 'total_layers': 12}

def reference(x, W_qkv, b_qkv, W_proj, b_proj, layer_idx=0, total_layers=12):
    return _forward(x, W_qkv, b_qkv, W_proj, b_proj)

if __name__ == "__main__":
    import jax
    _d = setup_inputs()
    print(jax.jit(kernel)(*tuple(_d.values())))

</pallas_src>

<mosaic_0001>
#map = affine_map<(d0, d1) -> (0, 0)>
#map1 = affine_map<(d0, d1) -> (0)>
#map2 = affine_map<(d0, d1) -> (0, 0, 0)>
module attributes {stable_mosaic.version = 14 : i64} {
  func.func @unmerge_k(%arg0: i32, %arg1: i32, %arg2: memref<14592x768xf32, #tpu.memory_space<hbm>>, %arg3: memref<20480xi32, #tpu.memory_space<hbm>>, %arg4: memref<32x584x768xf32, #tpu.memory_space<hbm>>, %arg5: memref<640xi32, #tpu.memory_space<vmem>>, %arg6: memref<72x768xf32, #tpu.memory_space<vmem>>, %arg7: memref<72x768xf32, #tpu.memory_space<vmem>>, %arg8: memref<!tpu.dma_semaphore, #tpu.memory_space<semaphore_mem>>, %arg9: memref<!tpu.dma_semaphore, #tpu.memory_space<semaphore_mem>>) attributes {dimension_semantics = [#tpu.dimension_semantics<core_parallel>, #tpu.dimension_semantics<subcore_parallel>], iteration_bounds = array<i64: 2, 16>, scalar_prefetch = 0 : i64, scratch_operands = 5 : i64, tpu.core_type = #tpu.core_type<sc_vector_subcore>, window_params = [{transform_indices = #map}, {transform_indices = #map1}, {transform_indices = #map2}]} {
    %mul3A = arith.constant 2 : i32
    %mul3A_0 = arith.muli %arg1, %mul3A : i32
    %add3A = arith.addi %mul3A_0, %arg0 : i32
    %mul3A_1 = arith.constant 640 : i32
    %mul3A_2 = arith.muli %add3A, %mul3A_1 : i32
    %multiple_of3A = tpu.assume_multiple %mul3A_2, 8 : i32
    "tpu.region"() ({
      %run_scoped3A = tpu.sem_alloc : memref<!tpu.dma_semaphore, #tpu.memory_space<semaphore_mem>>
      %dma_start3A_145 = tpu.memref_slice %arg3[%multiple_of3A] : memref<20480xi32, #tpu.memory_space<hbm>> -> memref<640xi32, #tpu.memory_space<hbm>>
      %dma_start3A_146 = tpu.memref_slice %arg3[%multiple_of3A] : memref<20480xi32, #tpu.memory_space<hbm>> -> memref<640xi32, #tpu.memory_space<hbm>>
      tpu.enqueue_dma source(%dma_start3A_146 : memref<640xi32, #tpu.memory_space<hbm>>) target(%arg5 : memref<640xi32, #tpu.memory_space<vmem>>) target_semaphore(%run_scoped3A : memref<!tpu.dma_semaphore, #tpu.memory_space<semaphore_mem>>)
      %dma_wait3A_147 = tpu.memref_slice %arg3[%multiple_of3A] : memref<20480xi32, #tpu.memory_space<hbm>> -> memref<640xi32, #tpu.memory_space<hbm>>
      %dma_wait3A_148 = tpu.memref_slice %arg3[%multiple_of3A] : memref<20480xi32, #tpu.memory_space<hbm>> -> memref<640xi32, #tpu.memory_space<hbm>>
      tpu.wait_dma2 semaphore(%run_scoped3A : memref<!tpu.dma_semaphore, #tpu.memory_space<semaphore_mem>>) src(%dma_wait3A_148 : memref<640xi32, #tpu.memory_space<hbm>>) dst(%arg5 : memref<640xi32, #tpu.memory_space<vmem>>)
      tpu.yield
    }) : () -> ()
    %dma_start3A = arith.constant 0 : i32
    %dma_start3A_3 = arith.constant 0 : i32
    %dma_start3A_4 = tpu.memref_slice %arg6[%dma_start3A, %dma_start3A_3] : memref<72x768xf32, #tpu.memory_space<vmem>> -> memref<72x768xf32, #tpu.memory_space<vmem>>
    %dma_start3A_5 = arith.constant 0 : i32
    %dma_start3A_6 = tpu.memref_slice %arg5[%dma_start3A_5] : memref<640xi32, #tpu.memory_space<vmem>> -> memref<72xi32, #tpu.memory_space<vmem>>
    %dma_start3A_7 = arith.constant 0 : i32
    %dma_start3A_8 = arith.constant 0 : i32
    %dma_start3A_9 = tpu.memref_slice %arg2[%dma_start3A_7, %dma_start3A_8] : memref<14592x768xf32, #tpu.memory_space<hbm>> -> memref<14592x768xf32, #tpu.memory_space<hbm>>
    tpu.enqueue_indirect_dma source(%dma_start3A_9 : memref<14592x768xf32, #tpu.memory_space<hbm>>) target(%dma_start3A_4 : memref<72x768xf32, #tpu.memory_space<vmem>>) offsets(%dma_start3A_6 : memref<72xi32, #tpu.memory_space<vmem>>) semaphore(%arg8 : memref<!tpu.dma_semaphore, #tpu.memory_space<semaphore_mem>>)
    %dma_start3A_10 = arith.constant 0 : i32
    %dma_start3A_11 = arith.constant 0 : i32
    %dma_start3A_12 = tpu.memref_slice %arg7[%dma_start3A_10, %dma_start3A_11] : memref<72x768xf32, #tpu.memory_space<vmem>> -> memref<72x768xf32, #tpu.memory_space<vmem>>
    %dma_start3A_13 = arith.constant 72 : i32
    %dma_start3A_14 = tpu.memref_slice %arg5[%dma_start3A_13] : memref<640xi32, #tpu.memory_space<vmem>> -> memref<72xi32, #tpu.memory_space<vmem>>
    %dma_start3A_15 = arith.constant 0 : i32
    %dma_start3A_16 = arith.constant 0 : i32
    %dma_start3A_17 = tpu.memref_slice %arg2[%dma_start3A_15, %dma_start3A_16] : memref<14592x768xf32, #tpu.memory_space<hbm>> -> memref<14592x768xf32, #tpu.memory_space<hbm>>
    tpu.enqueue_indirect_dma source(%dma_start3A_17 : memref<14592x768xf32, #tpu.memory_space<hbm>>) target(%dma_start3A_12 : memref<72x768xf32, #tpu.memory_space<vmem>>) offsets(%dma_start3A_14 : memref<72xi32, #tpu.memory_space<vmem>>) semaphore(%arg9 : memref<!tpu.dma_semaphore, #tpu.memory_space<semaphore_mem>>)
    %dma_wait3A = arith.constant 0 : i32
    %dma_wait3A_18 = arith.constant 0 : i32
    %dma_wait3A_19 = tpu.memref_slice %arg6[%dma_wait3A, %dma_wait3A_18] : memref<72x768xf32, #tpu.memory_space<vmem>> -> memref<72x768xf32, #tpu.memory_space<vmem>>
    %dma_wait3A_20 = arith.constant 0 : i32
    %dma_wait3A_21 = tpu.memref_slice %arg5[%dma_wait3A_20] : memref<640xi32, #tpu.memory_space<vmem>> -> memref<72xi32, #tpu.memory_space<vmem>>
    %dma_wait3A_22 = arith.constant 0 : i32
    %dma_wait3A_23 = arith.constant 0 : i32
    %dma_wait3A_24 = tpu.memref_slice %arg2[%dma_wait3A_22, %dma_wait3A_23] : memref<14592x768xf32, #tpu.memory_space<hbm>> -> memref<14592x768xf32, #tpu.memory_space<hbm>>
    tpu.wait_indirect_dma semaphore(%arg8 : memref<!tpu.dma_semaphore, #tpu.memory_space<semaphore_mem>>) src(%dma_wait3A_24 : memref<14592x768xf32, #tpu.memory_space<hbm>>) dst(%dma_wait3A_19 : memref<72x768xf32, #tpu.memory_space<vmem>>)
    "tpu.region"() ({
      %run_scoped3A = tpu.sem_alloc : memref<!tpu.dma_semaphore, #tpu.memory_space<semaphore_mem>>
      %dma_start3A_145 = arith.constant 0 : i32
      %dma_start3A_146 = arith.constant 0 : i32
      %dma_start3A_147 = tpu.memref_slice %arg6[%dma_start3A_145, %dma_start3A_146] : memref<72x768xf32, #tpu.memory_space<vmem>> -> memref<72x768xf32, #tpu.memory_space<vmem>>
      %dma_start3A_148 = arith.constant 0 : i32
      %dma_start3A_149 = arith.constant 0 : i32
      %dma_start3A_150 = tpu.memref_slice %arg4[%add3A, %dma_start3A_148, %dma_start3A_149] : memref<32x584x768xf32, #tpu.memory_space<hbm>> -> memref<1x72x768xf32, #tpu.memory_space<hbm>>
      %dma_start3A_151 = tpu.memref_squeeze %dma_start3A_150 : memref<1x72x768xf32, #tpu.memory_space<hbm>> -> memref<72x768xf32, #tpu.memory_space<hbm>>
      %dma_start3A_152 = arith.constant 0 : i32
      %dma_start3A_153 = arith.constant 0 : i32
      %dma_start3A_154 = tpu.memref_slice %arg4[%add3A, %dma_start3A_152, %dma_start3A_153] : memref<32x584x768xf32, #tpu.memory_space<hbm>> -> memref<1x72x768xf32, #tpu.memory_space<hbm>>
      %dma_start3A_155 = tpu.memref_squeeze %dma_start3A_154 : memref<1x72x768xf32, #tpu.memory_space<hbm>> -> memref<72x768xf32, #tpu.memory_space<hbm>>
      %dma_start3A_156 = arith.constant 0 : i32
      %dma_start3A_157 = arith.constant 0 : i32
      %dma_start3A_158 = tpu.memref_slice %arg6[%dma_start3A_156, %dma_start3A_157] : memref<72x768xf32, #tpu.memory_space<vmem>> -> memref<72x768xf32, #tpu.memory_space<vmem>>
      tpu.enqueue_dma source(%dma_start3A_158 : memref<72x768xf32, #tpu.memory_space<vmem>>) target(%dma_start3A_155 : memref<72x768xf32, #tpu.memory_space<hbm>>) target_semaphore(%run_scoped3A : memref<!tpu.dma_semaphore, #tpu.memory_space<semaphore_mem>>)
      %dma_wait3A_159 = arith.constant 0 : i32
      %dma_wait3A_160 = arith.constant 0 : i32
      %dma_wait3A_161 = tpu.memref_slice %arg6[%dma_wait3A_159, %dma_wait3A_160] : memref<72x768xf32, #tpu.memory_space<vmem>> -> memref<72x768xf32, #tpu.memory_space<vmem>>
      %dma_wait3A_162 = arith.constant 0 : i32
      %dma_wait3A_163 = arith.constant 0 : i32
      %dma_wait3A_164 = tpu.memref_slice %arg4[%add3A, %dma_wait3A_162, %dma_wait3A_163] : memref<32x584x768xf32, #tpu.memory_space<hbm>> -> memref<1x72x768xf32, #tpu.memory_space<hbm>>
      %dma_wait3A_165 = tpu.memref_squeeze %dma_wait3A_164 : memref<1x72x768xf32, #tpu.memory_space<hbm>> -> memref<72x768xf32, #tpu.memory_space<hbm>>
      %dma_wait3A_166 = arith.constant 0 : i32
      %dma_wait3A_167 = arith.constant 0 : i32
      %dma_wait3A_168 = tpu.memref_slice %arg4[%add3A, %dma_wait3A_166, %dma_wait3A_167] : memref<32x584x768xf32, #tpu.memory_space<hbm>> -> memref<1x72x768xf32, #tpu.memory_space<hbm>>
      %dma_wait3A_169 = tpu.memref_squeeze %dma_wait3A_168 : memref<1x72x768xf32, #tpu.memory_space<hbm>> -> memref<72x768xf32, #tpu.memory_space<hbm>>
      %dma_wait3A_170 = arith.constant 0 : i32
      %dma_wait3A_171 = arith.constant 0 : i32
      %dma_wait3A_172 = tpu.memref_slice %arg6[%dma_wait3A_170, %dma_wait3A_171] : memref<72x768xf32, #tpu.memory_space<vmem>> -> memref<72x768xf32, #tpu.memory_space<vmem>>
      tpu.wait_dma2 semaphore(%run_scoped3A : memref<!tpu.dma_semaphore, #tpu.memory_space<semaphore_mem>>) src(%dma_wait3A_172 : memref<72x768xf32, #tpu.memory_space<vmem>>) dst(%dma_wait3A_169 : memref<72x768xf32, #tpu.memory_space<hbm>>)
      tpu.yield
    }) : () -> ()
    %dma_start3A_25 = arith.constant 0 : i32
    %dma_start3A_26 = arith.constant 0 : i32
    %dma_start3A_27 = tpu.memref_slice %arg6[%dma_start3A_25, %dma_start3A_26] : memref<72x768xf32, #tpu.memory_space<vmem>> -> memref<72x768xf32, #tpu.memory_space<vmem>>
    %dma_start3A_28 = arith.constant 144 : i32
    %dma_start3A_29 = tpu.memref_slice %arg5[%dma_start3A_28] : memref<640xi32, #tpu.memory_space<vmem>> -> memref<72xi32, #tpu.memory_space<vmem>>
    %dma_start3A_30 = arith.constant 0 : i32
    %dma_start3A_31 = arith.constant 0 : i32
    %dma_start3A_32 = tpu.memref_slice %arg2[%dma_start3A_30, %dma_start3A_31] : memref<14592x768xf32, #tpu.memory_space<hbm>> -> memref<14592x768xf32, #tpu.memory_space<hbm>>
    tpu.enqueue_indirect_dma source(%dma_start3A_32 : memref<14592x768xf32, #tpu.memory_space<hbm>>) target(%dma_start3A_27 : memref<72x768xf32, #tpu.memory_space<vmem>>) offsets(%dma_start3A_29 : memref<72xi32, #tpu.memory_space<vmem>>) semaphore(%arg8 : memref<!tpu.dma_semaphore, #tpu.memory_space<semaphore_mem>>)
    %dma_wait3A_33 = arith.constant 0 : i32
    %dma_wait3A_34 = arith.constant 0 : i32
    %dma_wait3A_35 = tpu.memref_slice %arg7[%dma_wait3A_33, %dma_wait3A_34] : memref<72x768xf32, #tpu.memory_space<vmem>> -> memref<72x768xf32, #tpu.memory_space<vmem>>
    %dma_wait3A_36 = arith.constant 72 : i32
    %dma_wait3A_37 = tpu.memref_slice %arg5[%dma_wait3A_36] : memref<640xi32, #tpu.memory_space<vmem>> -> memref<72xi32, #tpu.memory_space<vmem>>
    %dma_wait3A_38 = arith.constant 0 : i32
    %dma_wait3A_39 = arith.constant 0 : i32
    %dma_wait3A_40 = tpu.memref_slice %arg2[%dma_wait3A_38, %dma_wait3A_39] : memref<14592x768xf32, #tpu.memory_space<hbm>> -> memref<14592x768xf32, #tpu.memory_space<hbm>>
    tpu.wait_indirect_dma semaphore(%arg9 : memref<!tpu.dma_semaphore, #tpu.memory_space<semaphore_mem>>) src(%dma_wait3A_40 : memref<14592x768xf32, #tpu.memory_space<hbm>>) dst(%dma_wait3A_35 : memref<72x768xf32, #tpu.memory_space<vmem>>)
    "tpu.region"() ({
      %run_scoped3A = tpu.sem_alloc : memref<!tpu.dma_semaphore, #tpu.memory_space<semaphore_mem>>
      %dma_start3A_145 = arith.constant 0 : i32
      %dma_start3A_146 = arith.constant 0 : i32
      %dma_start3A_147 = tpu.memref_slice %arg7[%dma_start3A_145, %dma_start3A_146] : memref<72x768xf32, #tpu.memory_space<vmem>> -> memref<72x768xf32, #tpu.memory_space<vmem>>
      %dma_start3A_148 = arith.constant 72 : i32
      %dma_start3A_149 = arith.constant 0 : i32
      %dma_start3A_150 = tpu.memref_slice %arg4[%add3A, %dma_start3A_148, %dma_start3A_149] : memref<32x584x768xf32, #tpu.memory_space<hbm>> -> memref<1x72x768xf32, #tpu.memory_space<hbm>>
      %dma_start3A_151 = tpu.memref_squeeze %dma_start3A_150 : memref<1x72x768xf32, #tpu.memory_space<hbm>> -> memref<72x768xf32, #tpu.memory_space<hbm>>
      %dma_start3A_152 = arith.constant 72 : i32
      %dma_start3A_153 = arith.constant 0 : i32
      %dma_start3A_154 = tpu.memref_slice %arg4[%add3A, %dma_start3A_152, %dma_start3A_153] : memref<32x584x768xf32, #tpu.memory_space<hbm>> -> memref<1x72x768xf32, #tpu.memory_space<hbm>>
      %dma_start3A_155 = tpu.memref_squeeze %dma_start3A_154 : memref<1x72x768xf32, #tpu.memory_space<hbm>> -> memref<72x768xf32, #tpu.memory_space<hbm>>
      %dma_start3A_156 = arith.constant 0 : i32
      %dma_start3A_157 = arith.constant 0 : i32
      %dma_start3A_158 = tpu.memref_slice %arg7[%dma_start3A_156, %dma_start3A_157] : memref<72x768xf32, #tpu.memory_space<vmem>> -> memref<72x768xf32, #tpu.memory_space<vmem>>
      tpu.enqueue_dma source(%dma_start3A_158 : memref<72x768xf32, #tpu.memory_space<vmem>>) target(%dma_start3A_155 : memref<72x768xf32, #tpu.memory_space<hbm>>) target_semaphore(%run_scoped3A : memref<!tpu.dma_semaphore, #tpu.memory_space<semaphore_mem>>)
      %dma_wait3A_159 = arith.constant 0 : i32
      %dma_wait3A_160 = arith.constant 0 : i32
      %dma_wait3A_161 = tpu.memref_slice %arg7[%dma_wait3A_159, %dma_wait3A_160] : memref<72x768xf32, #tpu.memory_space<vmem>> -> memref<72x768xf32, #tpu.memory_space<vmem>>
      %dma_wait3A_162 = arith.constant 72 : i32
      %dma_wait3A_163 = arith.constant 0 : i32
      %dma_wait3A_164 = tpu.memref_slice %arg4[%add3A, %dma_wait3A_162, %dma_wait3A_163] : memref<32x584x768xf32, #tpu.memory_space<hbm>> -> memref<1x72x768xf32, #tpu.memory_space<hbm>>
      %dma_wait3A_165 = tpu.memref_squeeze %dma_wait3A_164 : memref<1x72x768xf32, #tpu.memory_space<hbm>> -> memref<72x768xf32, #tpu.memory_space<hbm>>
      %dma_wait3A_166 = arith.constant 72 : i32
      %dma_wait3A_167 = arith.constant 0 : i32
      %dma_wait3A_168 = tpu.memref_slice %arg4[%add3A, %dma_wait3A_166, %dma_wait3A_167] : memref<32x584x768xf32, #tpu.memory_space<hbm>> -> memref<1x72x768xf32, #tpu.memory_space<hbm>>
      %dma_wait3A_169 = tpu.memref_squeeze %dma_wait3A_168 : memref<1x72x768xf32, #tpu.memory_space<hbm>> -> memref<72x768xf32, #tpu.memory_space<hbm>>
      %dma_wait3A_170 = arith.constant 0 : i32
      %dma_wait3A_171 = arith.constant 0 : i32
      %dma_wait3A_172 = tpu.memref_slice %arg7[%dma_wait3A_170, %dma_wait3A_171] : memref<72x768xf32, #tpu.memory_space<vmem>> -> memref<72x768xf32, #tpu.memory_space<vmem>>
      tpu.wait_dma2 semaphore(%run_scoped3A : memref<!tpu.dma_semaphore, #tpu.memory_space<semaphore_mem>>) src(%dma_wait3A_172 : memref<72x768xf32, #tpu.memory_space<vmem>>) dst(%dma_wait3A_169 : memref<72x768xf32, #tpu.memory_space<hbm>>)
      tpu.yield
    }) : () -> ()
    %dma_start3A_41 = arith.constant 0 : i32
    %dma_start3A_42 = arith.constant 0 : i32
    %dma_start3A_43 = tpu.memref_slice %arg7[%dma_start3A_41, %dma_start3A_42] : memref<72x768xf32, #tpu.memory_space<vmem>> -> memref<72x768xf32, #tpu.memory_space<vmem>>
    %dma_start3A_44 = arith.constant 216 : i32
    %dma_start3A_45 = tpu.memref_slice %arg5[%dma_start3A_44] : memref<640xi32, #tpu.memory_space<vmem>> -> memref<72xi32, #tpu.memory_space<vmem>>
    %dma_start3A_46 = arith.constant 0 : i32
    %dma_start3A_47 = arith.constant 0 : i32
    %dma_start3A_48 = tpu.memref_slice %arg2[%dma_start3A_46, %dma_start3A_47] : memref<14592x768xf32, #tpu.memory_space<hbm>> -> memref<14592x768xf32, #tpu.memory_space<hbm>>
    tpu.enqueue_indirect_dma source(%dma_start3A_48 : memref<14592x768xf32, #tpu.memory_space<hbm>>) target(%dma_start3A_43 : memref<72x768xf32, #tpu.memory_space<vmem>>) offsets(%dma_start3A_45 : memref<72xi32, #tpu.memory_space<vmem>>) semaphore(%arg9 : memref<!tpu.dma_semaphore, #tpu.memory_space<semaphore_mem>>)
    %dma_wait3A_49 = arith.constant 0 : i32
    %dma_wait3A_50 = arith.constant 0 : i32
    %dma_wait3A_51 = tpu.memref_slice %arg6[%dma_wait3A_49, %dma_wait3A_50] : memref<72x768xf32, #tpu.memory_space<vmem>> -> memref<72x768xf32, #tpu.memory_space<vmem>>
    %dma_wait3A_52 = arith.constant 144 : i32
    %dma_wait3A_53 = tpu.memref_slice %arg5[%dma_wait3A_52] : memref<640xi32, #tpu.memory_space<vmem>> -> memref<72xi32, #tpu.memory_space<vmem>>
    %dma_wait3A_54 = arith.constant 0 : i32
    %dma_wait3A_55 = arith.constant 0 : i32
    %dma_wait3A_56 = tpu.memref_slice %arg2[%dma_wait3A_54, %dma_wait3A_55] : memref<14592x768xf32, #tpu.memory_space<hbm>> -> memref<14592x768xf32, #tpu.memory_space<hbm>>
    tpu.wait_indirect_dma semaphore(%arg8 : memref<!tpu.dma_semaphore, #tpu.memory_space<semaphore_mem>>) src(%dma_wait3A_56 : memref<14592x768xf32, #tpu.memory_space<hbm>>) dst(%dma_wait3A_51 : memref<72x768xf32, #tpu.memory_space<vmem>>)
    "tpu.region"() ({
      %run_scoped3A = tpu.sem_alloc : memref<!tpu.dma_semaphore, #tpu.memory_space<semaphore_mem>>
      %dma_start3A_145 = arith.constant 0 : i32
      %dma_start3A_146 = arith.constant 0 : i32
      %dma_start3A_147 = tpu.memref_slice %arg6[%dma_start3A_145, %dma_start3A_146] : memref<72x768xf32, #tpu.memory_space<vmem>> -> memref<72x768xf32, #tpu.memory_space<vmem>>
      %dma_start3A_148 = arith.constant 144 : i32
      %dma_start3A_149 = arith.constant 0 : i32
      %dma_start3A_150 = tpu.memref_slice %arg4[%add3A, %dma_start3A_148, %dma_start3A_149] : memref<32x584x768xf32, #tpu.memory_space<hbm>> -> memref<1x72x768xf32, #tpu.memory_space<hbm>>
      %dma_start3A_151 = tpu.memref_squeeze %dma_start3A_150 : memref<1x72x768xf32, #tpu.memory_space<hbm>> -> memref<72x768xf32, #tpu.memory_space<hbm>>
      %dma_start3A_152 = arith.constant 144 : i32
      %dma_start3A_153 = arith.constant 0 : i32
      %dma_start3A_154 = tpu.memref_slice %arg4[%add3A, %dma_start3A_152, %dma_start3A_153] : memref<32x584x768xf32, #tpu.memory_space<hbm>> -> memref<1x72x768xf32, #tpu.memory_space<hbm>>
      %dma_start3A_155 = tpu.memref_squeeze %dma_start3A_154 : memref<1x72x768xf32, #tpu.memory_space<hbm>> -> memref<72x768xf32, #tpu.memory_space<hbm>>
      %dma_start3A_156 = arith.constant 0 : i32
      %dma_start3A_157 = arith.constant 0 : i32
      %dma_start3A_158 = tpu.memref_slice %arg6[%dma_start3A_156, %dma_start3A_157] : memref<72x768xf32, #tpu.memory_space<vmem>> -> memref<72x768xf32, #tpu.memory_space<vmem>>
      tpu.enqueue_dma source(%dma_start3A_158 : memref<72x768xf32, #tpu.memory_space<vmem>>) target(%dma_start3A_155 : memref<72x768xf32, #tpu.memory_space<hbm>>) target_semaphore(%run_scoped3A : memref<!tpu.dma_semaphore, #tpu.memory_space<semaphore_mem>>)
      %dma_wait3A_159 = arith.constant 0 : i32
      %dma_wait3A_160 = arith.constant 0 : i32
      %dma_wait3A_161 = tpu.memref_slice %arg6[%dma_wait3A_159, %dma_wait3A_160] : memref<72x768xf32, #tpu.memory_space<vmem>> -> memref<72x768xf32, #tpu.memory_space<vmem>>
      %dma_wait3A_162 = arith.constant 144 : i32
      %dma_wait3A_163 = arith.constant 0 : i32
      %dma_wait3A_164 = tpu.memref_slice %arg4[%add3A, %dma_wait3A_162, %dma_wait3A_163] : memref<32x584x768xf32, #tpu.memory_space<hbm>> -> memref<1x72x768xf32, #tpu.memory_space<hbm>>
      %dma_wait3A_165 = tpu.memref_squeeze %dma_wait3A_164 : memref<1x72x768xf32, #tpu.memory_space<hbm>> -> memref<72x768xf32, #tpu.memory_space<hbm>>
      %dma_wait3A_166 = arith.constant 144 : i32
      %dma_wait3A_167 = arith.constant 0 : i32
      %dma_wait3A_168 = tpu.memref_slice %arg4[%add3A, %dma_wait3A_166, %dma_wait3A_167] : memref<32x584x768xf32, #tpu.memory_space<hbm>> -> memref<1x72x768xf32, #tpu.memory_space<hbm>>
      %dma_wait3A_169 = tpu.memref_squeeze %dma_wait3A_168 : memref<1x72x768xf32, #tpu.memory_space<hbm>> -> memref<72x768xf32, #tpu.memory_space<hbm>>
      %dma_wait3A_170 = arith.constant 0 : i32
      %dma_wait3A_171 = arith.constant 0 : i32
      %dma_wait3A_172 = tpu.memref_slice %arg6[%dma_wait3A_170, %dma_wait3A_171] : memref<72x768xf32, #tpu.memory_space<vmem>> -> memref<72x768xf32, #tpu.memory_space<vmem>>
      tpu.wait_dma2 semaphore(%run_scoped3A : memref<!tpu.dma_semaphore, #tpu.memory_space<semaphore_mem>>) src(%dma_wait3A_172 : memref<72x768xf32, #tpu.memory_space<vmem>>) dst(%dma_wait3A_169 : memref<72x768xf32, #tpu.memory_space<hbm>>)
      tpu.yield
    }) : () -> ()
    %dma_start3A_57 = arith.constant 0 : i32
    %dma_start3A_58 = arith.constant 0 : i32
    %dma_start3A_59 = tpu.memref_slice %arg6[%dma_start3A_57, %dma_start3A_58] : memref<72x768xf32, #tpu.memory_space<vmem>> -> memref<72x768xf32, #tpu.memory_space<vmem>>
    %dma_start3A_60 = arith.constant 288 : i32
    %dma_start3A_61 = tpu.memref_slice %arg5[%dma_start3A_60] : memref<640xi32, #tpu.memory_space<vmem>> -> memref<72xi32, #tpu.memory_space<vmem>>
    %dma_start3A_62 = arith.constant 0 : i32
    %dma_start3A_63 = arith.constant 0 : i32
    %dma_start3A_64 = tpu.memref_slice %arg2[%dma_start3A_62, %dma_start3A_63] : memref<14592x768xf32, #tpu.memory_space<hbm>> -> memref<14592x768xf32, #tpu.memory_space<hbm>>
    tpu.enqueue_indirect_dma source(%dma_start3A_64 : memref<14592x768xf32, #tpu.memory_space<hbm>>) target(%dma_start3A_59 : memref<72x768xf32, #tpu.memory_space<vmem>>) offsets(%dma_start3A_61 : memref<72xi32, #tpu.memory_space<vmem>>) semaphore(%arg8 : memref<!tpu.dma_semaphore, #tpu.memory_space<semaphore_mem>>)
    %dma_wait3A_65 = arith.constant 0 : i32
    %dma_wait3A_66 = arith.constant 0 : i32
    %dma_wait3A_67 = tpu.memref_slice %arg7[%dma_wait3A_65, %dma_wait3A_66] : memref<72x768xf32, #tpu.memory_space<vmem>> -> memref<72x768xf32, #tpu.memory_space<vmem>>
    %dma_wait3A_68 = arith.constant 216 : i32
    %dma_wait3A_69 = tpu.memref_slice %arg5[%dma_wait3A_68] : memref<640xi32, #tpu.memory_space<vmem>> -> memref<72xi32, #tpu.memory_space<vmem>>
    %dma_wait3A_70 = arith.constant 0 : i32
    %dma_wait3A_71 = arith.constant 0 : i32
    %dma_wait3A_72 = tpu.memref_slice %arg2[%dma_wait3A_70, %dma_wait3A_71] : memref<14592x768xf32, #tpu.memory_space<hbm>> -> memref<14592x768xf32, #tpu.memory_space<hbm>>
    tpu.wait_indirect_dma semaphore(%arg9 : memref<!tpu.dma_semaphore, #tpu.memory_space<semaphore_mem>>) src(%dma_wait3A_72 : memref<14592x768xf32, #tpu.memory_space<hbm>>) dst(%dma_wait3A_67 : memref<72x768xf32, #tpu.memory_space<vmem>>)
    "tpu.region"() ({
      %run_scoped3A = tpu.sem_alloc : memref<!tpu.dma_semaphore, #tpu.memory_space<semaphore_mem>>
      %dma_start3A_145 = arith.constant 0 : i32
      %dma_start3A_146 = arith.constant 0 : i32
      %dma_start3A_147 = tpu.memref_slice %arg7[%dma_start3A_145, %dma_start3A_146] : memref<72x768xf32, #tpu.memory_space<vmem>> -> memref<72x768xf32, #tpu.memory_space<vmem>>
      %dma_start3A_148 = arith.constant 216 : i32
      %dma_start3A_149 = arith.constant 0 : i32
      %dma_start3A_150 = tpu.memref_slice %arg4[%add3A, %dma_start3A_148, %dma_start3A_149] : memref<32x584x768xf32, #tpu.memory_space<hbm>> -> memref<1x72x768xf32, #tpu.memory_space<hbm>>
      %dma_start3A_151 = tpu.memref_squeeze %dma_start3A_150 : memref<1x72x768xf32, #tpu.memory_space<hbm>> -> memref<72x768xf32, #tpu.memory_space<hbm>>
      %dma_start3A_152 = arith.constant 216 : i32
      %dma_start3A_153 = arith.constant 0 : i32
      %dma_start3A_154 = tpu.memref_slice %arg4[%add3A, %dma_start3A_152, %dma_start3A_153] : memref<32x584x768xf32, #tpu.memory_space<hbm>> -> memref<1x72x768xf32, #tpu.memory_space<hbm>>
      %dma_start3A_155 = tpu.memref_squeeze %dma_start3A_154 : memref<1x72x768xf32, #tpu.memory_space<hbm>> -> memref<72x768xf32, #tpu.memory_space<hbm>>
      %dma_start3A_156 = arith.constant 0 : i32
      %dma_start3A_157 = arith.constant 0 : i32
      %dma_start3A_158 = tpu.memref_slice %arg7[%dma_start3A_156, %dma_start3A_157] : memref<72x768xf32, #tpu.memory_space<vmem>> -> memref<72x768xf32, #tpu.memory_space<vmem>>
      tpu.enqueue_dma source(%dma_start3A_158 : memref<72x768xf32, #tpu.memory_space<vmem>>) target(%dma_start3A_155 : memref<72x768xf32, #tpu.memory_space<hbm>>) target_semaphore(%run_scoped3A : memref<!tpu.dma_semaphore, #tpu.memory_space<semaphore_mem>>)
      %dma_wait3A_159 = arith.constant 0 : i32
      %dma_wait3A_160 = arith.constant 0 : i32
      %dma_wait3A_161 = tpu.memref_slice %arg7[%dma_wait3A_159, %dma_wait3A_160] : memref<72x768xf32, #tpu.memory_space<vmem>> -> memref<72x768xf32, #tpu.memory_space<vmem>>
      %dma_wait3A_162 = arith.constant 216 : i32
      %dma_wait3A_163 = arith.constant 0 : i32
      %dma_wait3A_164 = tpu.memref_slice %arg4[%add3A, %dma_wait3A_162, %dma_wait3A_163] : memref<32x584x768xf32, #tpu.memory_space<hbm>> -> memref<1x72x768xf32, #tpu.memory_space<hbm>>
      %dma_wait3A_165 = tpu.memref_squeeze %dma_wait3A_164 : memref<1x72x768xf32, #tpu.memory_space<hbm>> -> memref<72x768xf32, #tpu.memory_space<hbm>>
      %dma_wait3A_166 = arith.constant 216 : i32
      %dma_wait3A_167 = arith.constant 0 : i32
      %dma_wait3A_168 = tpu.memref_slice %arg4[%add3A, %dma_wait3A_166, %dma_wait3A_167] : memref<32x584x768xf32, #tpu.memory_space<hbm>> -> memref<1x72x768xf32, #tpu.memory_space<hbm>>
      %dma_wait3A_169 = tpu.memref_squeeze %dma_wait3A_168 : memref<1x72x768xf32, #tpu.memory_space<hbm>> -> memref<72x768xf32, #tpu.memory_space<hbm>>
      %dma_wait3A_170 = arith.constant 0 : i32
      %dma_wait3A_171 = arith.constant 0 : i32
      %dma_wait3A_172 = tpu.memref_slice %arg7[%dma_wait3A_170, %dma_wait3A_171] : memref<72x768xf32, #tpu.memory_space<vmem>> -> memref<72x768xf32, #tpu.memory_space<vmem>>
      tpu.wait_dma2 semaphore(%run_scoped3A : memref<!tpu.dma_semaphore, #tpu.memory_space<semaphore_mem>>) src(%dma_wait3A_172 : memref<72x768xf32, #tpu.memory_space<vmem>>) dst(%dma_wait3A_169 : memref<72x768xf32, #tpu.memory_space<hbm>>)
      tpu.yield
    }) : () -> ()
    %dma_start3A_73 = arith.constant 0 : i32
    %dma_start3A_74 = arith.constant 0 : i32
    %dma_start3A_75 = tpu.memref_slice %arg7[%dma_start3A_73, %dma_start3A_74] : memref<72x768xf32, #tpu.memory_space<vmem>> -> memref<72x768xf32, #tpu.memory_space<vmem>>
    %dma_start3A_76 = arith.constant 360 : i32
    %dma_start3A_77 = tpu.memref_slice %arg5[%dma_start3A_76] : memref<640xi32, #tpu.memory_space<vmem>> -> memref<72xi32, #tpu.memory_space<vmem>>
    %dma_start3A_78 = arith.constant 0 : i32
    %dma_start3A_79 = arith.constant 0 : i32
    %dma_start3A_80 = tpu.memref_slice %arg2[%dma_start3A_78, %dma_start3A_79] : memref<14592x768xf32, #tpu.memory_space<hbm>> -> memref<14592x768xf32, #tpu.memory_space<hbm>>
    tpu.enqueue_indirect_dma source(%dma_start3A_80 : memref<14592x768xf32, #tpu.memory_space<hbm>>) target(%dma_start3A_75 : memref<72x768xf32, #tpu.memory_space<vmem>>) offsets(%dma_start3A_77 : memref<72xi32, #tpu.memory_space<vmem>>) semaphore(%arg9 : memref<!tpu.dma_semaphore, #tpu.memory_space<semaphore_mem>>)
    %dma_wait3A_81 = arith.constant 0 : i32
    %dma_wait3A_82 = arith.constant 0 : i32
    %dma_wait3A_83 = tpu.memref_slice %arg6[%dma_wait3A_81, %dma_wait3A_82] : memref<72x768xf32, #tpu.memory_space<vmem>> -> memref<72x768xf32, #tpu.memory_space<vmem>>
    %dma_wait3A_84 = arith.constant 288 : i32
    %dma_wait3A_85 = tpu.memref_slice %arg5[%dma_wait3A_84] : memref<640xi32, #tpu.memory_space<vmem>> -> memref<72xi32, #tpu.memory_space<vmem>>
    %dma_wait3A_86 = arith.constant 0 : i32
    %dma_wait3A_87 = arith.constant 0 : i32
    %dma_wait3A_88 = tpu.memref_slice %arg2[%dma_wait3A_86, %dma_wait3A_87] : memref<14592x768xf32, #tpu.memory_space<hbm>> -> memref<14592x768xf32, #tpu.memory_space<hbm>>
    tpu.wait_indirect_dma semaphore(%arg8 : memref<!tpu.dma_semaphore, #tpu.memory_space<semaphore_mem>>) src(%dma_wait3A_88 : memref<14592x768xf32, #tpu.memory_space<hbm>>) dst(%dma_wait3A_83 : memref<72x768xf32, #tpu.memory_space<vmem>>)
    "tpu.region"() ({
      %run_scoped3A = tpu.sem_alloc : memref<!tpu.dma_semaphore, #tpu.memory_space<semaphore_mem>>
      %dma_start3A_145 = arith.constant 0 : i32
      %dma_start3A_146 = arith.constant 0 : i32
      %dma_start3A_147 = tpu.memref_slice %arg6[%dma_start3A_145, %dma_start3A_146] : memref<72x768xf32, #tpu.memory_space<vmem>> -> memref<72x768xf32, #tpu.memory_space<vmem>>
      %dma_start3A_148 = arith.constant 288 : i32
      %dma_start3A_149 = arith.constant 0 : i32
      %dma_start3A_150 = tpu.memref_slice %arg4[%add3A, %dma_start3A_148, %dma_start3A_149] : memref<32x584x768xf32, #tpu.memory_space<hbm>> -> memref<1x72x768xf32, #tpu.memory_space<hbm>>
      %dma_start3A_151 = tpu.memref_squeeze %dma_start3A_150 : memref<1x72x768xf32, #tpu.memory_space<hbm>> -> memref<72x768xf32, #tpu.memory_space<hbm>>
      %dma_start3A_152 = arith.constant 288 : i32
      %dma_start3A_153 = arith.constant 0 : i32
      %dma_start3A_154 = tpu.memref_slice %arg4[%add3A, %dma_start3A_152, %dma_start3A_153] : memref<32x584x768xf32, #tpu.memory_space<hbm>> -> memref<1x72x768xf32, #tpu.memory_space<hbm>>
      %dma_start3A_155 = tpu.memref_squeeze %dma_start3A_154 : memref<1x72x768xf32, #tpu.memory_space<hbm>> -> memref<72x768xf32, #tpu.memory_space<hbm>>
      %dma_start3A_156 = arith.constant 0 : i32
      %dma_start3A_157 = arith.constant 0 : i32
      %dma_start3A_158 = tpu.memref_slice %arg6[%dma_start3A_156, %dma_start3A_157] : memref<72x768xf32, #tpu.memory_space<vmem>> -> memref<72x768xf32, #tpu.memory_space<vmem>>
      tpu.enqueue_dma source(%dma_start3A_158 : memref<72x768xf32, #tpu.memory_space<vmem>>) target(%dma_start3A_155 : memref<72x768xf32, #tpu.memory_space<hbm>>) target_semaphore(%run_scoped3A : memref<!tpu.dma_semaphore, #tpu.memory_space<semaphore_mem>>)
      %dma_wait3A_159 = arith.constant 0 : i32
      %dma_wait3A_160 = arith.constant 0 : i32
      %dma_wait3A_161 = tpu.memref_slice %arg6[%dma_wait3A_159, %dma_wait3A_160] : memref<72x768xf32, #tpu.memory_space<vmem>> -> memref<72x768xf32, #tpu.memory_space<vmem>>
      %dma_wait3A_162 = arith.constant 288 : i32
      %dma_wait3A_163 = arith.constant 0 : i32
      %dma_wait3A_164 = tpu.memref_slice %arg4[%add3A, %dma_wait3A_162, %dma_wait3A_163] : memref<32x584x768xf32, #tpu.memory_space<hbm>> -> memref<1x72x768xf32, #tpu.memory_space<hbm>>
      %dma_wait3A_165 = tpu.memref_squeeze %dma_wait3A_164 : memref<1x72x768xf32, #tpu.memory_space<hbm>> -> memref<72x768xf32, #tpu.memory_space<hbm>>
      %dma_wait3A_166 = arith.constant 288 : i32
      %dma_wait3A_167 = arith.constant 0 : i32
      %dma_wait3A_168 = tpu.memref_slice %arg4[%add3A, %dma_wait3A_166, %dma_wait3A_167] : memref<32x584x768xf32, #tpu.memory_space<hbm>> -> memref<1x72x768xf32, #tpu.memory_space<hbm>>
      %dma_wait3A_169 = tpu.memref_squeeze %dma_wait3A_168 : memref<1x72x768xf32, #tpu.memory_space<hbm>> -> memref<72x768xf32, #tpu.memory_space<hbm>>
      %dma_wait3A_170 = arith.constant 0 : i32
      %dma_wait3A_171 = arith.constant 0 : i32
      %dma_wait3A_172 = tpu.memref_slice %arg6[%dma_wait3A_170, %dma_wait3A_171] : memref<72x768xf32, #tpu.memory_space<vmem>> -> memref<72x768xf32, #tpu.memory_space<vmem>>
      tpu.wait_dma2 semaphore(%run_scoped3A : memref<!tpu.dma_semaphore, #tpu.memory_space<semaphore_mem>>) src(%dma_wait3A_172 : memref<72x768xf32, #tpu.memory_space<vmem>>) dst(%dma_wait3A_169 : memref<72x768xf32, #tpu.memory_space<hbm>>)
      tpu.yield
    }) : () -> ()
    %dma_start3A_89 = arith.constant 0 : i32
    %dma_start3A_90 = arith.constant 0 : i32
    %dma_start3A_91 = tpu.memref_slice %arg6[%dma_start3A_89, %dma_start3A_90] : memref<72x768xf32, #tpu.memory_space<vmem>> -> memref<72x768xf32, #tpu.memory_space<vmem>>
    %dma_start3A_92 = arith.constant 432 : i32
    %dma_start3A_93 = tpu.memref_slice %arg5[%dma_start3A_92] : memref<640xi32, #tpu.memory_space<vmem>> -> memref<72xi32, #tpu.memory_space<vmem>>
    %dma_start3A_94 = arith.constant 0 : i32
    %dma_start3A_95 = arith.constant 0 : i32
    %dma_start3A_96 = tpu.memref_slice %arg2[%dma_start3A_94, %dma_start3A_95] : memref<14592x768xf32, #tpu.memory_space<hbm>> -> memref<14592x768xf32, #tpu.memory_space<hbm>>
    tpu.enqueue_indirect_dma source(%dma_start3A_96 : memref<14592x768xf32, #tpu.memory_space<hbm>>) target(%dma_start3A_91 : memref<72x768xf32, #tpu.memory_space<vmem>>) offsets(%dma_start3A_93 : memref<72xi32, #tpu.memory_space<vmem>>) semaphore(%arg8 : memref<!tpu.dma_semaphore, #tpu.memory_space<semaphore_mem>>)
    %dma_wait3A_97 = arith.constant 0 : i32
    %dma_wait3A_98 = arith.constant 0 : i32
    %dma_wait3A_99 = tpu.memref_slice %arg7[%dma_wait3A_97, %dma_wait3A_98] : memref<72x768xf32, #tpu.memory_space<vmem>> -> memref<72x768xf32, #tpu.memory_space<vmem>>
    %dma_wait3A_100 = arith.constant 360 : i32
    %dma_wait3A_101 = tpu.memref_slice %arg5[%dma_wait3A_100] : memref<640xi32, #tpu.memory_space<vmem>> -> memref<72xi32, #tpu.memory_space<vmem>>
    %dma_wait3A_102 = arith.constant 0 : i32
    %dma_wait3A_103 = arith.constant 0 : i32
    %dma_wait3A_104 = tpu.memref_slice %arg2[%dma_wait3A_102, %dma_wait3A_103] : memref<14592x768xf32, #tpu.memory_space<hbm>> -> memref<14592x768xf32, #tpu.memory_space<hbm>>
    tpu.wait_indirect_dma semaphore(%arg9 : memref<!tpu.dma_semaphore, #tpu.memory_space<semaphore_mem>>) src(%dma_wait3A_104 : memref<14592x768xf32, #tpu.memory_space<hbm>>) dst(%dma_wait3A_99 : memref<72x768xf32, #tpu.memory_space<vmem>>)
    "tpu.region"() ({
      %run_scoped3A = tpu.sem_alloc : memref<!tpu.dma_semaphore, #tpu.memory_space<semaphore_mem>>
      %dma_start3A_145 = arith.constant 0 : i32
      %dma_start3A_146 = arith.constant 0 : i32
      %dma_start3A_147 = tpu.memref_slice %arg7[%dma_start3A_145, %dma_start3A_146] : memref<72x768xf32, #tpu.memory_space<vmem>> -> memref<72x768xf32, #tpu.memory_space<vmem>>
      %dma_start3A_148 = arith.constant 360 : i32
      %dma_start3A_149 = arith.constant 0 : i32
      %dma_start3A_150 = tpu.memref_slice %arg4[%add3A, %dma_start3A_148, %dma_start3A_149] : memref<32x584x768xf32, #tpu.memory_space<hbm>> -> memref<1x72x768xf32, #tpu.memory_space<hbm>>
      %dma_start3A_151 = tpu.memref_squeeze %dma_start3A_150 : memref<1x72x768xf32, #tpu.memory_space<hbm>> -> memref<72x768xf32, #tpu.memory_space<hbm>>
      %dma_start3A_152 = arith.constant 360 : i32
      %dma_start3A_153 = arith.constant 0 : i32
      %dma_start3A_154 = tpu.memref_slice %arg4[%add3A, %dma_start3A_152, %dma_start3A_153] : memref<32x584x768xf32, #tpu.memory_space<hbm>> -> memref<1x72x768xf32, #tpu.memory_space<hbm>>
      %dma_start3A_155 = tpu.memref_squeeze %dma_start3A_154 : memref<1x72x768xf32, #tpu.memory_space<hbm>> -> memref<72x768xf32, #tpu.memory_space<hbm>>
      %dma_start3A_156 = arith.constant 0 : i32
      %dma_start3A_157 = arith.constant 0 : i32
      %dma_start3A_158 = tpu.memref_slice %arg7[%dma_start3A_156, %dma_start3A_157] : memref<72x768xf32, #tpu.memory_space<vmem>> -> memref<72x768xf32, #tpu.memory_space<vmem>>
      tpu.enqueue_dma source(%dma_start3A_158 : memref<72x768xf32, #tpu.memory_space<vmem>>) target(%dma_start3A_155 : memref<72x768xf32, #tpu.memory_space<hbm>>) target_semaphore(%run_scoped3A : memref<!tpu.dma_semaphore, #tpu.memory_space<semaphore_mem>>)
      %dma_wait3A_159 = arith.constant 0 : i32
      %dma_wait3A_160 = arith.constant 0 : i32
      %dma_wait3A_161 = tpu.memref_slice %arg7[%dma_wait3A_159, %dma_wait3A_160] : memref<72x768xf32, #tpu.memory_space<vmem>> -> memref<72x768xf32, #tpu.memory_space<vmem>>
      %dma_wait3A_162 = arith.constant 360 : i32
      %dma_wait3A_163 = arith.constant 0 : i32
      %dma_wait3A_164 = tpu.memref_slice %arg4[%add3A, %dma_wait3A_162, %dma_wait3A_163] : memref<32x584x768xf32, #tpu.memory_space<hbm>> -> memref<1x72x768xf32, #tpu.memory_space<hbm>>
      %dma_wait3A_165 = tpu.memref_squeeze %dma_wait3A_164 : memref<1x72x768xf32, #tpu.memory_space<hbm>> -> memref<72x768xf32, #tpu.memory_space<hbm>>
      %dma_wait3A_166 = arith.constant 360 : i32
      %dma_wait3A_167 = arith.constant 0 : i32
      %dma_wait3A_168 = tpu.memref_slice %arg4[%add3A, %dma_wait3A_166, %dma_wait3A_167] : memref<32x584x768xf32, #tpu.memory_space<hbm>> -> memref<1x72x768xf32, #tpu.memory_space<hbm>>
      %dma_wait3A_169 = tpu.memref_squeeze %dma_wait3A_168 : memref<1x72x768xf32, #tpu.memory_space<hbm>> -> memref<72x768xf32, #tpu.memory_space<hbm>>
      %dma_wait3A_170 = arith.constant 0 : i32
      %dma_wait3A_171 = arith.constant 0 : i32
      %dma_wait3A_172 = tpu.memref_slice %arg7[%dma_wait3A_170, %dma_wait3A_171] : memref<72x768xf32, #tpu.memory_space<vmem>> -> memref<72x768xf32, #tpu.memory_space<vmem>>
      tpu.wait_dma2 semaphore(%run_scoped3A : memref<!tpu.dma_semaphore, #tpu.memory_space<semaphore_mem>>) src(%dma_wait3A_172 : memref<72x768xf32, #tpu.memory_space<vmem>>) dst(%dma_wait3A_169 : memref<72x768xf32, #tpu.memory_space<hbm>>)
      tpu.yield
    }) : () -> ()
    %dma_start3A_105 = arith.constant 0 : i32
    %dma_start3A_106 = arith.constant 0 : i32
    %dma_start3A_107 = tpu.memref_slice %arg7[%dma_start3A_105, %dma_start3A_106] : memref<72x768xf32, #tpu.memory_space<vmem>> -> memref<72x768xf32, #tpu.memory_space<vmem>>
    %dma_start3A_108 = arith.constant 504 : i32
    %dma_start3A_109 = tpu.memref_slice %arg5[%dma_start3A_108] : memref<640xi32, #tpu.memory_space<vmem>> -> memref<72xi32, #tpu.memory_space<vmem>>
    %dma_start3A_110 = arith.constant 0 : i32
    %dma_start3A_111 = arith.constant 0 : i32
    %dma_start3A_112 = tpu.memref_slice %arg2[%dma_start3A_110, %dma_start3A_111] : memref<14592x768xf32, #tpu.memory_space<hbm>> -> memref<14592x768xf32, #tpu.memory_space<hbm>>
    tpu.enqueue_indirect_dma source(%dma_start3A_112 : memref<14592x768xf32, #tpu.memory_space<hbm>>) target(%dma_start3A_107 : memref<72x768xf32, #tpu.memory_space<vmem>>) offsets(%dma_start3A_109 : memref<72xi32, #tpu.memory_space<vmem>>) semaphore(%arg9 : memref<!tpu.dma_semaphore, #tpu.memory_space<semaphore_mem>>)
    %dma_wait3A_113 = arith.constant 0 : i32
    %dma_wait3A_114 = arith.constant 0 : i32
    %dma_wait3A_115 = tpu.memref_slice %arg6[%dma_wait3A_113, %dma_wait3A_114] : memref<72x768xf32, #tpu.memory_space<vmem>> -> memref<72x768xf32, #tpu.memory_space<vmem>>
    %dma_wait3A_116 = arith.constant 432 : i32
    %dma_wait3A_117 = tpu.memref_slice %arg5[%dma_wait3A_116] : memref<640xi32, #tpu.memory_space<vmem>> -> memref<72xi32, #tpu.memory_space<vmem>>
    %dma_wait3A_118 = arith.constant 0 : i32
    %dma_wait3A_119 = arith.constant 0 : i32
    %dma_wait3A_120 = tpu.memref_slice %arg2[%dma_wait3A_118, %dma_wait3A_119] : memref<14592x768xf32, #tpu.memory_space<hbm>> -> memref<14592x768xf32, #tpu.memory_space<hbm>>
    tpu.wait_indirect_dma semaphore(%arg8 : memref<!tpu.dma_semaphore, #tpu.memory_space<semaphore_mem>>) src(%dma_wait3A_120 : memref<14592x768xf32, #tpu.memory_space<hbm>>) dst(%dma_wait3A_115 : memref<72x768xf32, #tpu.memory_space<vmem>>)
    "tpu.region"() ({
      %run_scoped3A = tpu.sem_alloc : memref<!tpu.dma_semaphore, #tpu.memory_space<semaphore_mem>>
      %dma_start3A_145 = arith.constant 0 : i32
      %dma_start3A_146 = arith.constant 0 : i32
      %dma_start3A_147 = tpu.memref_slice %arg6[%dma_start3A_145, %dma_start3A_146] : memref<72x768xf32, #tpu.memory_space<vmem>> -> memref<72x768xf32, #tpu.memory_space<vmem>>
      %dma_start3A_148 = arith.constant 432 : i32
      %dma_start3A_149 = arith.constant 0 : i32
      %dma_start3A_150 = tpu.memref_slice %arg4[%add3A, %dma_start3A_148, %dma_start3A_149] : memref<32x584x768xf32, #tpu.memory_space<hbm>> -> memref<1x72x768xf32, #tpu.memory_space<hbm>>
      %dma_start3A_151 = tpu.memref_squeeze %dma_start3A_150 : memref<1x72x768xf32, #tpu.memory_space<hbm>> -> memref<72x768xf32, #tpu.memory_space<hbm>>
      %dma_start3A_152 = arith.constant 432 : i32
      %dma_start3A_153 = arith.constant 0 : i32
      %dma_start3A_154 = tpu.memref_slice %arg4[%add3A, %dma_start3A_152, %dma_start3A_153] : memref<32x584x768xf32, #tpu.memory_space<hbm>> -> memref<1x72x768xf32, #tpu.memory_space<hbm>>
      %dma_start3A_155 = tpu.memref_squeeze %dma_start3A_154 : memref<1x72x768xf32, #tpu.memory_space<hbm>> -> memref<72x768xf32, #tpu.memory_space<hbm>>
      %dma_start3A_156 = arith.constant 0 : i32
      %dma_start3A_157 = arith.constant 0 : i32
      %dma_start3A_158 = tpu.memref_slice %arg6[%dma_start3A_156, %dma_start3A_157] : memref<72x768xf32, #tpu.memory_space<vmem>> -> memref<72x768xf32, #tpu.memory_space<vmem>>
      tpu.enqueue_dma source(%dma_start3A_158 : memref<72x768xf32, #tpu.memory_space<vmem>>) target(%dma_start3A_155 : memref<72x768xf32, #tpu.memory_space<hbm>>) target_semaphore(%run_scoped3A : memref<!tpu.dma_semaphore, #tpu.memory_space<semaphore_mem>>)
      %dma_wait3A_159 = arith.constant 0 : i32
      %dma_wait3A_160 = arith.constant 0 : i32
      %dma_wait3A_161 = tpu.memref_slice %arg6[%dma_wait3A_159, %dma_wait3A_160] : memref<72x768xf32, #tpu.memory_space<vmem>> -> memref<72x768xf32, #tpu.memory_space<vmem>>
      %dma_wait3A_162 = arith.constant 432 : i32
      %dma_wait3A_163 = arith.constant 0 : i32
      %dma_wait3A_164 = tpu.memref_slice %arg4[%add3A, %dma_wait3A_162, %dma_wait3A_163] : memref<32x584x768xf32, #tpu.memory_space<hbm>> -> memref<1x72x768xf32, #tpu.memory_space<hbm>>
      %dma_wait3A_165 = tpu.memref_squeeze %dma_wait3A_164 : memref<1x72x768xf32, #tpu.memory_space<hbm>> -> memref<72x768xf32, #tpu.memory_space<hbm>>
      %dma_wait3A_166 = arith.constant 432 : i32
      %dma_wait3A_167 = arith.constant 0 : i32
      %dma_wait3A_168 = tpu.memref_slice %arg4[%add3A, %dma_wait3A_166, %dma_wait3A_167] : memref<32x584x768xf32, #tpu.memory_space<hbm>> -> memref<1x72x768xf32, #tpu.memory_space<hbm>>
      %dma_wait3A_169 = tpu.memref_squeeze %dma_wait3A_168 : memref<1x72x768xf32, #tpu.memory_space<hbm>> -> memref<72x768xf32, #tpu.memory_space<hbm>>
      %dma_wait3A_170 = arith.constant 0 : i32
      %dma_wait3A_171 = arith.constant 0 : i32
      %dma_wait3A_172 = tpu.memref_slice %arg6[%dma_wait3A_170, %dma_wait3A_171] : memref<72x768xf32, #tpu.memory_space<vmem>> -> memref<72x768xf32, #tpu.memory_space<vmem>>
      tpu.wait_dma2 semaphore(%run_scoped3A : memref<!tpu.dma_semaphore, #tpu.memory_space<semaphore_mem>>) src(%dma_wait3A_172 : memref<72x768xf32, #tpu.memory_space<vmem>>) dst(%dma_wait3A_169 : memref<72x768xf32, #tpu.memory_space<hbm>>)
      tpu.yield
    }) : () -> ()
    %dma_start3A_121 = arith.constant 0 : i32
    %dma_start3A_122 = arith.constant 0 : i32
    %dma_start3A_123 = tpu.memref_slice %arg6[%dma_start3A_121, %dma_start3A_122] : memref<72x768xf32, #tpu.memory_space<vmem>> -> memref<8x768xf32, #tpu.memory_space<vmem>>
    %dma_start3A_124 = arith.constant 576 : i32
    %dma_start3A_125 = tpu.memref_slice %arg5[%dma_start3A_124] : memref<640xi32, #tpu.memory_space<vmem>> -> memref<8xi32, #tpu.memory_space<vmem>>
    %dma_start3A_126 = arith.constant 0 : i32
    %dma_start3A_127 = arith.constant 0 : i32
    %dma_start3A_128 = tpu.memref_slice %arg2[%dma_start3A_126, %dma_start3A_127] : memref<14592x768xf32, #tpu.memory_space<hbm>> -> memref<14592x768xf32, #tpu.memory_space<hbm>>
    tpu.enqueue_indirect_dma source(%dma_start3A_128 : memref<14592x768xf32, #tpu.memory_space<hbm>>) target(%dma_start3A_123 : memref<8x768xf32, #tpu.memory_space<vmem>>) offsets(%dma_start3A_125 : memref<8xi32, #tpu.memory_space<vmem>>) semaphore(%arg8 : memref<!tpu.dma_semaphore, #tpu.memory_space<semaphore_mem>>)
    %dma_wait3A_129 = arith.constant 0 : i32
    %dma_wait3A_130 = arith.constant 0 : i32
    %dma_wait3A_131 = tpu.memref_slice %arg7[%dma_wait3A_129, %dma_wait3A_130] : memref<72x768xf32, #tpu.memory_space<vmem>> -> memref<72x768xf32, #tpu.memory_space<vmem>>
    %dma_wait3A_132 = arith.constant 504 : i32
    %dma_wait3A_133 = tpu.memref_slice %arg5[%dma_wait3A_132] : memref<640xi32, #tpu.memory_space<vmem>> -> memref<72xi32, #tpu.memory_space<vmem>>
    %dma_wait3A_134 = arith.constant 0 : i32
    %dma_wait3A_135 = arith.constant 0 : i32
    %dma_wait3A_136 = tpu.memref_slice %arg2[%dma_wait3A_134, %dma_wait3A_135] : memref<14592x768xf32, #tpu.memory_space<hbm>> -> memref<14592x768xf32, #tpu.memory_space<hbm>>
    tpu.wait_indirect_dma semaphore(%arg9 : memref<!tpu.dma_semaphore, #tpu.memory_space<semaphore_mem>>) src(%dma_wait3A_136 : memref<14592x768xf32, #tpu.memory_space<hbm>>) dst(%dma_wait3A_131 : memref<72x768xf32, #tpu.memory_space<vmem>>)
    "tpu.region"() ({
      %run_scoped3A = tpu.sem_alloc : memref<!tpu.dma_semaphore, #tpu.memory_space<semaphore_mem>>
      %dma_start3A_145 = arith.constant 0 : i32
      %dma_start3A_146 = arith.constant 0 : i32
      %dma_start3A_147 = tpu.memref_slice %arg7[%dma_start3A_145, %dma_start3A_146] : memref<72x768xf32, #tpu.memory_space<vmem>> -> memref<72x768xf32, #tpu.memory_space<vmem>>
      %dma_start3A_148 = arith.constant 504 : i32
      %dma_start3A_149 = arith.constant 0 : i32
      %dma_start3A_150 = tpu.memref_slice %arg4[%add3A, %dma_start3A_148, %dma_start3A_149] : memref<32x584x768xf32, #tpu.memory_space<hbm>> -> memref<1x72x768xf32, #tpu.memory_space<hbm>>
      %dma_start3A_151 = tpu.memref_squeeze %dma_start3A_150 : memref<1x72x768xf32, #tpu.memory_space<hbm>> -> memref<72x768xf32, #tpu.memory_space<hbm>>
      %dma_start3A_152 = arith.constant 504 : i32
      %dma_start3A_153 = arith.constant 0 : i32
      %dma_start3A_154 = tpu.memref_slice %arg4[%add3A, %dma_start3A_152, %dma_start3A_153] : memref<32x584x768xf32, #tpu.memory_space<hbm>> -> memref<1x72x768xf32, #tpu.memory_space<hbm>>
      %dma_start3A_155 = tpu.memref_squeeze %dma_start3A_154 : memref<1x72x768xf32, #tpu.memory_space<hbm>> -> memref<72x768xf32, #tpu.memory_space<hbm>>
      %dma_start3A_156 = arith.constant 0 : i32
      %dma_start3A_157 = arith.constant 0 : i32
      %dma_start3A_158 = tpu.memref_slice %arg7[%dma_start3A_156, %dma_start3A_157] : memref<72x768xf32, #tpu.memory_space<vmem>> -> memref<72x768xf32, #tpu.memory_space<vmem>>
      tpu.enqueue_dma source(%dma_start3A_158 : memref<72x768xf32, #tpu.memory_space<vmem>>) target(%dma_start3A_155 : memref<72x768xf32, #tpu.memory_space<hbm>>) target_semaphore(%run_scoped3A : memref<!tpu.dma_semaphore, #tpu.memory_space<semaphore_mem>>)
      %dma_wait3A_159 = arith.constant 0 : i32
      %dma_wait3A_160 = arith.constant 0 : i32
      %dma_wait3A_161 = tpu.memref_slice %arg7[%dma_wait3A_159, %dma_wait3A_160] : memref<72x768xf32, #tpu.memory_space<vmem>> -> memref<72x768xf32, #tpu.memory_space<vmem>>
      %dma_wait3A_162 = arith.constant 504 : i32
      %dma_wait3A_163 = arith.constant 0 : i32
      %dma_wait3A_164 = tpu.memref_slice %arg4[%add3A, %dma_wait3A_162, %dma_wait3A_163] : memref<32x584x768xf32, #tpu.memory_space<hbm>> -> memref<1x72x768xf32, #tpu.memory_space<hbm>>
      %dma_wait3A_165 = tpu.memref_squeeze %dma_wait3A_164 : memref<1x72x768xf32, #tpu.memory_space<hbm>> -> memref<72x768xf32, #tpu.memory_space<hbm>>
      %dma_wait3A_166 = arith.constant 504 : i32
      %dma_wait3A_167 = arith.constant 0 : i32
      %dma_wait3A_168 = tpu.memref_slice %arg4[%add3A, %dma_wait3A_166, %dma_wait3A_167] : memref<32x584x768xf32, #tpu.memory_space<hbm>> -> memref<1x72x768xf32, #tpu.memory_space<hbm>>
      %dma_wait3A_169 = tpu.memref_squeeze %dma_wait3A_168 : memref<1x72x768xf32, #tpu.memory_space<hbm>> -> memref<72x768xf32, #tpu.memory_space<hbm>>
      %dma_wait3A_170 = arith.constant 0 : i32
      %dma_wait3A_171 = arith.constant 0 : i32
      %dma_wait3A_172 = tpu.memref_slice %arg7[%dma_wait3A_170, %dma_wait3A_171] : memref<72x768xf32, #tpu.memory_space<vmem>> -> memref<72x768xf32, #tpu.memory_space<vmem>>
      tpu.wait_dma2 semaphore(%run_scoped3A : memref<!tpu.dma_semaphore, #tpu.memory_space<semaphore_mem>>) src(%dma_wait3A_172 : memref<72x768xf32, #tpu.memory_space<vmem>>) dst(%dma_wait3A_169 : memref<72x768xf32, #tpu.memory_space<hbm>>)
      tpu.yield
    }) : () -> ()
    %dma_wait3A_137 = arith.constant 0 : i32
    %dma_wait3A_138 = arith.constant 0 : i32
    %dma_wait3A_139 = tpu.memref_slice %arg6[%dma_wait3A_137, %dma_wait3A_138] : memref<72x768xf32, #tpu.memory_space<vmem>> -> memref<8x768xf32, #tpu.memory_space<vmem>>
    %dma_wait3A_140 = arith.constant 576 : i32
    %dma_wait3A_141 = tpu.memref_slice %arg5[%dma_wait3A_140] : memref<640xi32, #tpu.memory_space<vmem>> -> memref<8xi32, #tpu.memory_space<vmem>>
    %dma_wait3A_142 = arith.constant 0 : i32
    %dma_wait3A_143 = arith.constant 0 : i32
    %dma_wait3A_144 = tpu.memref_slice %arg2[%dma_wait3A_142, %dma_wait3A_143] : memref<14592x768xf32, #tpu.memory_space<hbm>> -> memref<14592x768xf32, #tpu.memory_space<hbm>>
    tpu.wait_indirect_dma semaphore(%arg8 : memref<!tpu.dma_semaphore, #tpu.memory_space<semaphore_mem>>) src(%dma_wait3A_144 : memref<14592x768xf32, #tpu.memory_space<hbm>>) dst(%dma_wait3A_139 : memref<8x768xf32, #tpu.memory_space<vmem>>)
    "tpu.region"() ({
      %run_scoped3A = tpu.sem_alloc : memref<!tpu.dma_semaphore, #tpu.memory_space<semaphore_mem>>
      %dma_start3A_145 = arith.constant 0 : i32
      %dma_start3A_146 = arith.constant 0 : i32
      %dma_start3A_147 = tpu.memref_slice %arg6[%dma_start3A_145, %dma_start3A_146] : memref<72x768xf32, #tpu.memory_space<vmem>> -> memref<8x768xf32, #tpu.memory_space<vmem>>
      %dma_start3A_148 = arith.constant 576 : i32
      %dma_start3A_149 = arith.constant 0 : i32
      %dma_start3A_150 = tpu.memref_slice %arg4[%add3A, %dma_start3A_148, %dma_start3A_149] : memref<32x584x768xf32, #tpu.memory_space<hbm>> -> memref<1x8x768xf32, #tpu.memory_space<hbm>>
      %dma_start3A_151 = tpu.memref_squeeze %dma_start3A_150 : memref<1x8x768xf32, #tpu.memory_space<hbm>> -> memref<8x768xf32, #tpu.memory_space<hbm>>
      %dma_start3A_152 = arith.constant 576 : i32
      %dma_start3A_153 = arith.constant 0 : i32
      %dma_start3A_154 = tpu.memref_slice %arg4[%add3A, %dma_start3A_152, %dma_start3A_153] : memref<32x584x768xf32, #tpu.memory_space<hbm>> -> memref<1x8x768xf32, #tpu.memory_space<hbm>>
      %dma_start3A_155 = tpu.memref_squeeze %dma_start3A_154 : memref<1x8x768xf32, #tpu.memory_space<hbm>> -> memref<8x768xf32, #tpu.memory_space<hbm>>
      %dma_start3A_156 = arith.constant 0 : i32
      %dma_start3A_157 = arith.constant 0 : i32
      %dma_start3A_158 = tpu.memref_slice %arg6[%dma_start3A_156, %dma_start3A_157] : memref<72x768xf32, #tpu.memory_space<vmem>> -> memref<8x768xf32, #tpu.memory_space<vmem>>
      tpu.enqueue_dma source(%dma_start3A_158 : memref<8x768xf32, #tpu.memory_space<vmem>>) target(%dma_start3A_155 : memref<8x768xf32, #tpu.memory_space<hbm>>) target_semaphore(%run_scoped3A : memref<!tpu.dma_semaphore, #tpu.memory_space<semaphore_mem>>)
      %dma_wait3A_159 = arith.constant 0 : i32
      %dma_wait3A_160 = arith.constant 0 : i32
      %dma_wait3A_161 = tpu.memref_slice %arg6[%dma_wait3A_159, %dma_wait3A_160] : memref<72x768xf32, #tpu.memory_space<vmem>> -> memref<8x768xf32, #tpu.memory_space<vmem>>
      %dma_wait3A_162 = arith.constant 576 : i32
      %dma_wait3A_163 = arith.constant 0 : i32
      %dma_wait3A_164 = tpu.memref_slice %arg4[%add3A, %dma_wait3A_162, %dma_wait3A_163] : memref<32x584x768xf32, #tpu.memory_space<hbm>> -> memref<1x8x768xf32, #tpu.memory_space<hbm>>
      %dma_wait3A_165 = tpu.memref_squeeze %dma_wait3A_164 : memref<1x8x768xf32, #tpu.memory_space<hbm>> -> memref<8x768xf32, #tpu.memory_space<hbm>>
      %dma_wait3A_166 = arith.constant 576 : i32
      %dma_wait3A_167 = arith.constant 0 : i32
      %dma_wait3A_168 = tpu.memref_slice %arg4[%add3A, %dma_wait3A_166, %dma_wait3A_167] : memref<32x584x768xf32, #tpu.memory_space<hbm>> -> memref<1x8x768xf32, #tpu.memory_space<hbm>>
      %dma_wait3A_169 = tpu.memref_squeeze %dma_wait3A_168 : memref<1x8x768xf32, #tpu.memory_space<hbm>> -> memref<8x768xf32, #tpu.memory_space<hbm>>
      %dma_wait3A_170 = arith.constant 0 : i32
      %dma_wait3A_171 = arith.constant 0 : i32
      %dma_wait3A_172 = tpu.memref_slice %arg6[%dma_wait3A_170, %dma_wait3A_171] : memref<72x768xf32, #tpu.memory_space<vmem>> -> memref<8x768xf32, #tpu.memory_space<vmem>>
      tpu.wait_dma2 semaphore(%run_scoped3A : memref<!tpu.dma_semaphore, #tpu.memory_space<semaphore_mem>>) src(%dma_wait3A_172 : memref<8x768xf32, #tpu.memory_space<vmem>>) dst(%dma_wait3A_169 : memref<8x768xf32, #tpu.memory_space<hbm>>)
      tpu.yield
    }) : () -> ()
    return
  }
}

module attributes {stable_mosaic.version = 14 : i64} {
  func.func @_fused_body(%arg0: i32, %arg1: memref<1x577x768xf32, #tpu.memory_space<vmem>>, %arg2: memref<768x2304xf32, #tpu.memory_space<vmem>>, %arg3: memref<1x2304xf32, #tpu.memory_space<vmem>>, %arg4: memref<768x128xf32, #tpu.memory_space<vmem>>, %arg5: memref<768x768xf32, #tpu.memory_space<vmem>>, %arg6: memref<1x768xf32, #tpu.memory_space<vmem>>, %arg7: memref<1x456x768xf32, #tpu.memory_space<vmem>>, %arg8: memref<1x1x640xi32, #tpu.memory_space<vmem>>) attributes {dimension_semantics = [#tpu.dimension_semantics<arbitrary>], iteration_bounds = array<i64: 32>, scalar_prefetch = 0 : i64, scratch_operands = 0 : i64, tpu.core_type = #tpu.core_type<tc>, window_params = [{transform_indices = @transform_0, window_bounds = array<i64: 1, 577, 768>}, {pipeline_mode = #tpu.pipeline_mode<synchronous>, transform_indices = @transform_1, window_bounds = array<i64: 768, 2304>}, {pipeline_mode = #tpu.pipeline_mode<synchronous>, transform_indices = @transform_2, window_bounds = array<i64: 1, 2304>}, {pipeline_mode = #tpu.pipeline_mode<synchronous>, transform_indices = @transform_3, window_bounds = array<i64: 768, 128>}, {pipeline_mode = #tpu.pipeline_mode<synchronous>, transform_indices = @transform_4, window_bounds = array<i64: 768, 768>}, {pipeline_mode = #tpu.pipeline_mode<synchronous>, transform_indices = @transform_5, window_bounds = array<i64: 1, 768>}, {transform_indices = @transform_6, window_bounds = array<i64: 1, 456, 768>}, {transform_indices = @transform_7, window_bounds = array<i64: 1, 1, 640>}]} {
    %get3A = arith.constant 0 : index
    %get3A_0 = arith.constant 0 : index
    %get3A_1 = arith.constant 0 : index
    %get3A_2 = vector.load %arg1[%get3A, %get3A_0, %get3A_1] : memref<1x577x768xf32, #tpu.memory_space<vmem>>, vector<1x577x768xf32>
    %get3A_3 = vector.shape_cast %get3A_2 : vector<1x577x768xf32> to vector<577x768xf32>
    %get3A_4 = arith.constant 0 : index
    %get3A_5 = arith.constant 0 : index
    %get3A_6 = vector.load %arg2[%get3A_4, %get3A_5] : memref<768x2304xf32, #tpu.memory_space<vmem>>, vector<768x2304xf32>
    %dot_general3A = arith.constant dense<0.000000e+00> : vector<577x2304xf32>
    %dot_general3A_7 = tpu.matmul %get3A_3, %get3A_6, %dot_general3A {dimension_numbers = #tpu.dot_dimension_numbers<[1], [0], [0], [1], [0, 0, 1, 1], [], []>, transpose_lhs_hint = false} : vector<577x768xf32>, vector<768x2304xf32>, vector<577x2304xf32> -> vector<577x2304xf32>
    %get3A_8 = arith.constant 0 : index
    %get3A_9 = arith.constant 0 : index
    %get3A_10 = vector.load %arg3[%get3A_8, %get3A_9] : memref<1x2304xf32, #tpu.memory_space<vmem>>, vector<1x2304xf32>
    %add3A = vector.broadcast %get3A_10 : vector<1x2304xf32> to vector<577x2304xf32>
    %add3A_11 = arith.addf %dot_general3A_7, %add3A : vector<577x2304xf32>
    %slice3A = vector.extract_strided_slice %add3A_11 {offsets = [0, 768], sizes = [577, 768], strides = [1, 1]} : vector<577x2304xf32> to vector<577x768xf32>
    %mul3A = arith.mulf %slice3A, %slice3A : vector<577x768xf32>
    %get3A_12 = arith.constant 0 : index
    %get3A_13 = arith.constant 0 : index
    %get3A_14 = vector.load %arg4[%get3A_12, %get3A_13] : memref<768x128xf32, #tpu.memory_space<vmem>>, vector<768x128xf32>
    %dot_general3A_15 = arith.constant dense<0.000000e+00> : vector<577x128xf32>
    %dot_general3A_16 = tpu.matmul %mul3A, %get3A_14, %dot_general3A_15 {dimension_numbers = #tpu.dot_dimension_numbers<[1], [0], [0], [1], [0, 0, 1, 1], [], []>, precision = #tpu.contract_precision<fp32>, transpose_lhs_hint = false} : vector<577x768xf32>, vector<768x128xf32>, vector<577x128xf32> -> vector<577x128xf32>
    %sqrt3A = math.sqrt %dot_general3A_16 : vector<577x128xf32>
    %mul3A_17 = arith.mulf %sqrt3A, %sqrt3A : vector<577x128xf32>
    %reduce_sum3A = arith.constant dense<0.000000e+00> : vector<577xf32>
    %reduce_sum3A_18 = vector.multi_reduction <add>, %mul3A_17, %reduce_sum3A [1] : vector<577x128xf32> to vector<577xf32>
    %broadcast_in_dim3A = vector.shape_cast %reduce_sum3A_18 : vector<577xf32> to vector<577x1xf32>
    %sqrt3A_19 = math.sqrt %broadcast_in_dim3A : vector<577x1xf32>
    %jit3A = arith.constant 9.99999996E-13 : f32
    %max3A = vector.broadcast %jit3A : f32 to vector<577x1xf32>
    %max3A_20 = arith.maximumf %max3A, %sqrt3A_19 : vector<577x1xf32>
    %div3A = vector.broadcast %max3A_20 : vector<577x1xf32> to vector<577x128xf32>
    %div3A_21 = arith.divf %sqrt3A, %div3A : vector<577x128xf32>
    %reduce_sum3A_22 = arith.constant dense<0.000000e+00> : vector<128xf32>
    %reduce_sum3A_23 = vector.multi_reduction <add>, %div3A_21, %reduce_sum3A_22 [0] : vector<577x128xf32> to vector<128xf32>
    %broadcast_in_dim3A_24 = vector.shape_cast %reduce_sum3A_23 : vector<128xf32> to vector<1x128xf32>
    %div3A_25 = arith.constant 5.770000e+02 : f32
    %div3A_26 = vector.broadcast %div3A_25 : f32 to vector<1x128xf32>
    %div3A_27 = arith.divf %broadcast_in_dim3A_24, %div3A_26 : vector<1x128xf32>
    %mul3A_28 = vector.broadcast %div3A_27 : vector<1x128xf32> to vector<577x128xf32>
    %mul3A_29 = arith.mulf %div3A_21, %mul3A_28 : vector<577x128xf32>
    %reduce_sum3A_30 = arith.constant dense<0.000000e+00> : vector<577xf32>
    %reduce_sum3A_31 = vector.multi_reduction <add>, %mul3A_29, %reduce_sum3A_30 [1] : vector<577x128xf32> to vector<577xf32>
    %broadcast_in_dim3A_32 = vector.shape_cast %reduce_sum3A_31 : vector<577xf32> to vector<577x1xf32>
    %iota3A = tpu.iota {dimensions = array<i32: 0>} : vector<577x1xi32>
    %eq3A = arith.constant 0 : i32
    %eq3A_33 = vector.broadcast %eq3A : i32 to vector<577x1xi32>
    %eq3A_34 = arith.cmpi eq, %iota3A, %eq3A_33 : vector<577x1xi32>
    %jit3A_35 = arith.constant 0xFF800000 : f32
    %broadcast_in_dim3A_36 = vector.broadcast %jit3A_35 : f32 to vector<577x1xf32>
    %select_n3A = arith.select %eq3A_34, %broadcast_in_dim3A_36, %broadcast_in_dim3A_32 : vector<577x1xi1>, vector<577x1xf32>
    %transpose3A = tpu.transpose %select_n3A, [1, 0] : vector<577x1xf32> -> vector<1x577xf32>
    %iota3A_37 = tpu.iota {dimensions = array<i32: 0>} : vector<577x577xi32>
    %iota3A_38 = tpu.iota {dimensions = array<i32: 1>} : vector<577x577xi32>
    %lt3A = vector.broadcast %select_n3A : vector<577x1xf32> to vector<577x577xf32>
    %lt3A_39 = vector.broadcast %transpose3A : vector<1x577xf32> to vector<577x577xf32>
    %lt3A_40 = arith.cmpf olt, %lt3A, %lt3A_39 : vector<577x577xf32>
    %convert_element_type3A = arith.extui %lt3A_40 : vector<577x577xi1> to vector<577x577xi32>
    %convert_element_type3A_41 = arith.sitofp %convert_element_type3A : vector<577x577xi32> to vector<577x577xf32>
    %eq3A_42 = vector.broadcast %select_n3A : vector<577x1xf32> to vector<577x577xf32>
    %eq3A_43 = vector.broadcast %transpose3A : vector<1x577xf32> to vector<577x577xf32>
    %eq3A_44 = arith.cmpf oeq, %eq3A_42, %eq3A_43 : vector<577x577xf32>
    %lt3A_45 = arith.cmpi slt, %iota3A_37, %iota3A_38 : vector<577x577xi32>
    %and3A = arith.andi %eq3A_44, %lt3A_45 : vector<577x577xi1>
    %convert_element_type3A_46 = arith.extui %and3A : vector<577x577xi1> to vector<577x577xi32>
    %convert_element_type3A_47 = arith.sitofp %convert_element_type3A_46 : vector<577x577xi32> to vector<577x577xf32>
    %add3A_48 = arith.addf %convert_element_type3A_41, %convert_element_type3A_47 : vector<577x577xf32>
    %reduce_sum3A_49 = arith.constant dense<0.000000e+00> : vector<577xf32>
    %reduce_sum3A_50 = vector.multi_reduction <add>, %add3A_48, %reduce_sum3A_49 [0] : vector<577x577xf32> to vector<577xf32>
    %broadcast_in_dim3A_51 = vector.shape_cast %reduce_sum3A_50 : vector<577xf32> to vector<1x577xf32>
    %lt3A_52 = arith.constant 4.490000e+02 : f32
    %lt3A_53 = vector.broadcast %lt3A_52 : f32 to vector<1x577xf32>
    %lt3A_54 = arith.cmpf olt, %broadcast_in_dim3A_51, %lt3A_53 : vector<1x577xf32>
    %le3A = arith.cmpi sle, %iota3A_37, %iota3A_38 : vector<577x577xi32>
    %convert_element_type3A_55 = arith.extui %le3A : vector<577x577xi1> to vector<577x577xi32>
    %convert_element_type3A_56 = arith.sitofp %convert_element_type3A_55 : vector<577x577xi32> to vector<577x577xf32>
    %convert_element_type3A_57 = arith.extui %lt3A_54 : vector<1x577xi1> to vector<1x577xi32>
    %convert_element_type3A_58 = arith.sitofp %convert_element_type3A_57 : vector<1x577xi32> to vector<1x577xf32>
    %dot_general3A_59 = arith.constant dense<0.000000e+00> : vector<1x577xf32>
    %dot_general3A_60 = tpu.matmul %convert_element_type3A_58, %convert_element_type3A_56, %dot_general3A_59 {dimension_numbers = #tpu.dot_dimension_numbers<[1], [0], [0], [1], [0, 0, 1, 1], [], []>, transpose_lhs_hint = false} : vector<1x577xf32>, vector<577x577xf32>, vector<1x577xf32> -> vector<1x577xf32>
    %sub3A = arith.constant 1.000000e+00 : f32
    %sub3A_61 = vector.broadcast %sub3A : f32 to vector<1x577xf32>
    %sub3A_62 = arith.subf %dot_general3A_60, %sub3A_61 : vector<1x577xf32>
    %dot_general3A_63 = arith.constant dense<0.000000e+00> : vector<577x577xf32>
    %dot_general3A_64 = tpu.matmul %div3A_21, %div3A_21, %dot_general3A_63 {dimension_numbers = #tpu.dot_dimension_numbers<[1], [1], [0], [0], [0, 0, 1, 0], [], []>, transpose_lhs_hint = false} : vector<577x128xf32>, vector<577x128xf32>, vector<577x577xf32> -> vector<577x577xf32>
    %jit3A_65 = arith.constant 0xFF800000 : f32
    %broadcast_in_dim3A_66 = vector.shape_cast %lt3A_54 : vector<1x577xi1> to vector<1x577xi1>
    %broadcast_in_dim3A_67 = vector.broadcast %broadcast_in_dim3A_66 : vector<1x577xi1> to vector<577x577xi1>
    %broadcast_in_dim3A_68 = vector.broadcast %jit3A_65 : f32 to vector<577x577xf32>
    %select_n3A_69 = arith.select %broadcast_in_dim3A_67, %dot_general3A_64, %broadcast_in_dim3A_68 : vector<577x577xi1>, vector<577x577xf32>
    %reduce_max3A = arith.constant dense<0xFF800000> : vector<577xf32>
    %reduce_max3A_70 = vector.multi_reduction <maximumf>, %select_n3A_69, %reduce_max3A [1] : vector<577x577xf32> to vector<577xf32>
    %broadcast_in_dim3A_71 = vector.shape_cast %reduce_max3A_70 : vector<577xf32> to vector<577x1xf32>
    %eq3A_72 = vector.broadcast %broadcast_in_dim3A_71 : vector<577x1xf32> to vector<577x577xf32>
    %eq3A_73 = arith.cmpf oeq, %select_n3A_69, %eq3A_72 : vector<577x577xf32>
    %jit3A_74 = arith.constant 1.000000e+09 : f32
    %broadcast_in_dim3A_75 = vector.shape_cast %sub3A_62 : vector<1x577xf32> to vector<1x577xf32>
    %broadcast_in_dim3A_76 = vector.broadcast %broadcast_in_dim3A_75 : vector<1x577xf32> to vector<577x577xf32>
    %broadcast_in_dim3A_77 = vector.broadcast %jit3A_74 : f32 to vector<577x577xf32>
    %select_n3A_78 = arith.select %eq3A_73, %broadcast_in_dim3A_76, %broadcast_in_dim3A_77 : vector<577x577xi1>, vector<577x577xf32>
    %reduce_min3A = arith.constant dense<0x7F800000> : vector<577xf32>
    %reduce_min3A_79 = vector.multi_reduction <minimumf>, %select_n3A_78, %reduce_min3A [1] : vector<577x577xf32> to vector<577xf32>
    %broadcast_in_dim3A_80 = vector.shape_cast %reduce_min3A_79 : vector<577xf32> to vector<577x1xf32>
    %transpose3A_81 = tpu.transpose %broadcast_in_dim3A_80, [1, 0] : vector<577x1xf32> -> vector<1x577xf32>
    %convert_element_type3A_82 = arith.fptosi %transpose3A_81 : vector<1x577xf32> to vector<1x577xi32>
    %broadcast_in_dim3A_83 = arith.constant 0 : i32
    %broadcast_in_dim3A_84 = vector.broadcast %broadcast_in_dim3A_83 : i32 to vector<1x63xi32>
    %mul3A_85 = arith.constant 456 : i32
    %mul3A_86 = arith.muli %arg0, %mul3A_85 : i32
    %add3A_87 = vector.broadcast %mul3A_86 : i32 to vector<1x577xi32>
    %add3A_88 = arith.addi %convert_element_type3A_82, %add3A_87 : vector<1x577xi32>
    %concatenate3A = tpu.concatenate %add3A_88, %broadcast_in_dim3A_84 in 1 : vector<1x577xi32>, vector<1x63xi32> -> vector<1x640xi32>
    %swap3A = arith.constant 0 : index
    %swap3A_89 = arith.constant 0 : index
    %swap3A_90 = arith.constant 0 : index
    %swap3A_91 = vector.load %arg8[%swap3A, %swap3A_89, %swap3A_90] : memref<1x1x640xi32, #tpu.memory_space<vmem>>, vector<1x1x640xi32>
    %swap3A_92 = vector.shape_cast %swap3A_91 : vector<1x1x640xi32> to vector<1x640xi32>
    %swap3A_93 = vector.shape_cast %concatenate3A : vector<1x640xi32> to vector<1x1x640xi32>
    tpu.vector_store %arg8[%swap3A, %swap3A_89, %swap3A_90], %swap3A_93 {strides = array<i32>} : memref<1x1x640xi32, #tpu.memory_space<vmem>>, vector<1x1x640xi32>,
    %iota3A_94 = tpu.iota {dimensions = array<i32: 0>} : vector<449x577xi32>
    %eq3A_95 = vector.broadcast %convert_element_type3A_82 : vector<1x577xi32> to vector<449x577xi32>
    %eq3A_96 = arith.cmpi eq, %iota3A_94, %eq3A_95 : vector<449x577xi32>
    %convert_element_type3A_97 = arith.extui %eq3A_96 : vector<449x577xi1> to vector<449x577xi32>
    %convert_element_type3A_98 = arith.sitofp %convert_element_type3A_97 : vector<449x577xi32> to vector<449x577xf32>
    %dot_general3A_99 = arith.constant dense<0.000000e+00> : vector<449x2304xf32>
    %dot_general3A_100 = tpu.matmul %convert_element_type3A_98, %add3A_11, %dot_general3A_99 {dimension_numbers = #tpu.dot_dimension_numbers<[1], [0], [0], [1], [0, 0, 1, 1], [], []>, precision = #tpu.contract_precision<fp32>, transpose_lhs_hint = false} : vector<449x577xf32>, vector<577x2304xf32>, vector<449x2304xf32> -> vector<449x2304xf32>
    %reduce_sum3A_101 = arith.constant dense<0.000000e+00> : vector<449xf32>
    %reduce_sum3A_102 = vector.multi_reduction <add>, %convert_element_type3A_98, %reduce_sum3A_101 [1] : vector<449x577xf32> to vector<449xf32>
    %broadcast_in_dim3A_103 = vector.shape_cast %reduce_sum3A_102 : vector<449xf32> to vector<449x1xf32>
    %jit3A_104 = arith.constant 9.99999996E-13 : f32
    %max3A_105 = vector.broadcast %jit3A_104 : f32 to vector<449x1xf32>
    %max3A_106 = arith.maximumf %max3A_105, %broadcast_in_dim3A_103 : vector<449x1xf32>
    %slice3A_107 = vector.extract_strided_slice %dot_general3A_100 {offsets = [0, 0], sizes = [449, 64], strides = [1, 1]} : vector<449x2304xf32> to vector<449x64xf32>
    %div3A_108 = vector.broadcast %max3A_106 : vector<449x1xf32> to vector<449x64xf32>
    %div3A_109 = arith.divf %slice3A_107, %div3A_108 : vector<449x64xf32>
    %mul3A_110 = arith.constant 1.250000e-01 : f32
    %mul3A_111 = vector.broadcast %mul3A_110 : f32 to vector<449x64xf32>
    %mul3A_112 = arith.mulf %div3A_109, %mul3A_111 : vector<449x64xf32>
    %slice3A_113 = vector.extract_strided_slice %dot_general3A_100 {offsets = [0, 768], sizes = [449, 64], strides = [1, 1]} : vector<449x2304xf32> to vector<449x64xf32>
    %div3A_114 = vector.broadcast %max3A_106 : vector<449x1xf32> to vector<449x64xf32>
    %div3A_115 = arith.divf %slice3A_113, %div3A_114 : vector<449x64xf32>
    %slice3A_116 = vector.extract_strided_slice %dot_general3A_100 {offsets = [0, 1536], sizes = [449, 64], strides = [1, 1]} : vector<449x2304xf32> to vector<449x64xf32>
    %div3A_117 = vector.broadcast %max3A_106 : vector<449x1xf32> to vector<449x64xf32>
    %div3A_118 = arith.divf %slice3A_116, %div3A_117 : vector<449x64xf32>
    %dot_general3A_119 = arith.constant dense<0.000000e+00> : vector<449x449xf32>
    %dot_general3A_120 = tpu.matmul %mul3A_112, %div3A_115, %dot_general3A_119 {dimension_numbers = #tpu.dot_dimension_numbers<[1], [1], [0], [0], [0, 0, 1, 0], [], []>, transpose_lhs_hint = false} : vector<449x64xf32>, vector<449x64xf32>, vector<449x449xf32> -> vector<449x449xf32>
    %reduce_max3A_121 = arith.constant dense<0xFF800000> : vector<449xf32>
    %reduce_max3A_122 = vector.multi_reduction <maximumf>, %dot_general3A_120, %reduce_max3A_121 [1] : vector<449x449xf32> to vector<449xf32>
    %broadcast_in_dim3A_123 = vector.shape_cast %reduce_max3A_122 : vector<449xf32> to vector<449x1xf32>
    %sub3A_124 = vector.broadcast %broadcast_in_dim3A_123 : vector<449x1xf32> to vector<449x449xf32>
    %sub3A_125 = arith.subf %dot_general3A_120, %sub3A_124 : vector<449x449xf32>
    %exp3A = math.exp %sub3A_125 : vector<449x449xf32>
    %reduce_sum3A_126 = arith.constant dense<0.000000e+00> : vector<449xf32>
    %reduce_sum3A_127 = vector.multi_reduction <add>, %exp3A, %reduce_sum3A_126 [1] : vector<449x449xf32> to vector<449xf32>
    %broadcast_in_dim3A_128 = vector.shape_cast %reduce_sum3A_127 : vector<449xf32> to vector<449x1xf32>
    %div3A_129 = vector.broadcast %broadcast_in_dim3A_128 : vector<449x1xf32> to vector<449x449xf32>
    %div3A_130 = arith.divf %exp3A, %div3A_129 : vector<449x449xf32>
    %dot_general3A_131 = arith.constant dense<0.000000e+00> : vector<449x64xf32>
    %dot_general3A_132 = tpu.matmul %div3A_130, %div3A_118, %dot_general3A_131 {dimension_numbers = #tpu.dot_dimension_numbers<[1], [0], [0], [1], [0, 0, 1, 1], [], []>, transpose_lhs_hint = false} : vector<449x449xf32>, vector<449x64xf32>, vector<449x64xf32> -> vector<449x64xf32>
    %slice3A_133 = vector.extract_strided_slice %dot_general3A_100 {offsets = [0, 64], sizes = [449, 64], strides = [1, 1]} : vector<449x2304xf32> to vector<449x64xf32>
    %div3A_134 = vector.broadcast %max3A_106 : vector<449x1xf32> to vector<449x64xf32>
    %div3A_135 = arith.divf %slice3A_133, %div3A_134 : vector<449x64xf32>
    %mul3A_136 = arith.constant 1.250000e-01 : f32
    %mul3A_137 = vector.broadcast %mul3A_136 : f32 to vector<449x64xf32>
    %mul3A_138 = arith.mulf %div3A_135, %mul3A_137 : vector<449x64xf32>
    %slice3A_139 = vector.extract_strided_slice %dot_general3A_100 {offsets = [0, 832], sizes = [449, 64], strides = [1, 1]} : vector<449x2304xf32> to vector<449x64xf32>
    %div3A_140 = vector.broadcast %max3A_106 : vector<449x1xf32> to vector<449x64xf32>
    %div3A_141 = arith.divf %slice3A_139, %div3A_140 : vector<449x64xf32>
    %slice3A_142 = vector.extract_strided_slice %dot_general3A_100 {offsets = [0, 1600], sizes = [449, 64], strides = [1, 1]} : vector<449x2304xf32> to vector<449x64xf32>
    %div3A_143 = vector.broadcast %max3A_106 : vector<449x1xf32> to vector<449x64xf32>
    %div3A_144 = arith.divf %slice3A_142, %div3A_143 : vector<449x64xf32>
    %dot_general3A_145 = arith.constant dense<0.000000e+00> : vector<449x449xf32>
    %dot_general3A_146 = tpu.matmul %mul3A_138, %div3A_141, %dot_general3A_145 {dimension_numbers = #tpu.dot_dimension_numbers<[1], [1], [0], [0], [0, 0, 1, 0], [], []>, transpose_lhs_hint = false} : vector<449x64xf32>, vector<449x64xf32>, vector<449x449xf32> -> vector<449x449xf32>
    %reduce_max3A_147 = arith.constant dense<0xFF800000> : vector<449xf32>
    %reduce_max3A_148 = vector.multi_reduction <maximumf>, %dot_general3A_146, %reduce_max3A_147 [1] : vector<449x449xf32> to vector<449xf32>
    %broadcast_in_dim3A_149 = vector.shape_cast %reduce_max3A_148 : vector<449xf32> to vector<449x1xf32>
    %sub3A_150 = vector.broadcast %broadcast_in_dim3A_149 : vector<449x1xf32> to vector<449x449xf32>
    %sub3A_151 = arith.subf %dot_general3A_146, %sub3A_150 : vector<449x449xf32>
    %exp3A_152 = math.exp %sub3A_151 : vector<449x449xf32>
    %reduce_sum3A_153 = arith.constant dense<0.000000e+00> : vector<449xf32>
    %reduce_sum3A_154 = vector.multi_reduction <add>, %exp3A_152, %reduce_sum3A_153 [1] : vector<449x449xf32> to vector<449xf32>
    %broadcast_in_dim3A_155 = vector.shape_cast %reduce_sum3A_154 : vector<449xf32> to vector<449x1xf32>
    %div3A_156 = vector.broadcast %broadcast_in_dim3A_155 : vector<449x1xf32> to vector<449x449xf32>
    %div3A_157 = arith.divf %exp3A_152, %div3A_156 : vector<449x449xf32>
    %dot_general3A_158 = arith.constant dense<0.000000e+00> : vector<449x64xf32>
    %dot_general3A_159 = tpu.matmul %div3A_157, %div3A_144, %dot_general3A_158 {dimension_numbers = #tpu.dot_dimension_numbers<[1], [0], [0], [1], [0, 0, 1, 1], [], []>, transpose_lhs_hint = false} : vector<449x449xf32>, vector<449x64xf32>, vector<449x64xf32> -> vector<449x64xf32>
    %slice3A_160 = vector.extract_strided_slice %dot_general3A_100 {offsets = [0, 128], sizes = [449, 64], strides = [1, 1]} : vector<449x2304xf32> to vector<449x64xf32>
    %div3A_161 = vector.broadcast %max3A_106 : vector<449x1xf32> to vector<449x64xf32>
    %div3A_162 = arith.divf %slice3A_160, %div3A_161 : vector<449x64xf32>
    %mul3A_163 = arith.constant 1.250000e-01 : f32
    %mul3A_164 = vector.broadcast %mul3A_163 : f32 to vector<449x64xf32>
    %mul3A_165 = arith.mulf %div3A_162, %mul3A_164 : vector<449x64xf32>
    %slice3A_166 = vector.extract_strided_slice %dot_general3A_100 {offsets = [0, 896], sizes = [449, 64], strides = [1, 1]} : vector<449x2304xf32> to vector<449x64xf32>
    %div3A_167 = vector.broadcast %max3A_106 : vector<449x1xf32> to vector<449x64xf32>
    %div3A_168 = arith.divf %slice3A_166, %div3A_167 : vector<449x64xf32>
    %slice3A_169 = vector.extract_strided_slice %dot_general3A_100 {offsets = [0, 1664], sizes = [449, 64], strides = [1, 1]} : vector<449x2304xf32> to vector<449x64xf32>
    %div3A_170 = vector.broadcast %max3A_106 : vector<449x1xf32> to vector<449x64xf32>
    %div3A_171 = arith.divf %slice3A_169, %div3A_170 : vector<449x64xf32>
    %dot_general3A_172 = arith.constant dense<0.000000e+00> : vector<449x449xf32>
    %dot_general3A_173 = tpu.matmul %mul3A_165, %div3A_168, %dot_general3A_172 {dimension_numbers = #tpu.dot_dimension_numbers<[1], [1], [0], [0], [0, 0, 1, 0], [], []>, transpose_lhs_hint = false} : vector<449x64xf32>, vector<449x64xf32>, vector<449x449xf32> -> vector<449x449xf32>
    %reduce_max3A_174 = arith.constant dense<0xFF800000> : vector<449xf32>
    %reduce_max3A_175 = vector.multi_reduction <maximumf>, %dot_general3A_173, %reduce_max3A_174 [1] : vector<449x449xf32> to vector<449xf32>
    %broadcast_in_dim3A_176 = vector.shape_cast %reduce_max3A_175 : vector<449xf32> to vector<449x1xf32>
    %sub3A_177 = vector.broadcast %broadcast_in_dim3A_176 : vector<449x1xf32> to vector<449x449xf32>
    %sub3A_178 = arith.subf %dot_general3A_173, %sub3A_177 : vector<449x449xf32>
    %exp3A_179 = math.exp %sub3A_178 : vector<449x449xf32>
    %reduce_sum3A_180 = arith.constant dense<0.000000e+00> : vector<449xf32>
    %reduce_sum3A_181 = vector.multi_reduction <add>, %exp3A_179, %reduce_sum3A_180 [1] : vector<449x449xf32> to vector<449xf32>
    %broadcast_in_dim3A_182 = vector.shape_cast %reduce_sum3A_181 : vector<449xf32> to vector<449x1xf32>
    %div3A_183 = vector.broadcast %broadcast_in_dim3A_182 : vector<449x1xf32> to vector<449x449xf32>
    %div3A_184 = arith.divf %exp3A_179, %div3A_183 : vector<449x449xf32>
    %dot_general3A_185 = arith.constant dense<0.000000e+00> : vector<449x64xf32>
    %dot_general3A_186 = tpu.matmul %div3A_184, %div3A_171, %dot_general3A_185 {dimension_numbers = #tpu.dot_dimension_numbers<[1], [0], [0], [1], [0, 0, 1, 1], [], []>, transpose_lhs_hint = false} : vector<449x449xf32>, vector<449x64xf32>, vector<449x64xf32> -> vector<449x64xf32>
    %slice3A_187 = vector.extract_strided_slice %dot_general3A_100 {offsets = [0, 192], sizes = [449, 64], strides = [1, 1]} : vector<449x2304xf32> to vector<449x64xf32>
    %div3A_188 = vector.broadcast %max3A_106 : vector<449x1xf32> to vector<449x64xf32>
    %div3A_189 = arith.divf %slice3A_187, %div3A_188 : vector<449x64xf32>
    %mul3A_190 = arith.constant 1.250000e-01 : f32
    %mul3A_191 = vector.broadcast %mul3A_190 : f32 to vector<449x64xf32>
    %mul3A_192 = arith.mulf %div3A_189, %mul3A_191 : vector<449x64xf32>
    %slice3A_193 = vector.extract_strided_slice %dot_general3A_100 {offsets = [0, 960], sizes = [449, 64], strides = [1, 1]} : vector<449x2304xf32> to vector<449x64xf32>
    %div3A_194 = vector.broadcast %max3A_106 : vector<449x1xf32> to vector<449x64xf32>
    %div3A_195 = arith.divf %slice3A_193, %div3A_194 : vector<449x64xf32>
    %slice3A_196 = vector.extract_strided_slice %dot_general3A_100 {offsets = [0, 1728], sizes = [449, 64], strides = [1, 1]} : vector<449x2304xf32> to vector<449x64xf32>
    %div3A_197 = vector.broadcast %max3A_106 : vector<449x1xf32> to vector<449x64xf32>
    %div3A_198 = arith.divf %slice3A_196, %div3A_197 : vector<449x64xf32>
    %dot_general3A_199 = arith.constant dense<0.000000e+00> : vector<449x449xf32>
    %dot_general3A_200 = tpu.matmul %mul3A_192, %div3A_195, %dot_general3A_199 {dimension_numbers = #tpu.dot_dimension_numbers<[1], [1], [0], [0], [0, 0, 1, 0], [], []>, transpose_lhs_hint = false} : vector<449x64xf32>, vector<449x64xf32>, vector<449x449xf32> -> vector<449x449xf32>
    %reduce_max3A_201 = arith.constant dense<0xFF800000> : vector<449xf32>
    %reduce_max3A_202 = vector.multi_reduction <maximumf>, %dot_general3A_200, %reduce_max3A_201 [1] : vector<449x449xf32> to vector<449xf32>
    %broadcast_in_dim3A_203 = vector.shape_cast %reduce_max3A_202 : vector<449xf32> to vector<449x1xf32>
    %sub3A_204 = vector.broadcast %broadcast_in_dim3A_203 : vector<449x1xf32> to vector<449x449xf32>
    %sub3A_205 = arith.subf %dot_general3A_200, %sub3A_204 : vector<449x449xf32>
    %exp3A_206 = math.exp %sub3A_205 : vector<449x449xf32>
    %reduce_sum3A_207 = arith.constant dense<0.000000e+00> : vector<449xf32>
    %reduce_sum3A_208 = vector.multi_reduction <add>, %exp3A_206, %reduce_sum3A_207 [1] : vector<449x449xf32> to vector<449xf32>
    %broadcast_in_dim3A_209 = vector.shape_cast %reduce_sum3A_208 : vector<449xf32> to vector<449x1xf32>
    %div3A_210 = vector.broadcast %broadcast_in_dim3A_209 : vector<449x1xf32> to vector<449x449xf32>
    %div3A_211 = arith.divf %exp3A_206, %div3A_210 : vector<449x449xf32>
    %dot_general3A_212 = arith.constant dense<0.000000e+00> : vector<449x64xf32>
    %dot_general3A_213 = tpu.matmul %div3A_211, %div3A_198, %dot_general3A_212 {dimension_numbers = #tpu.dot_dimension_numbers<[1], [0], [0], [1], [0, 0, 1, 1], [], []>, transpose_lhs_hint = false} : vector<449x449xf32>, vector<449x64xf32>, vector<449x64xf32> -> vector<449x64xf32>
    %slice3A_214 = vector.extract_strided_slice %dot_general3A_100 {offsets = [0, 256], sizes = [449, 64], strides = [1, 1]} : vector<449x2304xf32> to vector<449x64xf32>
    %div3A_215 = vector.broadcast %max3A_106 : vector<449x1xf32> to vector<449x64xf32>
    %div3A_216 = arith.divf %slice3A_214, %div3A_215 : vector<449x64xf32>
    %mul3A_217 = arith.constant 1.250000e-01 : f32
    %mul3A_218 = vector.broadcast %mul3A_217 : f32 to vector<449x64xf32>
    %mul3A_219 = arith.mulf %div3A_216, %mul3A_218 : vector<449x64xf32>
    %slice3A_220 = vector.extract_strided_slice %dot_general3A_100 {offsets = [0, 1024], sizes = [449, 64], strides = [1, 1]} : vector<449x2304xf32> to vector<449x64xf32>
    %div3A_221 = vector.broadcast %max3A_106 : vector<449x1xf32> to vector<449x64xf32>
    %div3A_222 = arith.divf %slice3A_220, %div3A_221 : vector<449x64xf32>
    %slice3A_223 = vector.extract_strided_slice %dot_general3A_100 {offsets = [0, 1792], sizes = [449, 64], strides = [1, 1]} : vector<449x2304xf32> to vector<449x64xf32>
    %div3A_224 = vector.broadcast %max3A_106 : vector<449x1xf32> to vector<449x64xf32>
    %div3A_225 = arith.divf %slice3A_223, %div3A_224 : vector<449x64xf32>
    %dot_general3A_226 = arith.constant dense<0.000000e+00> : vector<449x449xf32>
    %dot_general3A_227 = tpu.matmul %mul3A_219, %div3A_222, %dot_general3A_226 {dimension_numbers = #tpu.dot_dimension_numbers<[1], [1], [0], [0], [0, 0, 1, 0], [], []>, transpose_lhs_hint = false} : vector<449x64xf32>, vector<449x64xf32>, vector<449x449xf32> -> vector<449x449xf32>
    %reduce_max3A_228 = arith.constant dense<0xFF800000> : vector<449xf32>
    %reduce_max3A_229 = vector.multi_reduction <maximumf>, %dot_general3A_227, %reduce_max3A_228 [1] : vector<449x449xf32> to vector<449xf32>
    %broadcast_in_dim3A_230 = vector.shape_cast %reduce_max3A_229 : vector<449xf32> to vector<449x1xf32>
    %sub3A_231 = vector.broadcast %broadcast_in_dim3A_230 : vector<449x1xf32> to vector<449x449xf32>
    %sub3A_232 = arith.subf %dot_general3A_227, %sub3A_231 : vector<449x449xf32>
    %exp3A_233 = math.exp %sub3A_232 : vector<449x449xf32>
    %reduce_sum3A_234 = arith.constant dense<0.000000e+00> : vector<449xf32>
    %reduce_sum3A_235 = vector.multi_reduction <add>, %exp3A_233, %reduce_sum3A_234 [1] : vector<449x449xf32> to vector<449xf32>
    %broadcast_in_dim3A_236 = vector.shape_cast %reduce_sum3A_235 : vector<449xf32> to vector<449x1xf32>
    %div3A_237 = vector.broadcast %broadcast_in_dim3A_236 : vector<449x1xf32> to vector<449x449xf32>
    %div3A_238 = arith.divf %exp3A_233, %div3A_237 : vector<449x449xf32>
    %dot_general3A_239 = arith.constant dense<0.000000e+00> : vector<449x64xf32>
    %dot_general3A_240 = tpu.matmul %div3A_238, %div3A_225, %dot_general3A_239 {dimension_numbers = #tpu.dot_dimension_numbers<[1], [0], [0], [1], [0, 0, 1, 1], [], []>, transpose_lhs_hint = false} : vector<449x449xf32>, vector<449x64xf32>, vector<449x64xf32> -> vector<449x64xf32>
    %slice3A_241 = vector.extract_strided_slice %dot_general3A_100 {offsets = [0, 320], sizes = [449, 64], strides = [1, 1]} : vector<449x2304xf32> to vector<449x64xf32>
    %div3A_242 = vector.broadcast %max3A_106 : vector<449x1xf32> to vector<449x64xf32>
    %div3A_243 = arith.divf %slice3A_241, %div3A_242 : vector<449x64xf32>
    %mul3A_244 = arith.constant 1.250000e-01 : f32
    %mul3A_245 = vector.broadcast %mul3A_244 : f32 to vector<449x64xf32>
    %mul3A_246 = arith.mulf %div3A_243, %mul3A_245 : vector<449x64xf32>
    %slice3A_247 = vector.extract_strided_slice %dot_general3A_100 {offsets = [0, 1088], sizes = [449, 64], strides = [1, 1]} : vector<449x2304xf32> to vector<449x64xf32>
    %div3A_248 = vector.broadcast %max3A_106 : vector<449x1xf32> to vector<449x64xf32>
    %div3A_249 = arith.divf %slice3A_247, %div3A_248 : vector<449x64xf32>
    %slice3A_250 = vector.extract_strided_slice %dot_general3A_100 {offsets = [0, 1856], sizes = [449, 64], strides = [1, 1]} : vector<449x2304xf32> to vector<449x64xf32>
    %div3A_251 = vector.broadcast %max3A_106 : vector<449x1xf32> to vector<449x64xf32>
    %div3A_252 = arith.divf %slice3A_250, %div3A_251 : vector<449x64xf32>
    %dot_general3A_253 = arith.constant dense<0.000000e+00> : vector<449x449xf32>
    %dot_general3A_254 = tpu.matmul %mul3A_246, %div3A_249, %dot_general3A_253 {dimension_numbers = #tpu.dot_dimension_numbers<[1], [1], [0], [0], [0, 0, 1, 0], [], []>, transpose_lhs_hint = false} : vector<449x64xf32>, vector<449x64xf32>, vector<449x449xf32> -> vector<449x449xf32>
    %reduce_max3A_255 = arith.constant dense<0xFF800000> : vector<449xf32>
    %reduce_max3A_256 = vector.multi_reduction <maximumf>, %dot_general3A_254, %reduce_max3A_255 [1] : vector<449x449xf32> to vector<449xf32>
    %broadcast_in_dim3A_257 = vector.shape_cast %reduce_max3A_256 : vector<449xf32> to vector<449x1xf32>
    %sub3A_258 = vector.broadcast %broadcast_in_dim3A_257 : vector<449x1xf32> to vector<449x449xf32>
    %sub3A_259 = arith.subf %dot_general3A_254, %sub3A_258 : vector<449x449xf32>
    %exp3A_260 = math.exp %sub3A_259 : vector<449x449xf32>
    %reduce_sum3A_261 = arith.constant dense<0.000000e+00> : vector<449xf32>
    %reduce_sum3A_262 = vector.multi_reduction <add>, %exp3A_260, %reduce_sum3A_261 [1] : vector<449x449xf32> to vector<449xf32>
    %broadcast_in_dim3A_263 = vector.shape_cast %reduce_sum3A_262 : vector<449xf32> to vector<449x1xf32>
    %div3A_264 = vector.broadcast %broadcast_in_dim3A_263 : vector<449x1xf32> to vector<449x449xf32>
    %div3A_265 = arith.divf %exp3A_260, %div3A_264 : vector<449x449xf32>
    %dot_general3A_266 = arith.constant dense<0.000000e+00> : vector<449x64xf32>
    %dot_general3A_267 = tpu.matmul %div3A_265, %div3A_252, %dot_general3A_266 {dimension_numbers = #tpu.dot_dimension_numbers<[1], [0], [0], [1], [0, 0, 1, 1], [], []>, transpose_lhs_hint = false} : vector<449x449xf32>, vector<449x64xf32>, vector<449x64xf32> -> vector<449x64xf32>
    %slice3A_268 = vector.extract_strided_slice %dot_general3A_100 {offsets = [0, 384], sizes = [449, 64], strides = [1, 1]} : vector<449x2304xf32> to vector<449x64xf32>
    %div3A_269 = vector.broadcast %max3A_106 : vector<449x1xf32> to vector<449x64xf32>
    %div3A_270 = arith.divf %slice3A_268, %div3A_269 : vector<449x64xf32>
    %mul3A_271 = arith.constant 1.250000e-01 : f32
    %mul3A_272 = vector.broadcast %mul3A_271 : f32 to vector<449x64xf32>
    %mul3A_273 = arith.mulf %div3A_270, %mul3A_272 : vector<449x64xf32>
    %slice3A_274 = vector.extract_strided_slice %dot_general3A_100 {offsets = [0, 1152], sizes = [449, 64], strides = [1, 1]} : vector<449x2304xf32> to vector<449x64xf32>
    %div3A_275 = vector.broadcast %max3A_106 : vector<449x1xf32> to vector<449x64xf32>
    %div3A_276 = arith.divf %slice3A_274, %div3A_275 : vector<449x64xf32>
    %slice3A_277 = vector.extract_strided_slice %dot_general3A_100 {offsets = [0, 1920], sizes = [449, 64], strides = [1, 1]} : vector<449x2304xf32> to vector<449x64xf32>
    %div3A_278 = vector.broadcast %max3A_106 : vector<449x1xf32> to vector<449x64xf32>
    %div3A_279 = arith.divf %slice3A_277, %div3A_278 : vector<449x64xf32>
    %dot_general3A_280 = arith.constant dense<0.000000e+00> : vector<449x449xf32>
    %dot_general3A_281 = tpu.matmul %mul3A_273, %div3A_276, %dot_general3A_280 {dimension_numbers = #tpu.dot_dimension_numbers<[1], [1], [0], [0], [0, 0, 1, 0], [], []>, transpose_lhs_hint = false} : vector<449x64xf32>, vector<449x64xf32>, vector<449x449xf32> -> vector<449x449xf32>
    %reduce_max3A_282 = arith.constant dense<0xFF800000> : vector<449xf32>
    %reduce_max3A_283 = vector.multi_reduction <maximumf>, %dot_general3A_281, %reduce_max3A_282 [1] : vector<449x449xf32> to vector<449xf32>
    %broadcast_in_dim3A_284 = vector.shape_cast %reduce_max3A_283 : vector<449xf32> to vector<449x1xf32>
    %sub3A_285 = vector.broadcast %broadcast_in_dim3A_284 : vector<449x1xf32> to vector<449x449xf32>
    %sub3A_286 = arith.subf %dot_general3A_281, %sub3A_285 : vector<449x449xf32>
    %exp3A_287 = math.exp %sub3A_286 : vector<449x449xf32>
    %reduce_sum3A_288 = arith.constant dense<0.000000e+00> : vector<449xf32>
    %reduce_sum3A_289 = vector.multi_reduction <add>, %exp3A_287, %reduce_sum3A_288 [1] : vector<449x449xf32> to vector<449xf32>
    %broadcast_in_dim3A_290 = vector.shape_cast %reduce_sum3A_289 : vector<449xf32> to vector<449x1xf32>
    %div3A_291 = vector.broadcast %broadcast_in_dim3A_290 : vector<449x1xf32> to vector<449x449xf32>
    %div3A_292 = arith.divf %exp3A_287, %div3A_291 : vector<449x449xf32>
    %dot_general3A_293 = arith.constant dense<0.000000e+00> : vector<449x64xf32>
    %dot_general3A_294 = tpu.matmul %div3A_292, %div3A_279, %dot_general3A_293 {dimension_numbers = #tpu.dot_dimension_numbers<[1], [0], [0], [1], [0, 0, 1, 1], [], []>, transpose_lhs_hint = false} : vector<449x449xf32>, vector<449x64xf32>, vector<449x64xf32> -> vector<449x64xf32>
    %slice3A_295 = vector.extract_strided_slice %dot_general3A_100 {offsets = [0, 448], sizes = [449, 64], strides = [1, 1]} : vector<449x2304xf32> to vector<449x64xf32>
    %div3A_296 = vector.broadcast %max3A_106 : vector<449x1xf32> to vector<449x64xf32>
    %div3A_297 = arith.divf %slice3A_295, %div3A_296 : vector<449x64xf32>
    %mul3A_298 = arith.constant 1.250000e-01 : f32
    %mul3A_299 = vector.broadcast %mul3A_298 : f32 to vector<449x64xf32>
    %mul3A_300 = arith.mulf %div3A_297, %mul3A_299 : vector<449x64xf32>
    %slice3A_301 = vector.extract_strided_slice %dot_general3A_100 {offsets = [0, 1216], sizes = [449, 64], strides = [1, 1]} : vector<449x2304xf32> to vector<449x64xf32>
    %div3A_302 = vector.broadcast %max3A_106 : vector<449x1xf32> to vector<449x64xf32>
    %div3A_303 = arith.divf %slice3A_301, %div3A_302 : vector<449x64xf32>
    %slice3A_304 = vector.extract_strided_slice %dot_general3A_100 {offsets = [0, 1984], sizes = [449, 64], strides = [1, 1]} : vector<449x2304xf32> to vector<449x64xf32>
    %div3A_305 = vector.broadcast %max3A_106 : vector<449x1xf32> to vector<449x64xf32>
    %div3A_306 = arith.divf %slice3A_304, %div3A_305 : vector<449x64xf32>
    %dot_general3A_307 = arith.constant dense<0.000000e+00> : vector<449x449xf32>
    %dot_general3A_308 = tpu.matmul %mul3A_300, %div3A_303, %dot_general3A_307 {dimension_numbers = #tpu.dot_dimension_numbers<[1], [1], [0], [0], [0, 0, 1, 0], [], []>, transpose_lhs_hint = false} : vector<449x64xf32>, vector<449x64xf32>, vector<449x449xf32> -> vector<449x449xf32>
    %reduce_max3A_309 = arith.constant dense<0xFF800000> : vector<449xf32>
    %reduce_max3A_310 = vector.multi_reduction <maximumf>, %dot_general3A_308, %reduce_max3A_309 [1] : vector<449x449xf32> to vector<449xf32>
    %broadcast_in_dim3A_311 = vector.shape_cast %reduce_max3A_310 : vector<449xf32> to vector<449x1xf32>
    %sub3A_312 = vector.broadcast %broadcast_in_dim3A_311 : vector<449x1xf32> to vector<449x449xf32>
    %sub3A_313 = arith.subf %dot_general3A_308, %sub3A_312 : vector<449x449xf32>
    %exp3A_314 = math.exp %sub3A_313 : vector<449x449xf32>
    %reduce_sum3A_315 = arith.constant dense<0.000000e+00> : vector<449xf32>
    %reduce_sum3A_316 = vector.multi_reduction <add>, %exp3A_314, %reduce_sum3A_315 [1] : vector<449x449xf32> to vector<449xf32>
    %broadcast_in_dim3A_317 = vector.shape_cast %reduce_sum3A_316 : vector<449xf32> to vector<449x1xf32>
    %div3A_318 = vector.broadcast %broadcast_in_dim3A_317 : vector<449x1xf32> to vector<449x449xf32>
    %div3A_319 = arith.divf %exp3A_314, %div3A_318 : vector<449x449xf32>
    %dot_general3A_320 = arith.constant dense<0.000000e+00> : vector<449x64xf32>
    %dot_general3A_321 = tpu.matmul %div3A_319, %div3A_306, %dot_general3A_320 {dimension_numbers = #tpu.dot_dimension_numbers<[1], [0], [0], [1], [0, 0, 1, 1], [], []>, transpose_lhs_hint = false} : vector<449x449xf32>, vector<449x64xf32>, vector<449x64xf32> -> vector<449x64xf32>
    %slice3A_322 = vector.extract_strided_slice %dot_general3A_100 {offsets = [0, 512], sizes = [449, 64], strides = [1, 1]} : vector<449x2304xf32> to vector<449x64xf32>
    %div3A_323 = vector.broadcast %max3A_106 : vector<449x1xf32> to vector<449x64xf32>
    %div3A_324 = arith.divf %slice3A_322, %div3A_323 : vector<449x64xf32>
    %mul3A_325 = arith.constant 1.250000e-01 : f32
    %mul3A_326 = vector.broadcast %mul3A_325 : f32 to vector<449x64xf32>
    %mul3A_327 = arith.mulf %div3A_324, %mul3A_326 : vector<449x64xf32>
    %slice3A_328 = vector.extract_strided_slice %dot_general3A_100 {offsets = [0, 1280], sizes = [449, 64], strides = [1, 1]} : vector<449x2304xf32> to vector<449x64xf32>
    %div3A_329 = vector.broadcast %max3A_106 : vector<449x1xf32> to vector<449x64xf32>
    %div3A_330 = arith.divf %slice3A_328, %div3A_329 : vector<449x64xf32>
    %slice3A_331 = vector.extract_strided_slice %dot_general3A_100 {offsets = [0, 2048], sizes = [449, 64], strides = [1, 1]} : vector<449x2304xf32> to vector<449x64xf32>
    %div3A_332 = vector.broadcast %max3A_106 : vector<449x1xf32> to vector<449x64xf32>
    %div3A_333 = arith.divf %slice3A_331, %div3A_332 : vector<449x64xf32>
    %dot_general3A_334 = arith.constant dense<0.000000e+00> : vector<449x449xf32>
    %dot_general3A_335 = tpu.matmul %mul3A_327, %div3A_330, %dot_general3A_334 {dimension_numbers = #tpu.dot_dimension_numbers<[1], [1], [0], [0], [0, 0, 1, 0], [], []>, transpose_lhs_hint = false} : vector<449x64xf32>, vector<449x64xf32>, vector<449x449xf32> -> vector<449x449xf32>
    %reduce_max3A_336 = arith.constant dense<0xFF800000> : vector<449xf32>
    %reduce_max3A_337 = vector.multi_reduction <maximumf>, %dot_general3A_335, %reduce_max3A_336 [1] : vector<449x449xf32> to vector<449xf32>
    %broadcast_in_dim3A_338 = vector.shape_cast %reduce_max3A_337 : vector<449xf32> to vector<449x1xf32>
    %sub3A_339 = vector.broadcast %broadcast_in_dim3A_338 : vector<449x1xf32> to vector<449x449xf32>
    %sub3A_340 = arith.subf %dot_general3A_335, %sub3A_339 : vector<449x449xf32>
    %exp3A_341 = math.exp %sub3A_340 : vector<449x449xf32>
    %reduce_sum3A_342 = arith.constant dense<0.000000e+00> : vector<449xf32>
    %reduce_sum3A_343 = vector.multi_reduction <add>, %exp3A_341, %reduce_sum3A_342 [1] : vector<449x449xf32> to vector<449xf32>
    %broadcast_in_dim3A_344 = vector.shape_cast %reduce_sum3A_343 : vector<449xf32> to vector<449x1xf32>
    %div3A_345 = vector.broadcast %broadcast_in_dim3A_344 : vector<449x1xf32> to vector<449x449xf32>
    %div3A_346 = arith.divf %exp3A_341, %div3A_345 : vector<449x449xf32>
    %dot_general3A_347 = arith.constant dense<0.000000e+00> : vector<449x64xf32>
    %dot_general3A_348 = tpu.matmul %div3A_346, %div3A_333, %dot_general3A_347 {dimension_numbers = #tpu.dot_dimension_numbers<[1], [0], [0], [1], [0, 0, 1, 1], [], []>, transpose_lhs_hint = false} : vector<449x449xf32>, vector<449x64xf32>, vector<449x64xf32> -> vector<449x64xf32>
    %slice3A_349 = vector.extract_strided_slice %dot_general3A_100 {offsets = [0, 576], sizes = [449, 64], strides = [1, 1]} : vector<449x2304xf32> to vector<449x64xf32>
    %div3A_350 = vector.broadcast %max3A_106 : vector<449x1xf32> to vector<449x64xf32>
    %div3A_351 = arith.divf %slice3A_349, %div3A_350 : vector<449x64xf32>
    %mul3A_352 = arith.constant 1.250000e-01 : f32
    %mul3A_353 = vector.broadcast %mul3A_352 : f32 to vector<449x64xf32>
    %mul3A_354 = arith.mulf %div3A_351, %mul3A_353 : vector<449x64xf32>
    %slice3A_355 = vector.extract_strided_slice %dot_general3A_100 {offsets = [0, 1344], sizes = [449, 64], strides = [1, 1]} : vector<449x2304xf32> to vector<449x64xf32>
    %div3A_356 = vector.broadcast %max3A_106 : vector<449x1xf32> to vector<449x64xf32>
    %div3A_357 = arith.divf %slice3A_355, %div3A_356 : vector<449x64xf32>
    %slice3A_358 = vector.extract_strided_slice %dot_general3A_100 {offsets = [0, 2112], sizes = [449, 64], strides = [1, 1]} : vector<449x2304xf32> to vector<449x64xf32>
    %div3A_359 = vector.broadcast %max3A_106 : vector<449x1xf32> to vector<449x64xf32>
    %div3A_360 = arith.divf %slice3A_358, %div3A_359 : vector<449x64xf32>
    %dot_general3A_361 = arith.constant dense<0.000000e+00> : vector<449x449xf32>
    %dot_general3A_362 = tpu.matmul %mul3A_354, %div3A_357, %dot_general3A_361 {dimension_numbers = #tpu.dot_dimension_numbers<[1], [1], [0], [0], [0, 0, 1, 0], [], []>, transpose_lhs_hint = false} : vector<449x64xf32>, vector<449x64xf32>, vector<449x449xf32> -> vector<449x449xf32>
    %reduce_max3A_363 = arith.constant dense<0xFF800000> : vector<449xf32>
    %reduce_max3A_364 = vector.multi_reduction <maximumf>, %dot_general3A_362, %reduce_max3A_363 [1] : vector<449x449xf32> to vector<449xf32>
    %broadcast_in_dim3A_365 = vector.shape_cast %reduce_max3A_364 : vector<449xf32> to vector<449x1xf32>
    %sub3A_366 = vector.broadcast %broadcast_in_dim3A_365 : vector<449x1xf32> to vector<449x449xf32>
    %sub3A_367 = arith.subf %dot_general3A_362, %sub3A_366 : vector<449x449xf32>
    %exp3A_368 = math.exp %sub3A_367 : vector<449x449xf32>
    %reduce_sum3A_369 = arith.constant dense<0.000000e+00> : vector<449xf32>
    %reduce_sum3A_370 = vector.multi_reduction <add>, %exp3A_368, %reduce_sum3A_369 [1] : vector<449x449xf32> to vector<449xf32>
    %broadcast_in_dim3A_371 = vector.shape_cast %reduce_sum3A_370 : vector<449xf32> to vector<449x1xf32>
    %div3A_372 = vector.broadcast %broadcast_in_dim3A_371 : vector<449x1xf32> to vector<449x449xf32>
    %div3A_373 = arith.divf %exp3A_368, %div3A_372 : vector<449x449xf32>
    %dot_general3A_374 = arith.constant dense<0.000000e+00> : vector<449x64xf32>
    %dot_general3A_375 = tpu.matmul %div3A_373, %div3A_360, %dot_general3A_374 {dimension_numbers = #tpu.dot_dimension_numbers<[1], [0], [0], [1], [0, 0, 1, 1], [], []>, transpose_lhs_hint = false} : vector<449x449xf32>, vector<449x64xf32>, vector<449x64xf32> -> vector<449x64xf32>
    %slice3A_376 = vector.extract_strided_slice %dot_general3A_100 {offsets = [0, 640], sizes = [449, 64], strides = [1, 1]} : vector<449x2304xf32> to vector<449x64xf32>
    %div3A_377 = vector.broadcast %max3A_106 : vector<449x1xf32> to vector<449x64xf32>
    %div3A_378 = arith.divf %slice3A_376, %div3A_377 : vector<449x64xf32>
    %mul3A_379 = arith.constant 1.250000e-01 : f32
    %mul3A_380 = vector.broadcast %mul3A_379 : f32 to vector<449x64xf32>
    %mul3A_381 = arith.mulf %div3A_378, %mul3A_380 : vector<449x64xf32>
    %slice3A_382 = vector.extract_strided_slice %dot_general3A_100 {offsets = [0, 1408], sizes = [449, 64], strides = [1, 1]} : vector<449x2304xf32> to vector<449x64xf32>
    %div3A_383 = vector.broadcast %max3A_106 : vector<449x1xf32> to vector<449x64xf32>
    %div3A_384 = arith.divf %slice3A_382, %div3A_383 : vector<449x64xf32>
    %slice3A_385 = vector.extract_strided_slice %dot_general3A_100 {offsets = [0, 2176], sizes = [449, 64], strides = [1, 1]} : vector<449x2304xf32> to vector<449x64xf32>
    %div3A_386 = vector.broadcast %max3A_106 : vector<449x1xf32> to vector<449x64xf32>
    %div3A_387 = arith.divf %slice3A_385, %div3A_386 : vector<449x64xf32>
    %dot_general3A_388 = arith.constant dense<0.000000e+00> : vector<449x449xf32>
    %dot_general3A_389 = tpu.matmul %mul3A_381, %div3A_384, %dot_general3A_388 {dimension_numbers = #tpu.dot_dimension_numbers<[1], [1], [0], [0], [0, 0, 1, 0], [], []>, transpose_lhs_hint = false} : vector<449x64xf32>, vector<449x64xf32>, vector<449x449xf32> -> vector<449x449xf32>
    %reduce_max3A_390 = arith.constant dense<0xFF800000> : vector<449xf32>
    %reduce_max3A_391 = vector.multi_reduction <maximumf>, %dot_general3A_389, %reduce_max3A_390 [1] : vector<449x449xf32> to vector<449xf32>
    %broadcast_in_dim3A_392 = vector.shape_cast %reduce_max3A_391 : vector<449xf32> to vector<449x1xf32>
    %sub3A_393 = vector.broadcast %broadcast_in_dim3A_392 : vector<449x1xf32> to vector<449x449xf32>
    %sub3A_394 = arith.subf %dot_general3A_389, %sub3A_393 : vector<449x449xf32>
    %exp3A_395 = math.exp %sub3A_394 : vector<449x449xf32>
    %reduce_sum3A_396 = arith.constant dense<0.000000e+00> : vector<449xf32>
    %reduce_sum3A_397 = vector.multi_reduction <add>, %exp3A_395, %reduce_sum3A_396 [1] : vector<449x449xf32> to vector<449xf32>
    %broadcast_in_dim3A_398 = vector.shape_cast %reduce_sum3A_397 : vector<449xf32> to vector<449x1xf32>
    %div3A_399 = vector.broadcast %broadcast_in_dim3A_398 : vector<449x1xf32> to vector<449x449xf32>
    %div3A_400 = arith.divf %exp3A_395, %div3A_399 : vector<449x449xf32>
    %dot_general3A_401 = arith.constant dense<0.000000e+00> : vector<449x64xf32>
    %dot_general3A_402 = tpu.matmul %div3A_400, %div3A_387, %dot_general3A_401 {dimension_numbers = #tpu.dot_dimension_numbers<[1], [0], [0], [1], [0, 0, 1, 1], [], []>, transpose_lhs_hint = false} : vector<449x449xf32>, vector<449x64xf32>, vector<449x64xf32> -> vector<449x64xf32>
    %slice3A_403 = vector.extract_strided_slice %dot_general3A_100 {offsets = [0, 704], sizes = [449, 64], strides = [1, 1]} : vector<449x2304xf32> to vector<449x64xf32>
    %div3A_404 = vector.broadcast %max3A_106 : vector<449x1xf32> to vector<449x64xf32>
    %div3A_405 = arith.divf %slice3A_403, %div3A_404 : vector<449x64xf32>
    %mul3A_406 = arith.constant 1.250000e-01 : f32
    %mul3A_407 = vector.broadcast %mul3A_406 : f32 to vector<449x64xf32>
    %mul3A_408 = arith.mulf %div3A_405, %mul3A_407 : vector<449x64xf32>
    %slice3A_409 = vector.extract_strided_slice %dot_general3A_100 {offsets = [0, 1472], sizes = [449, 64], strides = [1, 1]} : vector<449x2304xf32> to vector<449x64xf32>
    %div3A_410 = vector.broadcast %max3A_106 : vector<449x1xf32> to vector<449x64xf32>
    %div3A_411 = arith.divf %slice3A_409, %div3A_410 : vector<449x64xf32>
    %slice3A_412 = vector.extract_strided_slice %dot_general3A_100 {offsets = [0, 2240], sizes = [449, 64], strides = [1, 1]} : vector<449x2304xf32> to vector<449x64xf32>
    %div3A_413 = vector.broadcast %max3A_106 : vector<449x1xf32> to vector<449x64xf32>
    %div3A_414 = arith.divf %slice3A_412, %div3A_413 : vector<449x64xf32>
    %dot_general3A_415 = arith.constant dense<0.000000e+00> : vector<449x449xf32>
    %dot_general3A_416 = tpu.matmul %mul3A_408, %div3A_411, %dot_general3A_415 {dimension_numbers = #tpu.dot_dimension_numbers<[1], [1], [0], [0], [0, 0, 1, 0], [], []>, transpose_lhs_hint = false} : vector<449x64xf32>, vector<449x64xf32>, vector<449x449xf32> -> vector<449x449xf32>
    %reduce_max3A_417 = arith.constant dense<0xFF800000> : vector<449xf32>
    %reduce_max3A_418 = vector.multi_reduction <maximumf>, %dot_general3A_416, %reduce_max3A_417 [1] : vector<449x449xf32> to vector<449xf32>
    %broadcast_in_dim3A_419 = vector.shape_cast %reduce_max3A_418 : vector<449xf32> to vector<449x1xf32>
    %sub3A_420 = vector.broadcast %broadcast_in_dim3A_419 : vector<449x1xf32> to vector<449x449xf32>
    %sub3A_421 = arith.subf %dot_general3A_416, %sub3A_420 : vector<449x449xf32>
    %exp3A_422 = math.exp %sub3A_421 : vector<449x449xf32>
    %reduce_sum3A_423 = arith.constant dense<0.000000e+00> : vector<449xf32>
    %reduce_sum3A_424 = vector.multi_reduction <add>, %exp3A_422, %reduce_sum3A_423 [1] : vector<449x449xf32> to vector<449xf32>
    %broadcast_in_dim3A_425 = vector.shape_cast %reduce_sum3A_424 : vector<449xf32> to vector<449x1xf32>
    %div3A_426 = vector.broadcast %broadcast_in_dim3A_425 : vector<449x1xf32> to vector<449x449xf32>
    %div3A_427 = arith.divf %exp3A_422, %div3A_426 : vector<449x449xf32>
    %dot_general3A_428 = arith.constant dense<0.000000e+00> : vector<449x64xf32>
    %dot_general3A_429 = tpu.matmul %div3A_427, %div3A_414, %dot_general3A_428 {dimension_numbers = #tpu.dot_dimension_numbers<[1], [0], [0], [1], [0, 0, 1, 1], [], []>, transpose_lhs_hint = false} : vector<449x449xf32>, vector<449x64xf32>, vector<449x64xf32> -> vector<449x64xf32>
    %concatenate3A_430 = tpu.concatenate %dot_general3A_132, %dot_general3A_159, %dot_general3A_186, %dot_general3A_213, %dot_general3A_240, %dot_general3A_267, %dot_general3A_294, %dot_general3A_321, %dot_general3A_348, %dot_general3A_375, %dot_general3A_402, %dot_general3A_429 in 1 : vector<449x64xf32>, vector<449x64xf32>, vector<449x64xf32>, vector<449x64xf32>, vector<449x64xf32>, vector<449x64xf32>, vector<449x64xf32>, vector<449x64xf32>, vector<449x64xf32>, vector<449x64xf32>, vector<449x64xf32>, vector<449x64xf32> -> vector<449x768xf32>
    %get3A_431 = arith.constant 0 : index
    %get3A_432 = arith.constant 0 : index
    %get3A_433 = vector.load %arg5[%get3A_431, %get3A_432] : memref<768x768xf32, #tpu.memory_space<vmem>>, vector<768x768xf32>
    %dot_general3A_434 = arith.constant dense<0.000000e+00> : vector<449x768xf32>
    %dot_general3A_435 = tpu.matmul %concatenate3A_430, %get3A_433, %dot_general3A_434 {dimension_numbers = #tpu.dot_dimension_numbers<[1], [0], [0], [1], [0, 0, 1, 1], [], []>, transpose_lhs_hint = false} : vector<449x768xf32>, vector<768x768xf32>, vector<449x768xf32> -> vector<449x768xf32>
    %get3A_436 = arith.constant 0 : index
    %get3A_437 = arith.constant 0 : index
    %get3A_438 = vector.load %arg6[%get3A_436, %get3A_437] : memref<1x768xf32, #tpu.memory_space<vmem>>, vector<1x768xf32>
    %add3A_439 = vector.broadcast %get3A_438 : vector<1x768xf32> to vector<449x768xf32>
    %add3A_440 = arith.addf %dot_general3A_435, %add3A_439 : vector<449x768xf32>
    %broadcast_in_dim3A_441 = arith.constant 0.000000e+00 : f32
    %broadcast_in_dim3A_442 = vector.broadcast %broadcast_in_dim3A_441 : f32 to vector<7x768xf32>
    %concatenate3A_443 = tpu.concatenate %add3A_440, %broadcast_in_dim3A_442 in 0 : vector<449x768xf32>, vector<7x768xf32> -> vector<456x768xf32>
    %swap3A_444 = arith.constant 0 : index
    %swap3A_445 = arith.constant 0 : index
    %swap3A_446 = arith.constant 0 : index
    %swap3A_447 = vector.load %arg7[%swap3A_444, %swap3A_445, %swap3A_446] : memref<1x456x768xf32, #tpu.memory_space<vmem>>, vector<1x456x768xf32>
    %swap3A_448 = vector.shape_cast %swap3A_447 : vector<1x456x768xf32> to vector<456x768xf32>
    %swap3A_449 = vector.shape_cast %concatenate3A_443 : vector<456x768xf32> to vector<1x456x768xf32>
    tpu.vector_store %arg7[%swap3A_444, %swap3A_445, %swap3A_446], %swap3A_449 {strides = array<i32>} : memref<1x456x768xf32, #tpu.memory_space<vmem>>, vector<1x456x768xf32>,
    return
  }
  func.func @transform_0(%arg0: i32) -> (i32, i32, i32) {
    %c0_i32 = arith.constant 0 : i32
    %c0_i32_0 = arith.constant 0 : i32
    %c0_i32_1 = arith.constant 0 : i32
    return %arg0, %c0_i32, %c0_i32_0 : i32, i32, i32
  }
  func.func @transform_1(%arg0: i32) -> (i32, i32) {
    %c0_i32 = arith.constant 0 : i32
    %c0_i32_0 = arith.constant 0 : i32
    %c0_i32_1 = arith.constant 0 : i32
    return %c0_i32, %c0_i32_0 : i32, i32
  }
  func.func @transform_2(%arg0: i32) -> (i32, i32) {
    %c0_i32 = arith.constant 0 : i32
    %c0_i32_0 = arith.constant 0 : i32
    %c0_i32_1 = arith.constant 0 : i32
    return %c0_i32, %c0_i32_0 : i32, i32
  }
  func.func @transform_3(%arg0: i32) -> (i32, i32) {
    %c0_i32 = arith.constant 0 : i32
    %c0_i32_0 = arith.constant 0 : i32
    %c0_i32_1 = arith.constant 0 : i32
    return %c0_i32, %c0_i32_0 : i32, i32
  }
  func.func @transform_4(%arg0: i32) -> (i32, i32) {
    %c0_i32 = arith.constant 0 : i32
    %c0_i32_0 = arith.constant 0 : i32
    %c0_i32_1 = arith.constant 0 : i32
    return %c0_i32, %c0_i32_0 : i32, i32
  }
  func.func @transform_5(%arg0: i32) -> (i32, i32) {
    %c0_i32 = arith.constant 0 : i32
    %c0_i32_0 = arith.constant 0 : i32
    %c0_i32_1 = arith.constant 0 : i32
    return %c0_i32, %c0_i32_0 : i32, i32
  }
  func.func @transform_6(%arg0: i32) -> (i32, i32, i32) {
    %c0_i32 = arith.constant 0 : i32
    %c0_i32_0 = arith.constant 0 : i32
    %c0_i32_1 = arith.constant 0 : i32
    return %arg0, %c0_i32, %c0_i32_0 : i32, i32, i32
  }
  func.func @transform_7(%arg0: i32) -> (i32, i32, i32) {
    %c0_i32 = arith.constant 0 : i32
    %c0_i32_0 = arith.constant 0 : i32
    %c0_i32_1 = arith.constant 0 : i32
    return %arg0, %c0_i32, %c0_i32_0 : i32, i32, i32
  }
}

</mosaic_0001>

<sc_bundles>
// kernel: kernel.4.cloned.1.call-start
scs
__scs_entry_jumppad:
0x0: {  	(pc) =	sbr.rel $0x88, $3  }
0x1: {  	(tag) =	ssettag $0x0;
	lr =	simm.s32 $0x1  }
0x2: {  	[smem:$0x3F9C] =	sst lr;
	_ =	strace $0xD0000000  }
0x3: {  	_ = 	snop  }
0x4: {  	_ = 	snop  }
0x5: {  	_ = 	snop  }
0x6: {  	_ = 	snop  }
0x7: {  	_ = 	snop  }
__scs_overlays_trampoline_lowered:
0x8: {  	[smem:$0x3FAB] =	sst s0  }
0x9: {  	[smem:$0x3FAC] =	sst s1  }
0xa: {  	[smem:$0x3FAD] =	sst s2  }
0xb: {  	[smem:$0x3FAE] =	sst s3  }
0xc: {  	[smem:$0x3FAF] =	sst s4  }
0xd: {  	[smem:$0x3FB0] =	sst s5  }
0xe: {  	[smem:$0x3FB1] =	sst s6  }
0xf: {  	[smem:$0x3FB2] =	sst s7  }
0x10: {  	[smem:$0x3FB3] =	sst s8  }
0x11: {  	[smem:$0x3FB4] =	sst s9;
	s0 =	simm.s32 @!p0 $0x0  }
0x12: {  	s1 =	sld [smem:$0x3F9A];
	s0 =	simm.s32 @p0 $0x1  }
0x13: {  	[smem:$0x3FB5] =	sst s0;
	s0 =	simm.s32 @!p1 $0x0  }
0x14: {  	s2 =	sld [smem:$0x3F99];
	s0 =	simm.s32 @p1 $0x1  }
0x15: {  	[smem:$0x3FB6] =	sst s0;
	s0 =	simm.s32 @!p2 $0x0  }
0x16: {  	s3 =	sld [smem:$0x3FDB];
	s0 =	simm.s32 @p2 $0x1  }
0x17: {  	s4 =	simm.s32 $0x1BF5;
	[smem:$0x3FB8] =	sst s0  }
0x18: {  	s0 =	sld [smem:$0x3F9B];
	_ =	swait.ge [sflag:s4], $0x0  }
0x19: {  	s7 =	sld [smem:$0x3F9C]  }
0x1a: {  	s8 =	sadd.s32 $0xFFFFE003, lr  }
0x1b: {  	s9 =	sadd.s32 $0xFFFFFEF7, lr;
	s5 =	simm.s32 $0xFFFFFFFF;
	p2 =	slt.u32 s8, $0xFFFFF086  }
0x1c: {  	p1 =	slt.u32 s9, $0xF7A;
	s5 =	simm.s32 @!p2 $0x0  }
0x1d: {  	s5 =	simm.s32 @p1 $0x1;
	p0 =	seq.s32 s7, s2  }
0x1e: {  	s7 =	smul.u32 @!p0 $0xF7A, s2;
	p2 =	seq.s32 @!p0 s5, $0x0  }
0x1f: {  	s9 =	smul.u32 $0xF7A, s1;
	s8 =	simm.s32 @!p0 $0x1BF5;
	p2 =	por !p2, p0  }
0x20: {  	[sflag:s8] =	ssyncset.s32 @!p0 $0xFFFFF086;
	s6 =	sadd.s32 @!p0 s3, s7;
	s7 =	simm.s32 @!p0 $0x108  }
0x21: {  	s3 =	sadd.s32 s3, s9;
	s6 =	sadd.s32 @!p0 $0x88, s6;
	s7 =	simm.s32 @p2 $0x1082  }
0x22: {  	[simem:s7], [sflag:s8] =	dma.local @!p0 [hbm:s6], $0xF7A  }
0x23: {  	s9 =	sor.u32 $0xD0000000, s2;
	s6 =	simm.s32 $0x108;
	_ =	swait.ge @!p0 [sflag:s8], $0x0  }
0x24: {  	s3 =	sadd.s32 $0x88, s3;
	s6 =	simm.s32 @!p1 $0x1082;
	[sflag:s4] =	ssyncset.s32 $0xFFFFF086  }
0x25: {  	[simem:s6], [sflag:s4] =	dma.local [hbm:s3], $0xF7A  }
0x26: {  	[smem:$0x3F9C] =	sst s1;
	(tag) =	ssettag s2;
	_ =	strace s9  }
0x27: {  	s1 =	sld [smem:$0x3FAC]  }
0x28: {  	s2 =	sld [smem:$0x3FAD]  }
0x29: {  	s4 =	sld [smem:$0x3FAF]  }
0x2a: {  	p0 =	seq.s32 s5, $0x0;
	s5 =	sld [smem:$0x3FB0]  }
0x2b: {  	s6 =	sld [smem:$0x3FB1]  }
0x2c: {  	s7 =	sld [smem:$0x3FB2]  }
0x2d: {  	s3 =	simm.s32 $0x108;
	s8 =	sld [smem:$0x3FB3]  }
0x2e: {  	s3 =	simm.s32 @!p0 $0x1082;
	s9 =	sld [smem:$0x3FB4]  }
0x2f: {  	lr =	sadd.s32 s0, s3;
	s0 =	sld [smem:$0x3FAB]  }
0x30: {  	s3 =	sld [smem:$0x3FAE]  }
0x31: {  	[smem:$0x3FB7] =	sst s10  }
0x32: {  	s10 =	sld [smem:$0x3FB5];
	_ =	sdelay $0x3  }
0x33: {  	p0 =	seq.s32 s10, $0x1;
	s10 =	sld [smem:$0x3FB7];
	_ =	sdelay $0x3  }
0x34: {  	[smem:$0x3FB7] =	sst s10  }
0x35: {  	s10 =	sld [smem:$0x3FB6];
	_ =	sdelay $0x3  }
0x36: {  	p1 =	seq.s32 s10, $0x1;
	s10 =	sld [smem:$0x3FB7];
	_ =	sdelay $0x3  }
0x37: {  	[smem:$0x3FB7] =	sst s10  }
0x38: {  	s10 =	sld [smem:$0x3FB8]  }
0x39: {  	_ = 	snop;
	(pc) =	sbr.ind lr, $3  }
0x3a: {  	_ = 	snop  }
0x3b: {  	_ = 	snop  }
0x3c: {  	p2 =	seq.s32 s10, $0x1;
	s10 =	sld [smem:$0x3FB7]  }
0x3d: {  	_ =	shalt  }
0x3e: {  	_ =	shalt  }
0x3f: {  	_ =	shalt  }
0x40: {  	_ =	shalt  }
0x41: {  	_ =	shalt  }
0x42: {  	_ =	shalt  }
0x43: {  	_ =	shalt  }
0x44: {  	_ =	shalt  }
0x45: {  	_ =	shalt  }
0x46: {  	_ =	shalt  }
0x47: {  	_ =	shalt  }
0x48: {  	_ =	shalt  }
0x49: {  	_ =	shalt  }
0x4a: {  	_ =	shalt  }
0x4b: {  	_ =	shalt  }
0x4c: {  	_ =	shalt  }
0x4d: {  	_ =	shalt  }
0x4e: {  	_ =	shalt  }
0x4f: {  	_ =	shalt  }
0x50: {  	_ =	shalt  }
0x51: {  	_ =	shalt  }
0x52: {  	_ =	shalt  }
0x53: {  	_ =	shalt  }
0x54: {  	_ =	shalt  }
0x55: {  	_ =	shalt  }
0x56: {  	_ =	shalt  }
0x57: {  	_ =	shalt  }
0x58: {  	_ =	shalt  }
0x59: {  	_ =	shalt  }
0x5a: {  	_ =	shalt  }
0x5b: {  	_ =	shalt  }
0x5c: {  	_ =	shalt  }
0x5d: {  	_ =	shalt  }
0x5e: {  	_ =	shalt  }
0x5f: {  	_ =	shalt  }
0x60: {  	_ =	shalt  }
0x61: {  	_ =	shalt  }
0x62: {  	_ =	shalt  }
0x63: {  	_ =	shalt  }
0x64: {  	_ =	shalt  }
0x65: {  	_ =	shalt  }
0x66: {  	_ =	shalt  }
0x67: {  	_ =	shalt  }
0x68: {  	_ =	shalt  }
0x69: {  	_ =	shalt  }
0x6a: {  	_ =	shalt  }
0x6b: {  	_ =	shalt  }
0x6c: {  	_ =	shalt  }
0x6d: {  	_ =	shalt  }
0x6e: {  	_ =	shalt  }
0x6f: {  	_ =	shalt  }
0x70: {  	_ =	shalt  }
0x71: {  	_ =	shalt  }
0x72: {  	_ =	shalt  }
0x73: {  	_ =	shalt  }
0x74: {  	_ =	shalt  }
0x75: {  	_ =	shalt  }
0x76: {  	_ =	shalt  }
0x77: {  	_ =	shalt  }
0x78: {  	_ =	shalt  }
0x79: {  	_ =	shalt  }
0x7a: {  	_ =	shalt  }
0x7b: {  	_ =	shalt  }
0x7c: {  	_ =	shalt  }
0x7d: {  	_ =	shalt  }
0x7e: {  	_ =	shalt  }
0x7f: {  	_ =	shalt  }
0x80: {  	_ =	shalt  }
0x81: {  	_ =	shalt  }
0x82: {  	_ =	shalt  }
0x83: {  	_ =	shalt  }
0x84: {  	_ =	shalt  }
0x85: {  	_ =	shalt  }
0x86: {  	_ =	shalt  }
0x87: {  	_ =	shalt  }
.Lfunc_end0:
.L_simem_size_0:
called_computation.1_lowered:
.L_overlay_start_0:
0x88: {  	s2 =	sld [smem:$0x3FD9]  }
0x89: {  	s3 =	sld [smem:$0x3FFE];
	_ =	sdelay $0x1  }
0x8a: {  	s1 =	srdreg.scid  }
0x8b: {  	s0 =	sand.u32 $0x1, s1  }
0x8c: {  	s17 =	sshll.u32 s0, $0xA;
	s2 =	sadd.s32 s3, s2  }
0x8d: {  	s2 =	sadd.s32 s2, s17  }
0x8e: {  	[smem:$0x3FC3] =	sst s2  }
0x8f: {  	_ = 	snop  }
0x90: {  	s2 =	sld [smem:$0x3FD0];
	(tm) =	ssettm $0x1  }
0x91: {  	s18 =	sld [smem:$0x3FFB];
	_ =	sdelay $0x3  }
0x92: {  	_ =	strace s18  }
0x93: {  	s3 =	sld [smem:$0x3FFC];
	_ =	sdelay $0x3  }
0x94: {  	_ =	strace s3  }
0x95: {  	s3 =	sld [smem:$0x3FFD];
	_ =	sdelay $0x3  }
0x96: {  	_ =	strace s3  }
0x97: {  	_ =	strace $0x8FFFFFFF  }
0x98: {  	s19 =	sld [smem:$0x3FDB];
	_ =	sdelay $0x1  }
0x99: {  	s4 =	simm.s32 $_scs_section_size  }
0x9a: {  	s5 =	simm.s32 $_size__tile_overlayer_lowered;
	s6 =	simm.s32 $_tile_overlayer_lowered  }
0x9b: {  	s22 =	simm.s32 $0x1BFF;
	s21 =	sshll.u32 s6, $0x1;
	s3 =	sadd.s32 s4, s19  }
0x9c: {  	s7 =	simm.s32 $0x0;
	s20 =	sshll.u32 s5, $0x1;
	s5 =	sadd.s32 s21, s3  }
0x9d: {  	[timem:s7], [sflag:s22] =	dma.local [hbm:s5], s20  }
0x9e: {  	_ =	swait.ge [sflag:s22], s20  }
0x9f: {  	s4 =	ssub.s32 $0x0, s20;
	[sflag:s22] =	ssyncset.done $0x0  }
0xa0: {  	[sflag:s22] =	ssyncadd.s32 s4;
	_ =	sdelay $0x1  }
0xa1: {  	s23 =	simm.s32 $0x1B8B  }
0xa2: {  	_ =	swait.ge [sflag:s23], $0x1  }
0xa3: {  	[sflag:s23] =	ssyncset.done $0x0  }
0xa4: {  	s25 =	simm.s32 $0x1B8E;
	s24 =	sld [smem:$0x3FFE];
	[sflag:s23] =	ssyncadd.s32 $0xFFFFFFFF  }
0xa5: {  	s26 =	simm.s32 $execute0_lowered;
	[smem:$0x3FD2] =	sst s25  }
0xa6: {  	s5 =	sshll.u32 s26, $0x1;
	_ =	strace $0x80000046;
	[dreg:$0x1] =	wrdreg $0xFFFFFFFF  }
0xa7: {  	s28 =	simm.s32 $_size_execute0_lowered;
	s3 =	sadd.s32 s3, s5;
	[dreg:$0x0] =	wrdreg $0x0  }
0xa8: {  	s5 =	sshll.u32 s28, $0x1;
	[dreg:$0x2] =	wrdreg s3  }
0xa9: {  	[dreg:$0x3] =	wrdreg s5  }
0xaa: {  	[dreg:$0x4] =	wrdreg $0xC0  }
0xab: {  	_ =	task [dreg:s7], $0x5FFFF  }
0xac: {  	[dreg:$0x1] =	wrdreg $0xFFFFFFFF  }
0xad: {  	[dreg:$0x0] =	wrdreg $0x60  }
0xae: {  	[dreg:$0x2] =	wrdreg s2  }
0xaf: {  	[dreg:$0x3] =	wrdreg s24  }
0xb0: {  	[dreg:$0x4] =	wrdreg $0x9  }
0xb1: {  	_ =	task.clear_ibuf [dreg:s7], $0x5FFFF;
	_ =	strace $0x90000046  }
0xb2: {  	s29 =	simm.s32 $0x9;
	_ =	strace $0x80000048  }
0xb3: {  	_ =	swait.ge [sflag:s29], $0x1  }
0xb4: {  	[sflag:s29] =	ssyncadd.s32 $0xFFFFFFFF  }
0xb5: {  	_ =	strace $0x90000048  }
0xb6: {  	_ =	sfence  }
0xb7: {  	s30 =	sld [smem:$0x0];
	_ =	sdelay $0x2  }
0xb8: {  	s31 =	sshll.u32 s1, $0xD;
	s1 =	sshrl.u32 s1, $0x2  }
0xb9: {  	s3 =	sand.u32 $0x4000, s31;
	s1 =	sadd.s32 s1, s30  }
0xba: {  	s0 =	sor.u32 s3, s0;
	s1 =	sshll.u32 s1, $0x11  }
0xbb: {  	s0 =	sor.u32 s1, s0  }
0xbc: {  	s0 =	sadd.s32 $0x8F2B, s0  }
0xbd: {  	[sflag:s0] =	ssyncadd.remote.s32 $0x1  }
0xbe: {  	_ =	sfence.sel $0xFFFF  }
0xbf: {  	[dreg:$0x0] =	wrdreg $0xFFFFFFFF;
	(pc) =	sbr.abs _section_cstart, $3  }
0xc0: {  	[dreg:$0x1] =	wrdreg $0xFFFFFFFF  }
0xc1: {  	_ =	task.clear_ibuf [dreg:s7], $0x2FFFF;
	_ =	strace $0x9FFFFFFF  }
0xc2: {  	(tm) =	ssettm $0x7FFFFFFF  }
0xc3: {  	_ =	shalt  }
tec
execute0_lowered:
.L_overlay_start_1:
0x0: {  	(tag) =	ssettag $0x1  }
0x1: {  	s0 =	srdreg.scid;
	s1 =	stileid.u32  }
0x2: {  	s0 =	sand.u32 $0x1, s0;
	s1 =	sshll.u32 s1, $0x1  }
0x3: {  	s1 =	sor.u32 s0, s1  }
0x4: {  	s4 =	smul.u32 $0x50, s1  }
0x5: {  	s2 =	rddreg [dreg:$0x0];
	s1 =	smul.u32 $0x6D800, s1  }
0x6: {  	s5 =	rddreg [dreg:$0x1]  }
0x7: {  	s3 =	simm.s32 $0x0;
	s4 =	sadd.s32 s4, s5;
	s1 =	sshrl.u32 s1, $0x3  }
0x8: {  	[smem:$0x7FF] =	sst s3;
	s1 =	sadd.s32 s1, s5;
	s4 =	sadd.s32 $0x1000, s4  }
0x9: {  	_ =	strace $0x80000047;
	[dreg:$0x3] =	wrdreg s4;
	s22 =	sadd.s32 $0x1A00, s1  }
0xa: {  	s7 =	simm.s32 $0x3;
	s23 =	sadd.s32 $0x3500, s1;
	[dreg:$0x4] =	wrdreg s22  }
0xb: {  	s19 =	simm.s32 $0x1;
	s24 =	sadd.s32 $0x5000, s1;
	[dreg:$0x5] =	wrdreg s23  }
0xc: {  	s20 =	simm.s32 $0x2;
	s25 =	sadd.s32 $0x6B00, s1;
	[dreg:$0x6] =	wrdreg s24  }
0xd: {  	s0 =	ssub.s32 $0x2, s0;
	s26 =	sadd.s32 $0x8600, s1;
	[dreg:$0x7] =	wrdreg s25  }
0xe: {  	s29 =	sshrl.u32 s0, $0x1;
	s28 =	sadd.s32 $0xA100, s1;
	[dreg:$0x8] =	wrdreg s26  }
0xf: {  	s0 =	ssub.s32 s0, s29;
	s30 =	sadd.s32 $0xBC00, s1;
	[dreg:$0x9] =	wrdreg s28  }
0x10: {  	v2 =	vlaneseq.u32;
	s6 =	smax.u32 s0, $0x1;
	s31 =	sadd.s32 $0xD700, s1;
	[dreg:$0xa] =	wrdreg s30  }
0x11: {  	vm0 =	vmmov $0xffff;
	v1 =	vshrl.u32 v2, $0x3;
	s5 =	sadd.s32 $0x200, s2;
	s1 =	sadd.s32 $0xF200, s1;
	[dreg:$0xb] =	wrdreg s31  }
0x12: {  	v0 =	vand.u32 $0x7, v2;
	v2 =	vor.u32 $0x8, v2;
	v1 =	vmul.u32 $0x8, v1;
	s4 =	sadd.s32 $0x100, s2;
	[dreg:$0xc] =	wrdreg s1;
	s1 =	simm.s32 $0x280  }
.LBB2_1:
0x13: {  	s21 =	rddreg [dreg:$0x3]  }
0x14: {  	[tilespmem:s3], [sflag:$0x3] =	stream.linear.gather [hbm4b:s21+s3], $0x280, $0x38;
	[tilespmem:$0x1B280] =	vst v63  }
0x15: {  	_ =	swait.ge [sflag:s7], $0x280  }
0x16: {  	[sflag:s7] =	ssyncset.done $0x0  }
0x17: {  	[sflag:s7] =	ssyncadd.s32 $0xFFFFFD80  }
0x18: {  	v3 =	vld [tilespmem:$0x0];
	_ =	sdelay $0x4  }
0x19: {  	v4 =	vshrl.u32 v3, $0x3  }
0x1a: {  	v4 =	vmul.u32 $0x30, v4  }
0x1b: {  	v3 =	vand.u32 $0x7, v3  }
0x1c: {  	v3 =	vor.u32 v3, v4  }
0x1d: {  	v4 =	vperm.xlane v3, v0;
	_ =	sdelay $0x1  }
0x1e: {  	v4 =	vadd.s32 v1, v4;
	_ =	sdelay $0x3  }
0x1f: {  	v3 =	vperm.xlane v3, v2  }
0x20: {  	[tilespmem:s1], [sflag:$0x1] =	stream.indirect_vreg.gather [hbm4b:s2+s3], $0x80, v4, vm0, $0xb8;
	[tilespmem:$0x1B280] =	vst v63  }
0x21: {  	s0 =	simm.s32 $0xA80;
	v3 =	vadd.s32 v1, v3  }
0x22: {  	[tilespmem:s0], [sflag:$0x1] =	stream.indirect_vreg.gather [hbm4b:s4+s3], $0x80, v4, vm0, $0xb8;
	[tilespmem:$0x1B280] =	vst v63  }
0x23: {  	s13 =	simm.s32 $0x1280  }
0x24: {  	[tilespmem:s13], [sflag:$0x1] =	stream.indirect_vreg.gather [hbm4b:s5+s3], $0x80, v4, vm0, $0xb8;
	[tilespmem:$0x1B280] =	vst v63  }
0x25: {  	s14 =	simm.s32 $0x1A80  }
0x26: {  	[tilespmem:s14], [sflag:$0x1] =	stream.indirect_vreg.gather [hbm4b:s2+s3], $0x80, v3, vm0, $0xb8;
	[tilespmem:$0x1B280] =	vst v63  }
0x27: {  	s15 =	simm.s32 $0x2280  }
0x28: {  	[tilespmem:s15], [sflag:$0x1] =	stream.indirect_vreg.gather [hbm4b:s4+s3], $0x80, v3, vm0, $0xb8;
	[tilespmem:$0x1B280] =	vst v63  }
0x29: {  	s16 =	simm.s32 $0x2A80  }
0x2a: {  	[tilespmem:s16], [sflag:$0x1] =	stream.indirect_vreg.gather [hbm4b:s5+s3], $0x80, v3, vm0, $0xb8;
	[tilespmem:$0x1B280] =	vst v63  }
0x2b: {  	v3 =	vld [tilespmem:$0x10];
	_ =	sdelay $0x4  }
0x2c: {  	v24 =	vshrl.u32 v3, $0x3  }
0x2d: {  	v4 =	vmul.u32 $0x30, v24  }
0x2e: {  	v3 =	vand.u32 $0x7, v3  }
0x2f: {  	v3 =	vor.u32 v3, v4  }
0x30: {  	v4 =	vperm.xlane v3, v0;
	_ =	sdelay $0x1  }
0x31: {  	v4 =	vadd.s32 v1, v4;
	_ =	sdelay $0x3  }
0x32: {  	s18 =	simm.s32 $0x3280;
	v3 =	vperm.xlane v3, v2  }
0x33: {  	[tilespmem:s18], [sflag:$0x1] =	stream.indirect_vreg.gather [hbm4b:s2+s3], $0x80, v4, vm0, $0xb8;
	[tilespmem:$0x1B280] =	vst v63  }
0x34: {  	s21 =	simm.s32 $0x3A80;
	v3 =	vadd.s32 v1, v3  }
0x35: {  	[tilespmem:s21], [sflag:$0x1] =	stream.indirect_vreg.gather [hbm4b:s4+s3], $0x80, v4, vm0, $0xb8;
	[tilespmem:$0x1B280] =	vst v63  }
0x36: {  	s22 =	simm.s32 $0x4280  }
0x37: {  	[tilespmem:s22], [sflag:$0x1] =	stream.indirect_vreg.gather [hbm4b:s5+s3], $0x80, v4, vm0, $0xb8;
	[tilespmem:$0x1B280] =	vst v63  }
0x38: {  	s24 =	simm.s32 $0x4A80  }
0x39: {  	[tilespmem:s24], [sflag:$0x1] =	stream.indirect_vreg.gather [hbm4b:s2+s3], $0x80, v3, vm0, $0xb8;
	[tilespmem:$0x1B280] =	vst v63  }
0x3a: {  	s25 =	simm.s32 $0x5280  }
0x3b: {  	[tilespmem:s25], [sflag:$0x1] =	stream.indirect_vreg.gather [hbm4b:s4+s3], $0x80, v3, vm0, $0xb8;
	[tilespmem:$0x1B280] =	vst v63  }
0x3c: {  	s26 =	simm.s32 $0x5A80  }
0x3d: {  	[tilespmem:s26], [sflag:$0x1] =	stream.indirect_vreg.gather [hbm4b:s5+s3], $0x80, v3, vm0, $0xb8;
	[tilespmem:$0x1B280] =	vst v63  }
0x3e: {  	v3 =	vld [tilespmem:$0x20];
	_ =	sdelay $0x4  }
0x3f: {  	v25 =	vshrl.u32 v3, $0x3  }
0x40: {  	v4 =	vmul.u32 $0x30, v25  }
0x41: {  	v3 =	vand.u32 $0x7, v3  }
0x42: {  	v3 =	vor.u32 v3, v4  }
0x43: {  	v4 =	vperm.xlane v3, v0;
	_ =	sdelay $0x1  }
0x44: {  	v4 =	vadd.s32 v1, v4;
	_ =	sdelay $0x3  }
0x45: {  	s28 =	simm.s32 $0x6280;
	v3 =	vperm.xlane v3, v2  }
0x46: {  	[tilespmem:s28], [sflag:$0x1] =	stream.indirect_vreg.gather [hbm4b:s2+s3], $0x80, v4, vm0, $0xb8;
	[tilespmem:$0x1B280] =	vst v63  }
0x47: {  	s29 =	simm.s32 $0x6A80;
	v3 =	vadd.s32 v1, v3  }
0x48: {  	[tilespmem:s29], [sflag:$0x1] =	stream.indirect_vreg.gather [hbm4b:s4+s3], $0x80, v4, vm0, $0xb8;
	[tilespmem:$0x1B280] =	vst v63  }
0x49: {  	s9 =	simm.s32 $0x7280  }
0x4a: {  	[tilespmem:s9], [sflag:$0x1] =	stream.indirect_vreg.gather [hbm4b:s5+s3], $0x80, v4, vm0, $0xb8;
	[tilespmem:$0x1B280] =	vst v63  }
0x4b: {  	s10 =	simm.s32 $0x7A80  }
0x4c: {  	[tilespmem:s10], [sflag:$0x1] =	stream.indirect_vreg.gather [hbm4b:s2+s3], $0x80, v3, vm0, $0xb8;
	[tilespmem:$0x1B280] =	vst v63  }
0x4d: {  	s11 =	simm.s32 $0x8280  }
0x4e: {  	[tilespmem:s11], [sflag:$0x1] =	stream.indirect_vreg.gather [hbm4b:s4+s3], $0x80, v3, vm0, $0xb8;
	[tilespmem:$0x1B280] =	vst v63  }
0x4f: {  	s12 =	simm.s32 $0x8A80  }
0x50: {  	[tilespmem:s12], [sflag:$0x1] =	stream.indirect_vreg.gather [hbm4b:s5+s3], $0x80, v3, vm0, $0xb8;
	[tilespmem:$0x1B280] =	vst v63  }
0x51: {  	v3 =	vld [tilespmem:$0x30];
	_ =	sdelay $0x4  }
0x52: {  	v26 =	vshrl.u32 v3, $0x3  }
0x53: {  	v4 =	vmul.u32 $0x30, v26  }
0x54: {  	v3 =	vand.u32 $0x7, v3  }
0x55: {  	v3 =	vor.u32 v3, v4  }
0x56: {  	v4 =	vperm.xlane v3, v0;
	_ =	sdelay $0x1  }
0x57: {  	v4 =	vadd.s32 v1, v4;
	_ =	sdelay $0x3  }
0x58: {  	s16 =	simm.s32 $0x9280;
	v3 =	vperm.xlane v3, v2  }
0x59: {  	[tilespmem:s16], [sflag:$0x1] =	stream.indirect_vreg.gather [hbm4b:s2+s3], $0x80, v4, vm0, $0xb8;
	[tilespmem:$0x1B280] =	vst v63  }
0x5a: {  	s21 =	simm.s32 $0x9A80;
	v3 =	vadd.s32 v1, v3  }
0x5b: {  	[tilespmem:s21], [sflag:$0x1] =	stream.indirect_vreg.gather [hbm4b:s4+s3], $0x80, v4, vm0, $0xb8;
	[tilespmem:$0x1B280] =	vst v63  }
0x5c: {  	s24 =	simm.s32 $0xA280  }
0x5d: {  	[tilespmem:s24], [sflag:$0x1] =	stream.indirect_vreg.gather [hbm4b:s5+s3], $0x80, v4, vm0, $0xb8;
	[tilespmem:$0x1B280] =	vst v63  }
0x5e: {  	s28 =	simm.s32 $0xAA80  }
0x5f: {  	[tilespmem:s28], [sflag:$0x1] =	stream.indirect_vreg.gather [hbm4b:s2+s3], $0x80, v3, vm0, $0xb8;
	[tilespmem:$0x1B280] =	vst v63  }
0x60: {  	s11 =	simm.s32 $0xB280  }
0x61: {  	[tilespmem:s11], [sflag:$0x1] =	stream.indirect_vreg.gather [hbm4b:s4+s3], $0x80, v3, vm0, $0xb8;
	[tilespmem:$0x1B280] =	vst v63  }
0x62: {  	s12 =	simm.s32 $0xBA80  }
0x63: {  	[tilespmem:s12], [sflag:$0x1] =	stream.indirect_vreg.gather [hbm4b:s5+s3], $0x80, v3, vm0, $0xb8;
	[tilespmem:$0x1B280] =	vst v63  }
0x64: {  	v3 =	vld.msk [tilespmem:$0x40], $0xff;
	_ =	sdelay $0x4  }
0x65: {  	v27 =	vshrl.u32 v3, $0x3  }
0x66: {  	v4 =	vmul.u32 $0x30, v27  }
0x67: {  	v3 =	vand.u32 $0x7, v3  }
0x68: {  	v3 =	vor.u32 v3, v4  }
0x69: {  	v3 =	vperm.xlane v3, v0;
	_ =	sdelay $0x1  }
0x6a: {  	v3 =	vadd.s32 v1, v3;
	_ =	sdelay $0x3  }
0x6b: {  	s16 =	simm.s32 $0xC280  }
0x6c: {  	[tilespmem:s16], [sflag:$0x1] =	stream.indirect_vreg.gather [hbm4b:s2+s3], $0x80, v3, vm0, $0xb8;
	[tilespmem:$0x1B280] =	vst v63  }
0x6d: {  	s21 =	simm.s32 $0xCA80  }
0x6e: {  	[tilespmem:s21], [sflag:$0x1] =	stream.indirect_vreg.gather [hbm4b:s4+s3], $0x80, v3, vm0, $0xb8;
	[tilespmem:$0x1B280] =	vst v63  }
0x6f: {  	s12 =	simm.s32 $0xD280  }
0x70: {  	[tilespmem:s12], [sflag:$0x1] =	stream.indirect_vreg.gather [hbm4b:s5+s3], $0x80, v3, vm0, $0xb8;
	[tilespmem:$0x1B280] =	vst v63  }
0x71: {  	v3 =	vld [tilespmem:$0x48];
	_ =	sdelay $0x4  }
0x72: {  	v28 =	vshrl.u32 v3, $0x3  }
0x73: {  	v4 =	vmul.u32 $0x30, v28  }
0x74: {  	v3 =	vand.u32 $0x7, v3  }
0x75: {  	v3 =	vor.u32 v3, v4  }
0x76: {  	v4 =	vperm.xlane v3, v0;
	_ =	sdelay $0x1  }
0x77: {  	v4 =	vadd.s32 v1, v4;
	_ =	sdelay $0x3  }
0x78: {  	s21 =	simm.s32 $0xDA80;
	v3 =	vperm.xlane v3, v2  }
0x79: {  	[tilespmem:s21], [sflag:$0x2] =	stream.indirect_vreg.gather [hbm4b:s2+s3], $0x80, v4, vm0, $0xb8;
	[tilespmem:$0x1B280] =	vst v63  }
0x7a: {  	v3 =	vadd.s32 v1, v3;
	s21 =	simm.s32 $0xE280  }
0x7b: {  	[tilespmem:s21], [sflag:$0x2] =	stream.indirect_vreg.gather [hbm4b:s4+s3], $0x80, v4, vm0, $0xb8;
	[tilespmem:$0x1B280] =	vst v63  }
0x7c: {  	s21 =	simm.s32 $0xEA80  }
0x7d: {  	[tilespmem:s21], [sflag:$0x2] =	stream.indirect_vreg.gather [hbm4b:s5+s3], $0x80, v4, vm0, $0xb8;
	[tilespmem:$0x1B280] =	vst v63  }
0x7e: {  	s21 =	simm.s32 $0xF280  }
0x7f: {  	[tilespmem:s21], [sflag:$0x2] =	stream.indirect_vreg.gather [hbm4b:s2+s3], $0x80, v3, vm0, $0xb8;
	[tilespmem:$0x1B280] =	vst v63  }
0x80: {  	s21 =	simm.s32 $0xFA80  }
0x81: {  	[tilespmem:s21], [sflag:$0x2] =	stream.indirect_vreg.gather [hbm4b:s4+s3], $0x80, v3, vm0, $0xb8;
	[tilespmem:$0x1B280] =	vst v63  }
0x82: {  	s21 =	simm.s32 $0x10280  }
0x83: {  	[tilespmem:s21], [sflag:$0x2] =	stream.indirect_vreg.gather [hbm4b:s5+s3], $0x80, v3, vm0, $0xb8;
	[tilespmem:$0x1B280] =	vst v63  }
0x84: {  	v3 =	vld [tilespmem:$0x58];
	_ =	sdelay $0x4  }
0x85: {  	v29 =	vshrl.u32 v3, $0x3  }
0x86: {  	v4 =	vmul.u32 $0x30, v29  }
0x87: {  	v3 =	vand.u32 $0x7, v3  }
0x88: {  	v3 =	vor.u32 v3, v4  }
0x89: {  	v4 =	vperm.xlane v3, v0;
	_ =	sdelay $0x1  }
0x8a: {  	v4 =	vadd.s32 v1, v4;
	_ =	sdelay $0x3  }
0x8b: {  	s21 =	simm.s32 $0x10A80;
	v3 =	vperm.xlane v3, v2  }
0x8c: {  	[tilespmem:s21], [sflag:$0x2] =	stream.indirect_vreg.gather [hbm4b:s2+s3], $0x80, v4, vm0, $0xb8;
	[tilespmem:$0x1B280] =	vst v63  }
0x8d: {  	v3 =	vadd.s32 v1, v3;
	s21 =	simm.s32 $0x11280  }
0x8e: {  	[tilespmem:s21], [sflag:$0x2] =	stream.indirect_vreg.gather [hbm4b:s4+s3], $0x80, v4, vm0, $0xb8;
	[tilespmem:$0x1B280] =	vst v63  }
0x8f: {  	s21 =	simm.s32 $0x11A80  }
0x90: {  	[tilespmem:s21], [sflag:$0x2] =	stream.indirect_vreg.gather [hbm4b:s5+s3], $0x80, v4, vm0, $0xb8;
	[tilespmem:$0x1B280] =	vst v63  }
0x91: {  	s21 =	simm.s32 $0x12280  }
0x92: {  	[tilespmem:s21], [sflag:$0x2] =	stream.indirect_vreg.gather [hbm4b:s2+s3], $0x80, v3, vm0, $0xb8;
	[tilespmem:$0x1B280] =	vst v63  }
0x93: {  	s21 =	simm.s32 $0x12A80  }
0x94: {  	[tilespmem:s21], [sflag:$0x2] =	stream.indirect_vreg.gather [hbm4b:s4+s3], $0x80, v3, vm0, $0xb8;
	[tilespmem:$0x1B280] =	vst v63  }
0x95: {  	s21 =	simm.s32 $0x13280  }
0x96: {  	[tilespmem:s21], [sflag:$0x2] =	stream.indirect_vreg.gather [hbm4b:s5+s3], $0x80, v3, vm0, $0xb8;
	[tilespmem:$0x1B280] =	vst v63  }
0x97: {  	v3 =	vld [tilespmem:$0x68];
	_ =	sdelay $0x4  }
0x98: {  	v30 =	vshrl.u32 v3, $0x3  }
0x99: {  	v4 =	vmul.u32 $0x30, v30  }
0x9a: {  	v3 =	vand.u32 $0x7, v3  }
0x9b: {  	v3 =	vor.u32 v3, v4  }
0x9c: {  	v4 =	vperm.xlane v3, v0;
	_ =	sdelay $0x1  }
0x9d: {  	v4 =	vadd.s32 v1, v4;
	_ =	sdelay $0x3  }
0x9e: {  	s21 =	simm.s32 $0x13A80;
	v3 =	vperm.xlane v3, v2  }
0x9f: {  	[tilespmem:s21], [sflag:$0x2] =	stream.indirect_vreg.gather [hbm4b:s2+s3], $0x80, v4, vm0, $0xb8;
	[tilespmem:$0x1B280] =	vst v63  }
0xa0: {  	v3 =	vadd.s32 v1, v3;
	s21 =	simm.s32 $0x14280  }
0xa1: {  	[tilespmem:s21], [sflag:$0x2] =	stream.indirect_vreg.gather [hbm4b:s4+s3], $0x80, v4, vm0, $0xb8;
	[tilespmem:$0x1B280] =	vst v63  }
0xa2: {  	s21 =	simm.s32 $0x14A80  }
0xa3: {  	[tilespmem:s21], [sflag:$0x2] =	stream.indirect_vreg.gather [hbm4b:s5+s3], $0x80, v4, vm0, $0xb8;
	[tilespmem:$0x1B280] =	vst v63  }
0xa4: {  	s21 =	simm.s32 $0x15280  }
0xa5: {  	[tilespmem:s21], [sflag:$0x2] =	stream.indirect_vreg.gather [hbm4b:s2+s3], $0x80, v3, vm0, $0xb8;
	[tilespmem:$0x1B280] =	vst v63  }
0xa6: {  	s21 =	simm.s32 $0x15A80  }
0xa7: {  	[tilespmem:s21], [sflag:$0x2] =	stream.indirect_vreg.gather [hbm4b:s4+s3], $0x80, v3, vm0, $0xb8;
	[tilespmem:$0x1B280] =	vst v63  }
0xa8: {  	s21 =	simm.s32 $0x16280  }
0xa9: {  	[tilespmem:s21], [sflag:$0x2] =	stream.indirect_vreg.gather [hbm4b:s5+s3], $0x80, v3, vm0, $0xb8;
	[tilespmem:$0x1B280] =	vst v63  }
0xaa: {  	v3 =	vld [tilespmem:$0x78];
	_ =	sdelay $0x4  }
0xab: {  	v31 =	vshrl.u32 v3, $0x3  }
0xac: {  	v4 =	vmul.u32 $0x30, v31  }
0xad: {  	v3 =	vand.u32 $0x7, v3  }
0xae: {  	v3 =	vor.u32 v3, v4  }
0xaf: {  	v4 =	vperm.xlane v3, v0;
	_ =	sdelay $0x1  }
0xb0: {  	v4 =	vadd.s32 v1, v4;
	_ =	sdelay $0x3  }
0xb1: {  	s21 =	simm.s32 $0x16A80;
	v3 =	vperm.xlane v3, v2  }
0xb2: {  	[tilespmem:s21], [sflag:$0x2] =	stream.indirect_vreg.gather [hbm4b:s2+s3], $0x80, v4, vm0, $0xb8;
	[tilespmem:$0x1B280] =	vst v63  }
0xb3: {  	v3 =	vadd.s32 v1, v3;
	s21 =	simm.s32 $0x17280  }
0xb4: {  	[tilespmem:s21], [sflag:$0x2] =	stream.indirect_vreg.gather [hbm4b:s4+s3], $0x80, v4, vm0, $0xb8;
	[tilespmem:$0x1B280] =	vst v63  }
0xb5: {  	s21 =	simm.s32 $0x17A80  }
0xb6: {  	[tilespmem:s21], [sflag:$0x2] =	stream.indirect_vreg.gather [hbm4b:s5+s3], $0x80, v4, vm0, $0xb8;
	[tilespmem:$0x1B280] =	vst v63  }
0xb7: {  	s21 =	simm.s32 $0x18280  }
0xb8: {  	[tilespmem:s21], [sflag:$0x2] =	stream.indirect_vreg.gather [hbm4b:s2+s3], $0x80, v3, vm0, $0xb8;
	[tilespmem:$0x1B280] =	vst v63  }
0xb9: {  	s21 =	simm.s32 $0x18A80  }
0xba: {  	[tilespmem:s21], [sflag:$0x2] =	stream.indirect_vreg.gather [hbm4b:s4+s3], $0x80, v3, vm0, $0xb8;
	[tilespmem:$0x1B280] =	vst v63  }
0xbb: {  	s21 =	simm.s32 $0x19280  }
0xbc: {  	[tilespmem:s21], [sflag:$0x2] =	stream.indirect_vreg.gather [hbm4b:s5+s3], $0x80, v3, vm0, $0xb8;
	[tilespmem:$0x1B280] =	vst v63  }
0xbd: {  	v3 =	vld.msk [tilespmem:$0x88], $0xff;
	_ =	sdelay $0x4  }
0xbe: {  	v32 =	vshrl.u32 v3, $0x3  }
0xbf: {  	v4 =	vmul.u32 $0x30, v32  }
0xc0: {  	v3 =	vand.u32 $0x7, v3  }
0xc1: {  	v3 =	vor.u32 v3, v4  }
0xc2: {  	v3 =	vperm.xlane v3, v0;
	_ =	sdelay $0x1  }
0xc3: {  	v3 =	vadd.s32 v1, v3;
	_ =	sdelay $0x3  }
0xc4: {  	s21 =	simm.s32 $0x19A80  }
0xc5: {  	[tilespmem:s21], [sflag:$0x2] =	stream.indirect_vreg.gather [hbm4b:s2+s3], $0x80, v3, vm0, $0xb8;
	[tilespmem:$0x1B280] =	vst v63  }
0xc6: {  	s21 =	simm.s32 $0x1A280  }
0xc7: {  	[tilespmem:s21], [sflag:$0x2] =	stream.indirect_vreg.gather [hbm4b:s4+s3], $0x80, v3, vm0, $0xb8;
	[tilespmem:$0x1B280] =	vst v63  }
0xc8: {  	s21 =	simm.s32 $0x1AA80  }
0xc9: {  	[tilespmem:s21], [sflag:$0x2] =	stream.indirect_vreg.gather [hbm4b:s5+s3], $0x80, v3, vm0, $0xb8;
	[tilespmem:$0x1B280] =	vst v63  }
0xca: {  	_ =	swait.ge [sflag:s19], $0xD800  }
0xcb: {  	[sflag:s19] =	ssyncset.done $0x0  }
0xcc: {  	s0 =	rddreg [dreg:$0x4];
	[sflag:s19] =	ssyncadd.s32 $0xFFFF2800  }
0xcd: {  	[hbm4b:s0+s3] =	stream.linear.scatter [tilespmem:s1], [sflag:$0x3], $0xD800, $0x38;
	[tilespmem:$0x1B280] =	vst v63  }
0xce: {  	_ =	swait.ge [sflag:s7], $0xD800  }
0xcf: {  	[sflag:s7] =	ssyncset.done $0x0  }
0xd0: {  	[sflag:s7] =	ssyncadd.s32 $0xFFFF2800  }
0xd1: {  	v3 =	vld [tilespmem:$0x90];
	_ =	sdelay $0x4  }
0xd2: {  	v33 =	vshrl.u32 v3, $0x3  }
0xd3: {  	v4 =	vmul.u32 $0x30, v33  }
0xd4: {  	v3 =	vand.u32 $0x7, v3  }
0xd5: {  	v3 =	vor.u32 v3, v4  }
0xd6: {  	v4 =	vperm.xlane v3, v0;
	_ =	sdelay $0x1  }
0xd7: {  	v4 =	vadd.s32 v1, v4;
	_ =	sdelay $0x3  }
0xd8: {  	v3 =	vperm.xlane v3, v2  }
0xd9: {  	[tilespmem:s1], [sflag:$0x1] =	stream.indirect_vreg.gather [hbm4b:s2+s3], $0x80, v4, vm0, $0xb8;
	[tilespmem:$0x1B280] =	vst v63  }
0xda: {  	s21 =	simm.s32 $0xA80;
	v3 =	vadd.s32 v1, v3  }
0xdb: {  	[tilespmem:s21], [sflag:$0x1] =	stream.indirect_vreg.gather [hbm4b:s4+s3], $0x80, v4, vm0, $0xb8;
	[tilespmem:$0x1B280] =	vst v63  }
0xdc: {  	s8 =	simm.s32 $0x1280  }
0xdd: {  	[tilespmem:s8], [sflag:$0x1] =	stream.indirect_vreg.gather [hbm4b:s5+s3], $0x80, v4, vm0, $0xb8;
	[tilespmem:$0x1B280] =	vst v63  }
0xde: {  	s17 =	simm.s32 $0x1A80  }
0xdf: {  	[tilespmem:s17], [sflag:$0x1] =	stream.indirect_vreg.gather [hbm4b:s2+s3], $0x80, v3, vm0, $0xb8;
	[tilespmem:$0x1B280] =	vst v63  }
0xe0: {  	s23 =	simm.s32 $0x2280  }
0xe1: {  	[tilespmem:s23], [sflag:$0x1] =	stream.indirect_vreg.gather [hbm4b:s4+s3], $0x80, v3, vm0, $0xb8;
	[tilespmem:$0x1B280] =	vst v63  }
0xe2: {  	s30 =	simm.s32 $0x2A80  }
0xe3: {  	[tilespmem:s30], [sflag:$0x1] =	stream.indirect_vreg.gather [hbm4b:s5+s3], $0x80, v3, vm0, $0xb8;
	[tilespmem:$0x1B280] =	vst v63  }
0xe4: {  	v3 =	vld [tilespmem:$0xA0];
	_ =	sdelay $0x4  }
0xe5: {  	v34 =	vshrl.u32 v3, $0x3  }
0xe6: {  	v4 =	vmul.u32 $0x30, v34  }
0xe7: {  	v3 =	vand.u32 $0x7, v3  }
0xe8: {  	v3 =	vor.u32 v3, v4  }
0xe9: {  	v4 =	vperm.xlane v3, v0;
	_ =	sdelay $0x1  }
0xea: {  	v4 =	vadd.s32 v1, v4;
	_ =	sdelay $0x3  }
0xeb: {  	s31 =	simm.s32 $0x3280;
	v3 =	vperm.xlane v3, v2  }
0xec: {  	[tilespmem:s31], [sflag:$0x1] =	stream.indirect_vreg.gather [hbm4b:s2+s3], $0x80, v4, vm0, $0xb8;
	[tilespmem:$0x1B280] =	vst v63  }
0xed: {  	s13 =	simm.s32 $0x3A80;
	v3 =	vadd.s32 v1, v3  }
0xee: {  	[tilespmem:s13], [sflag:$0x1] =	stream.indirect_vreg.gather [hbm4b:s4+s3], $0x80, v4, vm0, $0xb8;
	[tilespmem:$0x1B280] =	vst v63  }
0xef: {  	s14 =	simm.s32 $0x4280  }
0xf0: {  	[tilespmem:s14], [sflag:$0x1] =	stream.indirect_vreg.gather [hbm4b:s5+s3], $0x80, v4, vm0, $0xb8;
	[tilespmem:$0x1B280] =	vst v63  }
0xf1: {  	s15 =	simm.s32 $0x4A80  }
0xf2: {  	[tilespmem:s15], [sflag:$0x1] =	stream.indirect_vreg.gather [hbm4b:s2+s3], $0x80, v3, vm0, $0xb8;
	[tilespmem:$0x1B280] =	vst v63  }
0xf3: {  	s18 =	simm.s32 $0x5280  }
0xf4: {  	[tilespmem:s18], [sflag:$0x1] =	stream.indirect_vreg.gather [hbm4b:s4+s3], $0x80, v3, vm0, $0xb8;
	[tilespmem:$0x1B280] =	vst v63  }
0xf5: {  	s0 =	simm.s32 $0x5A80  }
0xf6: {  	[tilespmem:s0], [sflag:$0x1] =	stream.indirect_vreg.gather [hbm4b:s5+s3], $0x80, v3, vm0, $0xb8;
	[tilespmem:$0x1B280] =	vst v63  }
0xf7: {  	v3 =	vld [tilespmem:$0xB0];
	_ =	sdelay $0x4  }
0xf8: {  	v35 =	vshrl.u32 v3, $0x3  }
0xf9: {  	v4 =	vmul.u32 $0x30, v35  }
0xfa: {  	v3 =	vand.u32 $0x7, v3  }
0xfb: {  	v3 =	vor.u32 v3, v4  }
0xfc: {  	v4 =	vperm.xlane v3, v0;
	_ =	sdelay $0x1  }
0xfd: {  	v4 =	vadd.s32 v1, v4;
	_ =	sdelay $0x3  }
0xfe: {  	s14 =	simm.s32 $0x6280;
	v3 =	vperm.xlane v3, v2  }
0xff: {  	[tilespmem:s14], [sflag:$0x1] =	stream.indirect_vreg.gather [hbm4b:s2+s3], $0x80, v4, vm0, $0xb8;
	[tilespmem:$0x1B280] =	vst v63  }
0x100: {  	s22 =	simm.s32 $0x6A80;
	v3 =	vadd.s32 v1, v3  }
0x101: {  	[tilespmem:s22], [sflag:$0x1] =	stream.indirect_vreg.gather [hbm4b:s4+s3], $0x80, v4, vm0, $0xb8;
	[tilespmem:$0x1B280] =	vst v63  }
0x102: {  	s25 =	simm.s32 $0x7280  }
0x103: {  	[tilespmem:s25], [sflag:$0x1] =	stream.indirect_vreg.gather [hbm4b:s5+s3], $0x80, v4, vm0, $0xb8;
	[tilespmem:$0x1B280] =	vst v63  }
0x104: {  	s26 =	simm.s32 $0x7A80  }
0x105: {  	[tilespmem:s26], [sflag:$0x1] =	stream.indirect_vreg.gather [hbm4b:s2+s3], $0x80, v3, vm0, $0xb8;
	[tilespmem:$0x1B280] =	vst v63  }
0x106: {  	s29 =	simm.s32 $0x8280  }
0x107: {  	[tilespmem:s29], [sflag:$0x1] =	stream.indirect_vreg.gather [hbm4b:s4+s3], $0x80, v3, vm0, $0xb8;
	[tilespmem:$0x1B280] =	vst v63  }
0x108: {  	s9 =	simm.s32 $0x8A80  }
0x109: {  	[tilespmem:s9], [sflag:$0x1] =	stream.indirect_vreg.gather [hbm4b:s5+s3], $0x80, v3, vm0, $0xb8;
	[tilespmem:$0x1B280] =	vst v63  }
0x10a: {  	v3 =	vld [tilespmem:$0xC0];
	_ =	sdelay $0x4  }
0x10b: {  	v36 =	vshrl.u32 v3, $0x3  }
0x10c: {  	v4 =	vmul.u32 $0x30, v36  }
0x10d: {  	v3 =	vand.u32 $0x7, v3  }
0x10e: {  	v3 =	vor.u32 v3, v4  }
0x10f: {  	v4 =	vperm.xlane v3, v0;
	_ =	sdelay $0x1  }
0x110: {  	v4 =	vadd.s32 v1, v4;
	_ =	sdelay $0x3  }
0x111: {  	s10 =	simm.s32 $0x9280;
	v3 =	vperm.xlane v3, v2  }
0x112: {  	[tilespmem:s10], [sflag:$0x1] =	stream.indirect_vreg.gather [hbm4b:s2+s3], $0x80, v4, vm0, $0xb8;
	[tilespmem:$0x1B280] =	vst v63  }
0x113: {  	s30 =	simm.s32 $0x9A80;
	v3 =	vadd.s32 v1, v3  }
0x114: {  	[tilespmem:s30], [sflag:$0x1] =	stream.indirect_vreg.gather [hbm4b:s4+s3], $0x80, v4, vm0, $0xb8;
	[tilespmem:$0x1B280] =	vst v63  }
0x115: {  	s31 =	simm.s32 $0xA280  }
0x116: {  	[tilespmem:s31], [sflag:$0x1] =	stream.indirect_vreg.gather [hbm4b:s5+s3], $0x80, v4, vm0, $0xb8;
	[tilespmem:$0x1B280] =	vst v63  }
0x117: {  	s15 =	simm.s32 $0xAA80  }
0x118: {  	[tilespmem:s15], [sflag:$0x1] =	stream.indirect_vreg.gather [hbm4b:s2+s3], $0x80, v3, vm0, $0xb8;
	[tilespmem:$0x1B280] =	vst v63  }
0x119: {  	s24 =	simm.s32 $0xB280  }
0x11a: {  	[tilespmem:s24], [sflag:$0x1] =	stream.indirect_vreg.gather [hbm4b:s4+s3], $0x80, v3, vm0, $0xb8;
	[tilespmem:$0x1B280] =	vst v63  }
0x11b: {  	s11 =	simm.s32 $0xBA80  }
0x11c: {  	[tilespmem:s11], [sflag:$0x1] =	stream.indirect_vreg.gather [hbm4b:s5+s3], $0x80, v3, vm0, $0xb8;
	[tilespmem:$0x1B280] =	vst v63  }
0x11d: {  	v3 =	vld.msk [tilespmem:$0xD0], $0xff;
	_ =	sdelay $0x4  }
0x11e: {  	v37 =	vshrl.u32 v3, $0x3  }
0x11f: {  	v4 =	vmul.u32 $0x30, v37  }
0x120: {  	v3 =	vand.u32 $0x7, v3  }
0x121: {  	v3 =	vor.u32 v3, v4  }
0x122: {  	v3 =	vperm.xlane v3, v0;
	_ =	sdelay $0x1  }
0x123: {  	v3 =	vadd.s32 v1, v3;
	_ =	sdelay $0x3  }
0x124: {  	s28 =	simm.s32 $0xC280  }
0x125: {  	[tilespmem:s28], [sflag:$0x1] =	stream.indirect_vreg.gather [hbm4b:s2+s3], $0x80, v3, vm0, $0xb8;
	[tilespmem:$0x1B280] =	vst v63  }
0x126: {  	s16 =	simm.s32 $0xCA80  }
0x127: {  	[tilespmem:s16], [sflag:$0x1] =	stream.indirect_vreg.gather [hbm4b:s4+s3], $0x80, v3, vm0, $0xb8;
	[tilespmem:$0x1B280] =	vst v63  }
0x128: {  	s12 =	simm.s32 $0xD280  }
0x129: {  	[tilespmem:s12], [sflag:$0x1] =	stream.indirect_vreg.gather [hbm4b:s5+s3], $0x80, v3, vm0, $0xb8;
	[tilespmem:$0x1B280] =	vst v63  }
0x12a: {  	_ =	swait.ge [sflag:s20], $0xD800  }
0x12b: {  	[sflag:s20] =	ssyncset.done $0x0  }
0x12c: {  	s18 =	simm.s32 $0xDA80;
	s17 =	rddreg [dreg:$0x5];
	[sflag:s20] =	ssyncadd.s32 $0xFFFF2800  }
0x12d: {  	[hbm4b:s17+s3] =	stream.linear.scatter [tilespmem:s18], [sflag:$0x3], $0xD800, $0x38;
	[tilespmem:$0x1B280] =	vst v63  }
0x12e: {  	_ =	swait.ge [sflag:s7], $0xD800  }
0x12f: {  	[sflag:s7] =	ssyncset.done $0x0  }
0x130: {  	[sflag:s7] =	ssyncadd.s32 $0xFFFF2800  }
0x131: {  	v3 =	vld [tilespmem:$0xD8];
	_ =	sdelay $0x4  }
0x132: {  	v38 =	vshrl.u32 v3, $0x3  }
0x133: {  	v4 =	vmul.u32 $0x30, v38  }
0x134: {  	v3 =	vand.u32 $0x7, v3  }
0x135: {  	v3 =	vor.u32 v3, v4  }
0x136: {  	v4 =	vperm.xlane v3, v0;
	_ =	sdelay $0x1  }
0x137: {  	v4 =	vadd.s32 v1, v4;
	_ =	sdelay $0x3  }
0x138: {  	v3 =	vperm.xlane v3, v2  }
0x139: {  	[tilespmem:s18], [sflag:$0x2] =	stream.indirect_vreg.gather [hbm4b:s2+s3], $0x80, v4, vm0, $0xb8;
	[tilespmem:$0x1B280] =	vst v63  }
0x13a: {  	s8 =	simm.s32 $0xE280;
	v3 =	vadd.s32 v1, v3  }
0x13b: {  	[tilespmem:s8], [sflag:$0x2] =	stream.indirect_vreg.gather [hbm4b:s4+s3], $0x80, v4, vm0, $0xb8;
	[tilespmem:$0x1B280] =	vst v63  }
0x13c: {  	s13 =	simm.s32 $0xEA80  }
0x13d: {  	[tilespmem:s13], [sflag:$0x2] =	stream.indirect_vreg.gather [hbm4b:s5+s3], $0x80, v4, vm0, $0xb8;
	[tilespmem:$0x1B280] =	vst v63  }
0x13e: {  	s9 =	simm.s32 $0xF280  }
0x13f: {  	[tilespmem:s9], [sflag:$0x2] =	stream.indirect_vreg.gather [hbm4b:s2+s3], $0x80, v3, vm0, $0xb8;
	[tilespmem:$0x1B280] =	vst v63  }
0x140: {  	s10 =	simm.s32 $0xFA80  }
0x141: {  	[tilespmem:s10], [sflag:$0x2] =	stream.indirect_vreg.gather [hbm4b:s4+s3], $0x80, v3, vm0, $0xb8;
	[tilespmem:$0x1B280] =	vst v63  }
0x142: {  	s21 =	simm.s32 $0x10280  }
0x143: {  	[tilespmem:s21], [sflag:$0x2] =	stream.indirect_vreg.gather [hbm4b:s5+s3], $0x80, v3, vm0, $0xb8;
	[tilespmem:$0x1B280] =	vst v63  }
0x144: {  	v3 =	vld [tilespmem:$0xE8];
	_ =	sdelay $0x4  }
0x145: {  	v39 =	vshrl.u32 v3, $0x3  }
0x146: {  	v4 =	vmul.u32 $0x30, v39  }
0x147: {  	v3 =	vand.u32 $0x7, v3  }
0x148: {  	v3 =	vor.u32 v3, v4  }
0x149: {  	v4 =	vperm.xlane v3, v0;
	_ =	sdelay $0x1  }
0x14a: {  	v4 =	vadd.s32 v1, v4;
	_ =	sdelay $0x3  }
0x14b: {  	s22 =	simm.s32 $0x10A80;
	v3 =	vperm.xlane v3, v2  }
0x14c: {  	[tilespmem:s22], [sflag:$0x2] =	stream.indirect_vreg.gather [hbm4b:s2+s3], $0x80, v4, vm0, $0xb8;
	[tilespmem:$0x1B280] =	vst v63  }
0x14d: {  	s23 =	simm.s32 $0x11280;
	v3 =	vadd.s32 v1, v3  }
0x14e: {  	[tilespmem:s23], [sflag:$0x2] =	stream.indirect_vreg.gather [hbm4b:s4+s3], $0x80, v4, vm0, $0xb8;
	[tilespmem:$0x1B280] =	vst v63  }
0x14f: {  	s12 =	simm.s32 $0x11A80  }
0x150: {  	[tilespmem:s12], [sflag:$0x2] =	stream.indirect_vreg.gather [hbm4b:s5+s3], $0x80, v4, vm0, $0xb8;
	[tilespmem:$0x1B280] =	vst v63  }
0x151: {  	s14 =	simm.s32 $0x12280  }
0x152: {  	[tilespmem:s14], [sflag:$0x2] =	stream.indirect_vreg.gather [hbm4b:s2+s3], $0x80, v3, vm0, $0xb8;
	[tilespmem:$0x1B280] =	vst v63  }
0x153: {  	s15 =	simm.s32 $0x12A80  }
0x154: {  	[tilespmem:s15], [sflag:$0x2] =	stream.indirect_vreg.gather [hbm4b:s4+s3], $0x80, v3, vm0, $0xb8;
	[tilespmem:$0x1B280] =	vst v63  }
0x155: {  	s24 =	simm.s32 $0x13280  }
0x156: {  	[tilespmem:s24], [sflag:$0x2] =	stream.indirect_vreg.gather [hbm4b:s5+s3], $0x80, v3, vm0, $0xb8;
	[tilespmem:$0x1B280] =	vst v63  }
0x157: {  	v3 =	vld [tilespmem:$0xF8];
	_ =	sdelay $0x4  }
0x158: {  	v40 =	vshrl.u32 v3, $0x3  }
0x159: {  	v4 =	vmul.u32 $0x30, v40  }
0x15a: {  	v3 =	vand.u32 $0x7, v3  }
0x15b: {  	v3 =	vor.u32 v3, v4  }
0x15c: {  	v4 =	vperm.xlane v3, v0;
	_ =	sdelay $0x1  }
0x15d: {  	v4 =	vadd.s32 v1, v4;
	_ =	sdelay $0x3  }
0x15e: {  	s25 =	simm.s32 $0x13A80;
	v3 =	vperm.xlane v3, v2  }
0x15f: {  	[tilespmem:s25], [sflag:$0x2] =	stream.indirect_vreg.gather [hbm4b:s2+s3], $0x80, v4, vm0, $0xb8;
	[tilespmem:$0x1B280] =	vst v63  }
0x160: {  	s16 =	simm.s32 $0x14280;
	v3 =	vadd.s32 v1, v3  }
0x161: {  	[tilespmem:s16], [sflag:$0x2] =	stream.indirect_vreg.gather [hbm4b:s4+s3], $0x80, v4, vm0, $0xb8;
	[tilespmem:$0x1B280] =	vst v63  }
0x162: {  	s17 =	simm.s32 $0x14A80  }
0x163: {  	[tilespmem:s17], [sflag:$0x2] =	stream.indirect_vreg.gather [hbm4b:s5+s3], $0x80, v4, vm0, $0xb8;
	[tilespmem:$0x1B280] =	vst v63  }
0x164: {  	s18 =	simm.s32 $0x15280  }
0x165: {  	[tilespmem:s18], [sflag:$0x2] =	stream.indirect_vreg.gather [hbm4b:s2+s3], $0x80, v3, vm0, $0xb8;
	[tilespmem:$0x1B280] =	vst v63  }
0x166: {  	s22 =	simm.s32 $0x15A80  }
0x167: {  	[tilespmem:s22], [sflag:$0x2] =	stream.indirect_vreg.gather [hbm4b:s4+s3], $0x80, v3, vm0, $0xb8;
	[tilespmem:$0x1B280] =	vst v63  }
0x168: {  	s26 =	simm.s32 $0x16280  }
0x169: {  	[tilespmem:s26], [sflag:$0x2] =	stream.indirect_vreg.gather [hbm4b:s5+s3], $0x80, v3, vm0, $0xb8;
	[tilespmem:$0x1B280] =	vst v63  }
0x16a: {  	v3 =	vld [tilespmem:$0x108];
	_ =	sdelay $0x4  }
0x16b: {  	v41 =	vshrl.u32 v3, $0x3  }
0x16c: {  	v4 =	vmul.u32 $0x30, v41  }
0x16d: {  	v3 =	vand.u32 $0x7, v3  }
0x16e: {  	v3 =	vor.u32 v3, v4  }
0x16f: {  	v4 =	vperm.xlane v3, v0;
	_ =	sdelay $0x1  }
0x170: {  	v4 =	vadd.s32 v1, v4;
	_ =	sdelay $0x3  }
0x171: {  	s28 =	simm.s32 $0x16A80;
	v3 =	vperm.xlane v3, v2  }
0x172: {  	[tilespmem:s28], [sflag:$0x2] =	stream.indirect_vreg.gather [hbm4b:s2+s3], $0x80, v4, vm0, $0xb8;
	[tilespmem:$0x1B280] =	vst v63  }
0x173: {  	s23 =	simm.s32 $0x17280;
	v3 =	vadd.s32 v1, v3  }
0x174: {  	[tilespmem:s23], [sflag:$0x2] =	stream.indirect_vreg.gather [hbm4b:s4+s3], $0x80, v4, vm0, $0xb8;
	[tilespmem:$0x1B280] =	vst v63  }
0x175: {  	s24 =	simm.s32 $0x17A80  }
0x176: {  	[tilespmem:s24], [sflag:$0x2] =	stream.indirect_vreg.gather [hbm4b:s5+s3], $0x80, v4, vm0, $0xb8;
	[tilespmem:$0x1B280] =	vst v63  }
0x177: {  	s25 =	simm.s32 $0x18280  }
0x178: {  	[tilespmem:s25], [sflag:$0x2] =	stream.indirect_vreg.gather [hbm4b:s2+s3], $0x80, v3, vm0, $0xb8;
	[tilespmem:$0x1B280] =	vst v63  }
0x179: {  	s26 =	simm.s32 $0x18A80  }
0x17a: {  	[tilespmem:s26], [sflag:$0x2] =	stream.indirect_vreg.gather [hbm4b:s4+s3], $0x80, v3, vm0, $0xb8;
	[tilespmem:$0x1B280] =	vst v63  }
0x17b: {  	s29 =	simm.s32 $0x19280  }
0x17c: {  	[tilespmem:s29], [sflag:$0x2] =	stream.indirect_vreg.gather [hbm4b:s5+s3], $0x80, v3, vm0, $0xb8;
	[tilespmem:$0x1B280] =	vst v63  }
0x17d: {  	v3 =	vld.msk [tilespmem:$0x118], $0xff;
	_ =	sdelay $0x4  }
0x17e: {  	v42 =	vshrl.u32 v3, $0x3  }
0x17f: {  	v4 =	vmul.u32 $0x30, v42  }
0x180: {  	v3 =	vand.u32 $0x7, v3  }
0x181: {  	v3 =	vor.u32 v3, v4  }
0x182: {  	v3 =	vperm.xlane v3, v0;
	_ =	sdelay $0x1  }
0x183: {  	v3 =	vadd.s32 v1, v3;
	_ =	sdelay $0x3  }
0x184: {  	s28 =	simm.s32 $0x19A80  }
0x185: {  	[tilespmem:s28], [sflag:$0x2] =	stream.indirect_vreg.gather [hbm4b:s2+s3], $0x80, v3, vm0, $0xb8;
	[tilespmem:$0x1B280] =	vst v63  }
0x186: {  	s29 =	simm.s32 $0x1A280  }
0x187: {  	[tilespmem:s29], [sflag:$0x2] =	stream.indirect_vreg.gather [hbm4b:s4+s3], $0x80, v3, vm0, $0xb8;
	[tilespmem:$0x1B280] =	vst v63  }
0x188: {  	s21 =	simm.s32 $0x1AA80  }
0x189: {  	[tilespmem:s21], [sflag:$0x2] =	stream.indirect_vreg.gather [hbm4b:s5+s3], $0x80, v3, vm0, $0xb8;
	[tilespmem:$0x1B280] =	vst v63  }
0x18a: {  	_ =	swait.ge [sflag:s19], $0xD800  }
0x18b: {  	[sflag:s19] =	ssyncset.done $0x0  }
0x18c: {  	s11 =	rddreg [dreg:$0x6];
	[sflag:s19] =	ssyncadd.s32 $0xFFFF2800  }
0x18d: {  	[hbm4b:s11+s3] =	stream.linear.scatter [tilespmem:s1], [sflag:$0x3], $0xD800, $0x38;
	[tilespmem:$0x1B280] =	vst v63  }
0x18e: {  	_ =	swait.ge [sflag:s7], $0xD800  }
0x18f: {  	[sflag:s7] =	ssyncset.done $0x0  }
0x190: {  	[sflag:s7] =	ssyncadd.s32 $0xFFFF2800  }
0x191: {  	v3 =	vld [tilespmem:$0x120];
	_ =	sdelay $0x4  }
0x192: {  	v43 =	vshrl.u32 v3, $0x3  }
0x193: {  	v4 =	vmul.u32 $0x30, v43  }
0x194: {  	v3 =	vand.u32 $0x7, v3  }
0x195: {  	v3 =	vor.u32 v3, v4  }
0x196: {  	v4 =	vperm.xlane v3, v0;
	_ =	sdelay $0x1  }
0x197: {  	v4 =	vadd.s32 v1, v4;
	_ =	sdelay $0x3  }
0x198: {  	v3 =	vperm.xlane v3, v2  }
0x199: {  	[tilespmem:s1], [sflag:$0x1] =	stream.indirect_vreg.gather [hbm4b:s2+s3], $0x80, v4, vm0, $0xb8;
	[tilespmem:$0x1B280] =	vst v63  }
0x19a: {  	s21 =	simm.s32 $0xA80;
	v3 =	vadd.s32 v1, v3  }
0x19b: {  	[tilespmem:s21], [sflag:$0x1] =	stream.indirect_vreg.gather [hbm4b:s4+s3], $0x80, v4, vm0, $0xb8;
	[tilespmem:$0x1B280] =	vst v63  }
0x19c: {  	s21 =	simm.s32 $0x1280  }
0x19d: {  	[tilespmem:s21], [sflag:$0x1] =	stream.indirect_vreg.gather [hbm4b:s5+s3], $0x80, v4, vm0, $0xb8;
	[tilespmem:$0x1B280] =	vst v63  }
0x19e: {  	s11 =	simm.s32 $0x1A80  }
0x19f: {  	[tilespmem:s11], [sflag:$0x1] =	stream.indirect_vreg.gather [hbm4b:s2+s3], $0x80, v3, vm0, $0xb8;
	[tilespmem:$0x1B280] =	vst v63  }
0x1a0: {  	s11 =	simm.s32 $0x2280  }
0x1a1: {  	[tilespmem:s11], [sflag:$0x1] =	stream.indirect_vreg.gather [hbm4b:s4+s3], $0x80, v3, vm0, $0xb8;
	[tilespmem:$0x1B280] =	vst v63  }
0x1a2: {  	s11 =	simm.s32 $0x2A80  }
0x1a3: {  	[tilespmem:s11], [sflag:$0x1] =	stream.indirect_vreg.gather [hbm4b:s5+s3], $0x80, v3, vm0, $0xb8;
	[tilespmem:$0x1B280] =	vst v63  }
0x1a4: {  	v3 =	vld [tilespmem:$0x130];
	_ =	sdelay $0x4  }
0x1a5: {  	v44 =	vshrl.u32 v3, $0x3  }
0x1a6: {  	v4 =	vmul.u32 $0x30, v44  }
0x1a7: {  	v3 =	vand.u32 $0x7, v3  }
0x1a8: {  	v3 =	vor.u32 v3, v4  }
0x1a9: {  	v4 =	vperm.xlane v3, v0;
	_ =	sdelay $0x1  }
0x1aa: {  	v4 =	vadd.s32 v1, v4;
	_ =	sdelay $0x3  }
0x1ab: {  	s11 =	simm.s32 $0x3280;
	v3 =	vperm.xlane v3, v2  }
0x1ac: {  	[tilespmem:s11], [sflag:$0x1] =	stream.indirect_vreg.gather [hbm4b:s2+s3], $0x80, v4, vm0, $0xb8;
	[tilespmem:$0x1B280] =	vst v63  }
0x1ad: {  	v3 =	vadd.s32 v1, v3;
	s11 =	simm.s32 $0x3A80  }
0x1ae: {  	[tilespmem:s11], [sflag:$0x1] =	stream.indirect_vreg.gather [hbm4b:s4+s3], $0x80, v4, vm0, $0xb8;
	[tilespmem:$0x1B280] =	vst v63  }
0x1af: {  	s11 =	simm.s32 $0x4280  }
0x1b0: {  	[tilespmem:s11], [sflag:$0x1] =	stream.indirect_vreg.gather [hbm4b:s5+s3], $0x80, v4, vm0, $0xb8;
	[tilespmem:$0x1B280] =	vst v63  }
0x1b1: {  	s11 =	simm.s32 $0x4A80  }
0x1b2: {  	[tilespmem:s11], [sflag:$0x1] =	stream.indirect_vreg.gather [hbm4b:s2+s3], $0x80, v3, vm0, $0xb8;
	[tilespmem:$0x1B280] =	vst v63  }
0x1b3: {  	s11 =	simm.s32 $0x5280  }
0x1b4: {  	[tilespmem:s11], [sflag:$0x1] =	stream.indirect_vreg.gather [hbm4b:s4+s3], $0x80, v3, vm0, $0xb8;
	[tilespmem:$0x1B280] =	vst v63  }
0x1b5: {  	_ = 	snop  }
0x1b6: {  	[tilespmem:s0], [sflag:$0x1] =	stream.indirect_vreg.gather [hbm4b:s5+s3], $0x80, v3, vm0, $0xb8;
	[tilespmem:$0x1B280] =	vst v63  }
0x1b7: {  	v3 =	vld [tilespmem:$0x140];
	_ =	sdelay $0x4  }
0x1b8: {  	v45 =	vshrl.u32 v3, $0x3  }
0x1b9: {  	v4 =	vmul.u32 $0x30, v45  }
0x1ba: {  	v3 =	vand.u32 $0x7, v3  }
0x1bb: {  	v3 =	vor.u32 v3, v4  }
0x1bc: {  	v4 =	vperm.xlane v3, v0;
	_ =	sdelay $0x1  }
0x1bd: {  	v4 =	vadd.s32 v1, v4;
	_ =	sdelay $0x3  }
0x1be: {  	s21 =	simm.s32 $0x6280;
	v3 =	vperm.xlane v3, v2  }
0x1bf: {  	[tilespmem:s21], [sflag:$0x1] =	stream.indirect_vreg.gather [hbm4b:s2+s3], $0x80, v4, vm0, $0xb8;
	[tilespmem:$0x1B280] =	vst v63  }
0x1c0: {  	s11 =	simm.s32 $0x6A80;
	v3 =	vadd.s32 v1, v3  }
0x1c1: {  	[tilespmem:s11], [sflag:$0x1] =	stream.indirect_vreg.gather [hbm4b:s4+s3], $0x80, v4, vm0, $0xb8;
	[tilespmem:$0x1B280] =	vst v63  }
0x1c2: {  	s21 =	simm.s32 $0x7280  }
0x1c3: {  	[tilespmem:s21], [sflag:$0x1] =	stream.indirect_vreg.gather [hbm4b:s5+s3], $0x80, v4, vm0, $0xb8;
	[tilespmem:$0x1B280] =	vst v63  }
0x1c4: {  	s11 =	simm.s32 $0x7A80  }
0x1c5: {  	[tilespmem:s11], [sflag:$0x1] =	stream.indirect_vreg.gather [hbm4b:s2+s3], $0x80, v3, vm0, $0xb8;
	[tilespmem:$0x1B280] =	vst v63  }
0x1c6: {  	s21 =	simm.s32 $0x8280  }
0x1c7: {  	[tilespmem:s21], [sflag:$0x1] =	stream.indirect_vreg.gather [hbm4b:s4+s3], $0x80, v3, vm0, $0xb8;
	[tilespmem:$0x1B280] =	vst v63  }
0x1c8: {  	s11 =	simm.s32 $0x8A80  }
0x1c9: {  	[tilespmem:s11], [sflag:$0x1] =	stream.indirect_vreg.gather [hbm4b:s5+s3], $0x80, v3, vm0, $0xb8;
	[tilespmem:$0x1B280] =	vst v63  }
0x1ca: {  	v3 =	vld [tilespmem:$0x150];
	_ =	sdelay $0x4  }
0x1cb: {  	v46 =	vshrl.u32 v3, $0x3  }
0x1cc: {  	v4 =	vmul.u32 $0x30, v46  }
0x1cd: {  	v3 =	vand.u32 $0x7, v3  }
0x1ce: {  	v3 =	vor.u32 v3, v4  }
0x1cf: {  	v4 =	vperm.xlane v3, v0;
	_ =	sdelay $0x1  }
0x1d0: {  	v4 =	vadd.s32 v1, v4;
	_ =	sdelay $0x3  }
0x1d1: {  	s21 =	simm.s32 $0x9280;
	v3 =	vperm.xlane v3, v2  }
0x1d2: {  	[tilespmem:s21], [sflag:$0x1] =	stream.indirect_vreg.gather [hbm4b:s2+s3], $0x80, v4, vm0, $0xb8;
	[tilespmem:$0x1B280] =	vst v63  }
0x1d3: {  	v3 =	vadd.s32 v1, v3  }
0x1d4: {  	[tilespmem:s30], [sflag:$0x1] =	stream.indirect_vreg.gather [hbm4b:s4+s3], $0x80, v4, vm0, $0xb8;
	[tilespmem:$0x1B280] =	vst v63  }
0x1d5: {  	_ = 	snop  }
0x1d6: {  	[tilespmem:s31], [sflag:$0x1] =	stream.indirect_vreg.gather [hbm4b:s5+s3], $0x80, v4, vm0, $0xb8;
	[tilespmem:$0x1B280] =	vst v63  }
0x1d7: {  	s11 =	simm.s32 $0xAA80  }
0x1d8: {  	[tilespmem:s11], [sflag:$0x1] =	stream.indirect_vreg.gather [hbm4b:s2+s3], $0x80, v3, vm0, $0xb8;
	[tilespmem:$0x1B280] =	vst v63  }
0x1d9: {  	s21 =	simm.s32 $0xB280  }
0x1da: {  	[tilespmem:s21], [sflag:$0x1] =	stream.indirect_vreg.gather [hbm4b:s4+s3], $0x80, v3, vm0, $0xb8;
	[tilespmem:$0x1B280] =	vst v63  }
0x1db: {  	s30 =	simm.s32 $0xBA80  }
0x1dc: {  	[tilespmem:s30], [sflag:$0x1] =	stream.indirect_vreg.gather [hbm4b:s5+s3], $0x80, v3, vm0, $0xb8;
	[tilespmem:$0x1B280] =	vst v63  }
0x1dd: {  	v3 =	vld.msk [tilespmem:$0x160], $0xff;
	_ =	sdelay $0x4  }
0x1de: {  	v47 =	vshrl.u32 v3, $0x3  }
0x1df: {  	v4 =	vmul.u32 $0x30, v47  }
0x1e0: {  	v3 =	vand.u32 $0x7, v3  }
0x1e1: {  	v3 =	vor.u32 v3, v4  }
0x1e2: {  	v3 =	vperm.xlane v3, v0;
	_ =	sdelay $0x1  }
0x1e3: {  	v3 =	vadd.s32 v1, v3;
	_ =	sdelay $0x3  }
0x1e4: {  	s11 =	simm.s32 $0xC280  }
0x1e5: {  	[tilespmem:s11], [sflag:$0x1] =	stream.indirect_vreg.gather [hbm4b:s2+s3], $0x80, v3, vm0, $0xb8;
	[tilespmem:$0x1B280] =	vst v63  }
0x1e6: {  	s21 =	simm.s32 $0xCA80  }
0x1e7: {  	[tilespmem:s21], [sflag:$0x1] =	stream.indirect_vreg.gather [hbm4b:s4+s3], $0x80, v3, vm0, $0xb8;
	[tilespmem:$0x1B280] =	vst v63  }
0x1e8: {  	s30 =	simm.s32 $0xD280  }
0x1e9: {  	[tilespmem:s30], [sflag:$0x1] =	stream.indirect_vreg.gather [hbm4b:s5+s3], $0x80, v3, vm0, $0xb8;
	[tilespmem:$0x1B280] =	vst v63  }
0x1ea: {  	_ =	swait.ge [sflag:s20], $0xD800  }
0x1eb: {  	[sflag:s20] =	ssyncset.done $0x0  }
0x1ec: {  	s30 =	simm.s32 $0xDA80;
	s11 =	rddreg [dreg:$0x7];
	[sflag:s20] =	ssyncadd.s32 $0xFFFF2800  }
0x1ed: {  	[hbm4b:s11+s3] =	stream.linear.scatter [tilespmem:s30], [sflag:$0x3], $0xD800, $0x38;
	[tilespmem:$0x1B280] =	vst v63  }
0x1ee: {  	_ =	swait.ge [sflag:s7], $0xD800  }
0x1ef: {  	[sflag:s7] =	ssyncset.done $0x0  }
0x1f0: {  	[sflag:s7] =	ssyncadd.s32 $0xFFFF2800  }
0x1f1: {  	v3 =	vld [tilespmem:$0x168];
	_ =	sdelay $0x4  }
0x1f2: {  	v48 =	vshrl.u32 v3, $0x3  }
0x1f3: {  	v4 =	vmul.u32 $0x30, v48  }
0x1f4: {  	v3 =	vand.u32 $0x7, v3  }
0x1f5: {  	v3 =	vor.u32 v3, v4  }
0x1f6: {  	v4 =	vperm.xlane v3, v0;
	_ =	sdelay $0x1  }
0x1f7: {  	v4 =	vadd.s32 v1, v4;
	_ =	sdelay $0x3  }
0x1f8: {  	v3 =	vperm.xlane v3, v2  }
0x1f9: {  	[tilespmem:s30], [sflag:$0x2] =	stream.indirect_vreg.gather [hbm4b:s2+s3], $0x80, v4, vm0, $0xb8;
	[tilespmem:$0x1B280] =	vst v63  }
0x1fa: {  	v3 =	vadd.s32 v1, v3  }
0x1fb: {  	[tilespmem:s8], [sflag:$0x2] =	stream.indirect_vreg.gather [hbm4b:s4+s3], $0x80, v4, vm0, $0xb8;
	[tilespmem:$0x1B280] =	vst v63  }
0x1fc: {  	_ = 	snop  }
0x1fd: {  	[tilespmem:s13], [sflag:$0x2] =	stream.indirect_vreg.gather [hbm4b:s5+s3], $0x80, v4, vm0, $0xb8;
	[tilespmem:$0x1B280] =	vst v63  }
0x1fe: {  	_ = 	snop  }
0x1ff: {  	[tilespmem:s9], [sflag:$0x2] =	stream.indirect_vreg.gather [hbm4b:s2+s3], $0x80, v3, vm0, $0xb8;
	[tilespmem:$0x1B280] =	vst v63  }
0x200: {  	_ = 	snop  }
0x201: {  	[tilespmem:s10], [sflag:$0x2] =	stream.indirect_vreg.gather [hbm4b:s4+s3], $0x80, v3, vm0, $0xb8;
	[tilespmem:$0x1B280] =	vst v63  }
0x202: {  	s11 =	simm.s32 $0x10280  }
0x203: {  	[tilespmem:s11], [sflag:$0x2] =	stream.indirect_vreg.gather [hbm4b:s5+s3], $0x80, v3, vm0, $0xb8;
	[tilespmem:$0x1B280] =	vst v63  }
0x204: {  	v3 =	vld [tilespmem:$0x178];
	_ =	sdelay $0x4  }
0x205: {  	v49 =	vshrl.u32 v3, $0x3  }
0x206: {  	v4 =	vmul.u32 $0x30, v49  }
0x207: {  	v3 =	vand.u32 $0x7, v3  }
0x208: {  	v3 =	vor.u32 v3, v4  }
0x209: {  	v4 =	vperm.xlane v3, v0;
	_ =	sdelay $0x1  }
0x20a: {  	v4 =	vadd.s32 v1, v4;
	_ =	sdelay $0x3  }
0x20b: {  	s10 =	simm.s32 $0x10A80;
	v3 =	vperm.xlane v3, v2  }
0x20c: {  	[tilespmem:s10], [sflag:$0x2] =	stream.indirect_vreg.gather [hbm4b:s2+s3], $0x80, v4, vm0, $0xb8;
	[tilespmem:$0x1B280] =	vst v63  }
0x20d: {  	s13 =	simm.s32 $0x11280;
	v3 =	vadd.s32 v1, v3  }
0x20e: {  	[tilespmem:s13], [sflag:$0x2] =	stream.indirect_vreg.gather [hbm4b:s4+s3], $0x80, v4, vm0, $0xb8;
	[tilespmem:$0x1B280] =	vst v63  }
0x20f: {  	_ = 	snop  }
0x210: {  	[tilespmem:s12], [sflag:$0x2] =	stream.indirect_vreg.gather [hbm4b:s5+s3], $0x80, v4, vm0, $0xb8;
	[tilespmem:$0x1B280] =	vst v63  }
0x211: {  	_ = 	snop  }
0x212: {  	[tilespmem:s14], [sflag:$0x2] =	stream.indirect_vreg.gather [hbm4b:s2+s3], $0x80, v3, vm0, $0xb8;
	[tilespmem:$0x1B280] =	vst v63  }
0x213: {  	_ = 	snop  }
0x214: {  	[tilespmem:s15], [sflag:$0x2] =	stream.indirect_vreg.gather [hbm4b:s4+s3], $0x80, v3, vm0, $0xb8;
	[tilespmem:$0x1B280] =	vst v63  }
0x215: {  	s8 =	simm.s32 $0x13280  }
0x216: {  	[tilespmem:s8], [sflag:$0x2] =	stream.indirect_vreg.gather [hbm4b:s5+s3], $0x80, v3, vm0, $0xb8;
	[tilespmem:$0x1B280] =	vst v63  }
0x217: {  	v3 =	vld [tilespmem:$0x188];
	_ =	sdelay $0x4  }
0x218: {  	v50 =	vshrl.u32 v3, $0x3  }
0x219: {  	v4 =	vmul.u32 $0x30, v50  }
0x21a: {  	v3 =	vand.u32 $0x7, v3  }
0x21b: {  	v3 =	vor.u32 v3, v4  }
0x21c: {  	v4 =	vperm.xlane v3, v0;
	_ =	sdelay $0x1  }
0x21d: {  	v4 =	vadd.s32 v1, v4;
	_ =	sdelay $0x3  }
0x21e: {  	s12 =	simm.s32 $0x13A80;
	v3 =	vperm.xlane v3, v2  }
0x21f: {  	[tilespmem:s12], [sflag:$0x2] =	stream.indirect_vreg.gather [hbm4b:s2+s3], $0x80, v4, vm0, $0xb8;
	[tilespmem:$0x1B280] =	vst v63  }
0x220: {  	v3 =	vadd.s32 v1, v3  }
0x221: {  	[tilespmem:s16], [sflag:$0x2] =	stream.indirect_vreg.gather [hbm4b:s4+s3], $0x80, v4, vm0, $0xb8;
	[tilespmem:$0x1B280] =	vst v63  }
0x222: {  	_ = 	snop  }
0x223: {  	[tilespmem:s17], [sflag:$0x2] =	stream.indirect_vreg.gather [hbm4b:s5+s3], $0x80, v4, vm0, $0xb8;
	[tilespmem:$0x1B280] =	vst v63  }
0x224: {  	_ = 	snop  }
0x225: {  	[tilespmem:s18], [sflag:$0x2] =	stream.indirect_vreg.gather [hbm4b:s2+s3], $0x80, v3, vm0, $0xb8;
	[tilespmem:$0x1B280] =	vst v63  }
0x226: {  	_ = 	snop  }
0x227: {  	[tilespmem:s22], [sflag:$0x2] =	stream.indirect_vreg.gather [hbm4b:s4+s3], $0x80, v3, vm0, $0xb8;
	[tilespmem:$0x1B280] =	vst v63  }
0x228: {  	s9 =	simm.s32 $0x16280  }
0x229: {  	[tilespmem:s9], [sflag:$0x2] =	stream.indirect_vreg.gather [hbm4b:s5+s3], $0x80, v3, vm0, $0xb8;
	[tilespmem:$0x1B280] =	vst v63  }
0x22a: {  	v3 =	vld [tilespmem:$0x198];
	_ =	sdelay $0x4  }
0x22b: {  	v51 =	vshrl.u32 v3, $0x3  }
0x22c: {  	v4 =	vmul.u32 $0x30, v51  }
0x22d: {  	v3 =	vand.u32 $0x7, v3  }
0x22e: {  	v3 =	vor.u32 v3, v4  }
0x22f: {  	v4 =	vperm.xlane v3, v0;
	_ =	sdelay $0x1  }
0x230: {  	v4 =	vadd.s32 v1, v4;
	_ =	sdelay $0x3  }
0x231: {  	s13 =	simm.s32 $0x16A80;
	v3 =	vperm.xlane v3, v2  }
0x232: {  	[tilespmem:s13], [sflag:$0x2] =	stream.indirect_vreg.gather [hbm4b:s2+s3], $0x80, v4, vm0, $0xb8;
	[tilespmem:$0x1B280] =	vst v63  }
0x233: {  	v3 =	vadd.s32 v1, v3  }
0x234: {  	[tilespmem:s23], [sflag:$0x2] =	stream.indirect_vreg.gather [hbm4b:s4+s3], $0x80, v4, vm0, $0xb8;
	[tilespmem:$0x1B280] =	vst v63  }
0x235: {  	_ = 	snop  }
0x236: {  	[tilespmem:s24], [sflag:$0x2] =	stream.indirect_vreg.gather [hbm4b:s5+s3], $0x80, v4, vm0, $0xb8;
	[tilespmem:$0x1B280] =	vst v63  }
0x237: {  	_ = 	snop  }
0x238: {  	[tilespmem:s25], [sflag:$0x2] =	stream.indirect_vreg.gather [hbm4b:s2+s3], $0x80, v3, vm0, $0xb8;
	[tilespmem:$0x1B280] =	vst v63  }
0x239: {  	_ = 	snop  }
0x23a: {  	[tilespmem:s26], [sflag:$0x2] =	stream.indirect_vreg.gather [hbm4b:s4+s3], $0x80, v3, vm0, $0xb8;
	[tilespmem:$0x1B280] =	vst v63  }
0x23b: {  	s10 =	simm.s32 $0x19280  }
0x23c: {  	[tilespmem:s10], [sflag:$0x2] =	stream.indirect_vreg.gather [hbm4b:s5+s3], $0x80, v3, vm0, $0xb8;
	[tilespmem:$0x1B280] =	vst v63  }
0x23d: {  	v3 =	vld.msk [tilespmem:$0x1A8], $0xff;
	_ =	sdelay $0x4  }
0x23e: {  	v52 =	vshrl.u32 v3, $0x3  }
0x23f: {  	v4 =	vmul.u32 $0x30, v52  }
0x240: {  	v3 =	vand.u32 $0x7, v3  }
0x241: {  	v3 =	vor.u32 v3, v4  }
0x242: {  	v3 =	vperm.xlane v3, v0;
	_ =	sdelay $0x1  }
0x243: {  	v3 =	vadd.s32 v1, v3;
	_ =	sdelay $0x4  }
0x244: {  	[tilespmem:s28], [sflag:$0x2] =	stream.indirect_vreg.gather [hbm4b:s2+s3], $0x80, v3, vm0, $0xb8;
	[tilespmem:$0x1B280] =	vst v63  }
0x245: {  	_ = 	snop  }
0x246: {  	[tilespmem:s29], [sflag:$0x2] =	stream.indirect_vreg.gather [hbm4b:s4+s3], $0x80, v3, vm0, $0xb8;
	[tilespmem:$0x1B280] =	vst v63  }
0x247: {  	s29 =	simm.s32 $0x1AA80  }
0x248: {  	[tilespmem:s29], [sflag:$0x2] =	stream.indirect_vreg.gather [hbm4b:s5+s3], $0x80, v3, vm0, $0xb8;
	[tilespmem:$0x1B280] =	vst v63  }
0x249: {  	_ =	swait.ge [sflag:s19], $0xD800  }
0x24a: {  	[sflag:s19] =	ssyncset.done $0x0  }
0x24b: {  	s14 =	rddreg [dreg:$0x8];
	[sflag:s19] =	ssyncadd.s32 $0xFFFF2800  }
0x24c: {  	[hbm4b:s14+s3] =	stream.linear.scatter [tilespmem:s1], [sflag:$0x3], $0xD800, $0x38;
	[tilespmem:$0x1B280] =	vst v63  }
0x24d: {  	_ =	swait.ge [sflag:s7], $0xD800  }
0x24e: {  	[sflag:s7] =	ssyncset.done $0x0  }
0x24f: {  	[sflag:s7] =	ssyncadd.s32 $0xFFFF2800  }
0x250: {  	v3 =	vld [tilespmem:$0x1B0];
	_ =	sdelay $0x4  }
0x251: {  	v53 =	vshrl.u32 v3, $0x3  }
0x252: {  	v4 =	vmul.u32 $0x30, v53  }
0x253: {  	v3 =	vand.u32 $0x7, v3  }
0x254: {  	v3 =	vor.u32 v3, v4  }
0x255: {  	v4 =	vperm.xlane v3, v0;
	_ =	sdelay $0x1  }
0x256: {  	v4 =	vadd.s32 v1, v4;
	_ =	sdelay $0x3  }
0x257: {  	v3 =	vperm.xlane v3, v2  }
0x258: {  	[tilespmem:s1], [sflag:$0x1] =	stream.indirect_vreg.gather [hbm4b:s2+s3], $0x80, v4, vm0, $0xb8;
	[tilespmem:$0x1B280] =	vst v63  }
0x259: {  	s0 =	simm.s32 $0xA80;
	v3 =	vadd.s32 v1, v3  }
0x25a: {  	[tilespmem:s0], [sflag:$0x1] =	stream.indirect_vreg.gather [hbm4b:s4+s3], $0x80, v4, vm0, $0xb8;
	[tilespmem:$0x1B280] =	vst v63  }
0x25b: {  	s21 =	simm.s32 $0x1280  }
0x25c: {  	[tilespmem:s21], [sflag:$0x1] =	stream.indirect_vreg.gather [hbm4b:s5+s3], $0x80, v4, vm0, $0xb8;
	[tilespmem:$0x1B280] =	vst v63  }
0x25d: {  	s21 =	simm.s32 $0x1A80  }
0x25e: {  	[tilespmem:s21], [sflag:$0x1] =	stream.indirect_vreg.gather [hbm4b:s2+s3], $0x80, v3, vm0, $0xb8;
	[tilespmem:$0x1B280] =	vst v63  }
0x25f: {  	s21 =	simm.s32 $0x2280  }
0x260: {  	[tilespmem:s21], [sflag:$0x1] =	stream.indirect_vreg.gather [hbm4b:s4+s3], $0x80, v3, vm0, $0xb8;
	[tilespmem:$0x1B280] =	vst v63  }
0x261: {  	s21 =	simm.s32 $0x2A80  }
0x262: {  	[tilespmem:s21], [sflag:$0x1] =	stream.indirect_vreg.gather [hbm4b:s5+s3], $0x80, v3, vm0, $0xb8;
	[tilespmem:$0x1B280] =	vst v63  }
0x263: {  	v3 =	vld [tilespmem:$0x1C0];
	_ =	sdelay $0x4  }
0x264: {  	v54 =	vshrl.u32 v3, $0x3  }
0x265: {  	v4 =	vmul.u32 $0x30, v54  }
0x266: {  	v3 =	vand.u32 $0x7, v3  }
0x267: {  	v3 =	vor.u32 v3, v4  }
0x268: {  	v4 =	vperm.xlane v3, v0;
	_ =	sdelay $0x1  }
0x269: {  	v4 =	vadd.s32 v1, v4;
	_ =	sdelay $0x3  }
0x26a: {  	s21 =	simm.s32 $0x3280;
	v3 =	vperm.xlane v3, v2  }
0x26b: {  	[tilespmem:s21], [sflag:$0x1] =	stream.indirect_vreg.gather [hbm4b:s2+s3], $0x80, v4, vm0, $0xb8;
	[tilespmem:$0x1B280] =	vst v63  }
0x26c: {  	v3 =	vadd.s32 v1, v3;
	s21 =	simm.s32 $0x3A80  }
0x26d: {  	[tilespmem:s21], [sflag:$0x1] =	stream.indirect_vreg.gather [hbm4b:s4+s3], $0x80, v4, vm0, $0xb8;
	[tilespmem:$0x1B280] =	vst v63  }
0x26e: {  	s21 =	simm.s32 $0x4280  }
0x26f: {  	[tilespmem:s21], [sflag:$0x1] =	stream.indirect_vreg.gather [hbm4b:s5+s3], $0x80, v4, vm0, $0xb8;
	[tilespmem:$0x1B280] =	vst v63  }
0x270: {  	s21 =	simm.s32 $0x4A80  }
0x271: {  	[tilespmem:s21], [sflag:$0x1] =	stream.indirect_vreg.gather [hbm4b:s2+s3], $0x80, v3, vm0, $0xb8;
	[tilespmem:$0x1B280] =	vst v63  }
0x272: {  	s21 =	simm.s32 $0x5280  }
0x273: {  	[tilespmem:s21], [sflag:$0x1] =	stream.indirect_vreg.gather [hbm4b:s4+s3], $0x80, v3, vm0, $0xb8;
	[tilespmem:$0x1B280] =	vst v63  }
0x274: {  	s21 =	simm.s32 $0x5A80  }
0x275: {  	[tilespmem:s21], [sflag:$0x1] =	stream.indirect_vreg.gather [hbm4b:s5+s3], $0x80, v3, vm0, $0xb8;
	[tilespmem:$0x1B280] =	vst v63  }
0x276: {  	v3 =	vld [tilespmem:$0x1D0];
	_ =	sdelay $0x4  }
0x277: {  	v55 =	vshrl.u32 v3, $0x3  }
0x278: {  	v4 =	vmul.u32 $0x30, v55  }
0x279: {  	v3 =	vand.u32 $0x7, v3  }
0x27a: {  	v3 =	vor.u32 v3, v4  }
0x27b: {  	v4 =	vperm.xlane v3, v0;
	_ =	sdelay $0x1  }
0x27c: {  	v4 =	vadd.s32 v1, v4;
	_ =	sdelay $0x3  }
0x27d: {  	s21 =	simm.s32 $0x6280;
	v3 =	vperm.xlane v3, v2  }
0x27e: {  	[tilespmem:s21], [sflag:$0x1] =	stream.indirect_vreg.gather [hbm4b:s2+s3], $0x80, v4, vm0, $0xb8;
	[tilespmem:$0x1B280] =	vst v63  }
0x27f: {  	v3 =	vadd.s32 v1, v3;
	s21 =	simm.s32 $0x6A80  }
0x280: {  	[tilespmem:s21], [sflag:$0x1] =	stream.indirect_vreg.gather [hbm4b:s4+s3], $0x80, v4, vm0, $0xb8;
	[tilespmem:$0x1B280] =	vst v63  }
0x281: {  	s21 =	simm.s32 $0x7280  }
0x282: {  	[tilespmem:s21], [sflag:$0x1] =	stream.indirect_vreg.gather [hbm4b:s5+s3], $0x80, v4, vm0, $0xb8;
	[tilespmem:$0x1B280] =	vst v63  }
0x283: {  	s21 =	simm.s32 $0x7A80  }
0x284: {  	[tilespmem:s21], [sflag:$0x1] =	stream.indirect_vreg.gather [hbm4b:s2+s3], $0x80, v3, vm0, $0xb8;
	[tilespmem:$0x1B280] =	vst v63  }
0x285: {  	s21 =	simm.s32 $0x8280  }
0x286: {  	[tilespmem:s21], [sflag:$0x1] =	stream.indirect_vreg.gather [hbm4b:s4+s3], $0x80, v3, vm0, $0xb8;
	[tilespmem:$0x1B280] =	vst v63  }
0x287: {  	s21 =	simm.s32 $0x8A80  }
0x288: {  	[tilespmem:s21], [sflag:$0x1] =	stream.indirect_vreg.gather [hbm4b:s5+s3], $0x80, v3, vm0, $0xb8;
	[tilespmem:$0x1B280] =	vst v63  }
0x289: {  	v3 =	vld [tilespmem:$0x1E0];
	_ =	sdelay $0x4  }
0x28a: {  	v56 =	vshrl.u32 v3, $0x3  }
0x28b: {  	v4 =	vmul.u32 $0x30, v56  }
0x28c: {  	v3 =	vand.u32 $0x7, v3  }
0x28d: {  	v3 =	vor.u32 v3, v4  }
0x28e: {  	v4 =	vperm.xlane v3, v0;
	_ =	sdelay $0x1  }
0x28f: {  	v4 =	vadd.s32 v1, v4;
	_ =	sdelay $0x3  }
0x290: {  	s21 =	simm.s32 $0x9280;
	v3 =	vperm.xlane v3, v2  }
0x291: {  	[tilespmem:s21], [sflag:$0x1] =	stream.indirect_vreg.gather [hbm4b:s2+s3], $0x80, v4, vm0, $0xb8;
	[tilespmem:$0x1B280] =	vst v63  }
0x292: {  	v3 =	vadd.s32 v1, v3;
	s21 =	simm.s32 $0x9A80  }
0x293: {  	[tilespmem:s21], [sflag:$0x1] =	stream.indirect_vreg.gather [hbm4b:s4+s3], $0x80, v4, vm0, $0xb8;
	[tilespmem:$0x1B280] =	vst v63  }
0x294: {  	s31 =	simm.s32 $0xA280  }
0x295: {  	[tilespmem:s31], [sflag:$0x1] =	stream.indirect_vreg.gather [hbm4b:s5+s3], $0x80, v4, vm0, $0xb8;
	[tilespmem:$0x1B280] =	vst v63  }
0x296: {  	s31 =	simm.s32 $0xAA80  }
0x297: {  	[tilespmem:s31], [sflag:$0x1] =	stream.indirect_vreg.gather [hbm4b:s2+s3], $0x80, v3, vm0, $0xb8;
	[tilespmem:$0x1B280] =	vst v63  }
0x298: {  	s31 =	simm.s32 $0xB280  }
0x299: {  	[tilespmem:s31], [sflag:$0x1] =	stream.indirect_vreg.gather [hbm4b:s4+s3], $0x80, v3, vm0, $0xb8;
	[tilespmem:$0x1B280] =	vst v63  }
0x29a: {  	s31 =	simm.s32 $0xBA80  }
0x29b: {  	[tilespmem:s31], [sflag:$0x1] =	stream.indirect_vreg.gather [hbm4b:s5+s3], $0x80, v3, vm0, $0xb8;
	[tilespmem:$0x1B280] =	vst v63  }
0x29c: {  	v3 =	vld.msk [tilespmem:$0x1F0], $0xff;
	_ =	sdelay $0x4  }
0x29d: {  	v57 =	vshrl.u32 v3, $0x3  }
0x29e: {  	v4 =	vmul.u32 $0x30, v57  }
0x29f: {  	v3 =	vand.u32 $0x7, v3  }
0x2a0: {  	v3 =	vor.u32 v3, v4  }
0x2a1: {  	v3 =	vperm.xlane v3, v0;
	_ =	sdelay $0x1  }
0x2a2: {  	v3 =	vadd.s32 v1, v3;
	_ =	sdelay $0x3  }
0x2a3: {  	s31 =	simm.s32 $0xC280  }
0x2a4: {  	[tilespmem:s31], [sflag:$0x1] =	stream.indirect_vreg.gather [hbm4b:s2+s3], $0x80, v3, vm0, $0xb8;
	[tilespmem:$0x1B280] =	vst v63  }
0x2a5: {  	s31 =	simm.s32 $0xCA80  }
0x2a6: {  	[tilespmem:s31], [sflag:$0x1] =	stream.indirect_vreg.gather [hbm4b:s4+s3], $0x80, v3, vm0, $0xb8;
	[tilespmem:$0x1B280] =	vst v63  }
0x2a7: {  	s31 =	simm.s32 $0xD280  }
0x2a8: {  	[tilespmem:s31], [sflag:$0x1] =	stream.indirect_vreg.gather [hbm4b:s5+s3], $0x80, v3, vm0, $0xb8;
	[tilespmem:$0x1B280] =	vst v63  }
0x2a9: {  	_ =	swait.ge [sflag:s20], $0xD800  }
0x2aa: {  	[sflag:s20] =	ssyncset.done $0x0  }
0x2ab: {  	s30 =	simm.s32 $0xDA80;
	s31 =	rddreg [dreg:$0x9];
	[sflag:s20] =	ssyncadd.s32 $0xFFFF2800  }
0x2ac: {  	[hbm4b:s31+s3] =	stream.linear.scatter [tilespmem:s30], [sflag:$0x3], $0xD800, $0x38;
	[tilespmem:$0x1B280] =	vst v63  }
0x2ad: {  	_ =	swait.ge [sflag:s7], $0xD800  }
0x2ae: {  	[sflag:s7] =	ssyncset.done $0x0  }
0x2af: {  	[sflag:s7] =	ssyncadd.s32 $0xFFFF2800  }
0x2b0: {  	v3 =	vld [tilespmem:$0x1F8];
	_ =	sdelay $0x4  }
0x2b1: {  	v58 =	vshrl.u32 v3, $0x3  }
0x2b2: {  	v4 =	vmul.u32 $0x30, v58  }
0x2b3: {  	v3 =	vand.u32 $0x7, v3  }
0x2b4: {  	v3 =	vor.u32 v3, v4  }
0x2b5: {  	v4 =	vperm.xlane v3, v0;
	_ =	sdelay $0x1  }
0x2b6: {  	v4 =	vadd.s32 v1, v4;
	_ =	sdelay $0x3  }
0x2b7: {  	v3 =	vperm.xlane v3, v2  }
0x2b8: {  	[tilespmem:s30], [sflag:$0x2] =	stream.indirect_vreg.gather [hbm4b:s2+s3], $0x80, v4, vm0, $0xb8;
	[tilespmem:$0x1B280] =	vst v63  }
0x2b9: {  	s31 =	simm.s32 $0xE280;
	v3 =	vadd.s32 v1, v3  }
0x2ba: {  	[tilespmem:s31], [sflag:$0x2] =	stream.indirect_vreg.gather [hbm4b:s4+s3], $0x80, v4, vm0, $0xb8;
	[tilespmem:$0x1B280] =	vst v63  }
0x2bb: {  	s31 =	simm.s32 $0xEA80  }
0x2bc: {  	[tilespmem:s31], [sflag:$0x2] =	stream.indirect_vreg.gather [hbm4b:s5+s3], $0x80, v4, vm0, $0xb8;
	[tilespmem:$0x1B280] =	vst v63  }
0x2bd: {  	s31 =	simm.s32 $0xF280  }
0x2be: {  	[tilespmem:s31], [sflag:$0x2] =	stream.indirect_vreg.gather [hbm4b:s2+s3], $0x80, v3, vm0, $0xb8;
	[tilespmem:$0x1B280] =	vst v63  }
0x2bf: {  	s31 =	simm.s32 $0xFA80  }
0x2c0: {  	[tilespmem:s31], [sflag:$0x2] =	stream.indirect_vreg.gather [hbm4b:s4+s3], $0x80, v3, vm0, $0xb8;
	[tilespmem:$0x1B280] =	vst v63  }
0x2c1: {  	_ = 	snop  }
0x2c2: {  	[tilespmem:s11], [sflag:$0x2] =	stream.indirect_vreg.gather [hbm4b:s5+s3], $0x80, v3, vm0, $0xb8;
	[tilespmem:$0x1B280] =	vst v63  }
0x2c3: {  	v3 =	vld [tilespmem:$0x208];
	_ =	sdelay $0x4  }
0x2c4: {  	v59 =	vshrl.u32 v3, $0x3  }
0x2c5: {  	v4 =	vmul.u32 $0x30, v59  }
0x2c6: {  	v3 =	vand.u32 $0x7, v3  }
0x2c7: {  	v3 =	vor.u32 v3, v4  }
0x2c8: {  	v4 =	vperm.xlane v3, v0;
	_ =	sdelay $0x1  }
0x2c9: {  	v4 =	vadd.s32 v1, v4;
	_ =	sdelay $0x3  }
0x2ca: {  	s21 =	simm.s32 $0x10A80;
	v3 =	vperm.xlane v3, v2  }
0x2cb: {  	[tilespmem:s21], [sflag:$0x2] =	stream.indirect_vreg.gather [hbm4b:s2+s3], $0x80, v4, vm0, $0xb8;
	[tilespmem:$0x1B280] =	vst v63  }
0x2cc: {  	s31 =	simm.s32 $0x11280;
	v3 =	vadd.s32 v1, v3  }
0x2cd: {  	[tilespmem:s31], [sflag:$0x2] =	stream.indirect_vreg.gather [hbm4b:s4+s3], $0x80, v4, vm0, $0xb8;
	[tilespmem:$0x1B280] =	vst v63  }
0x2ce: {  	s21 =	simm.s32 $0x11A80  }
0x2cf: {  	[tilespmem:s21], [sflag:$0x2] =	stream.indirect_vreg.gather [hbm4b:s5+s3], $0x80, v4, vm0, $0xb8;
	[tilespmem:$0x1B280] =	vst v63  }
0x2d0: {  	s31 =	simm.s32 $0x12280  }
0x2d1: {  	[tilespmem:s31], [sflag:$0x2] =	stream.indirect_vreg.gather [hbm4b:s2+s3], $0x80, v3, vm0, $0xb8;
	[tilespmem:$0x1B280] =	vst v63  }
0x2d2: {  	s21 =	simm.s32 $0x12A80  }
0x2d3: {  	[tilespmem:s21], [sflag:$0x2] =	stream.indirect_vreg.gather [hbm4b:s4+s3], $0x80, v3, vm0, $0xb8;
	[tilespmem:$0x1B280] =	vst v63  }
0x2d4: {  	_ = 	snop  }
0x2d5: {  	[tilespmem:s8], [sflag:$0x2] =	stream.indirect_vreg.gather [hbm4b:s5+s3], $0x80, v3, vm0, $0xb8;
	[tilespmem:$0x1B280] =	vst v63  }
0x2d6: {  	v3 =	vld [tilespmem:$0x218];
	_ =	sdelay $0x4  }
0x2d7: {  	v60 =	vshrl.u32 v3, $0x3  }
0x2d8: {  	v4 =	vmul.u32 $0x30, v60  }
0x2d9: {  	v3 =	vand.u32 $0x7, v3  }
0x2da: {  	v3 =	vor.u32 v3, v4  }
0x2db: {  	v4 =	vperm.xlane v3, v0;
	_ =	sdelay $0x1  }
0x2dc: {  	v4 =	vadd.s32 v1, v4;
	_ =	sdelay $0x3  }
0x2dd: {  	v3 =	vperm.xlane v3, v2  }
0x2de: {  	[tilespmem:s12], [sflag:$0x2] =	stream.indirect_vreg.gather [hbm4b:s2+s3], $0x80, v4, vm0, $0xb8;
	[tilespmem:$0x1B280] =	vst v63  }
0x2df: {  	s15 =	simm.s32 $0x14280;
	v3 =	vadd.s32 v1, v3  }
0x2e0: {  	[tilespmem:s15], [sflag:$0x2] =	stream.indirect_vreg.gather [hbm4b:s4+s3], $0x80, v4, vm0, $0xb8;
	[tilespmem:$0x1B280] =	vst v63  }
0x2e1: {  	s16 =	simm.s32 $0x14A80  }
0x2e2: {  	[tilespmem:s16], [sflag:$0x2] =	stream.indirect_vreg.gather [hbm4b:s5+s3], $0x80, v4, vm0, $0xb8;
	[tilespmem:$0x1B280] =	vst v63  }
0x2e3: {  	s17 =	simm.s32 $0x15280  }
0x2e4: {  	[tilespmem:s17], [sflag:$0x2] =	stream.indirect_vreg.gather [hbm4b:s2+s3], $0x80, v3, vm0, $0xb8;
	[tilespmem:$0x1B280] =	vst v63  }
0x2e5: {  	s18 =	simm.s32 $0x15A80  }
0x2e6: {  	[tilespmem:s18], [sflag:$0x2] =	stream.indirect_vreg.gather [hbm4b:s4+s3], $0x80, v3, vm0, $0xb8;
	[tilespmem:$0x1B280] =	vst v63  }
0x2e7: {  	_ = 	snop  }
0x2e8: {  	[tilespmem:s9], [sflag:$0x2] =	stream.indirect_vreg.gather [hbm4b:s5+s3], $0x80, v3, vm0, $0xb8;
	[tilespmem:$0x1B280] =	vst v63  }
0x2e9: {  	v3 =	vld [tilespmem:$0x228];
	_ =	sdelay $0x4  }
0x2ea: {  	v61 =	vshrl.u32 v3, $0x3  }
0x2eb: {  	v4 =	vmul.u32 $0x30, v61  }
0x2ec: {  	v3 =	vand.u32 $0x7, v3  }
0x2ed: {  	v3 =	vor.u32 v3, v4  }
0x2ee: {  	v4 =	vperm.xlane v3, v0;
	_ =	sdelay $0x1  }
0x2ef: {  	v4 =	vadd.s32 v1, v4;
	_ =	sdelay $0x3  }
0x2f0: {  	v3 =	vperm.xlane v3, v2  }
0x2f1: {  	[tilespmem:s13], [sflag:$0x2] =	stream.indirect_vreg.gather [hbm4b:s2+s3], $0x80, v4, vm0, $0xb8;
	[tilespmem:$0x1B280] =	vst v63  }
0x2f2: {  	s22 =	simm.s32 $0x17280;
	v3 =	vadd.s32 v1, v3  }
0x2f3: {  	[tilespmem:s22], [sflag:$0x2] =	stream.indirect_vreg.gather [hbm4b:s4+s3], $0x80, v4, vm0, $0xb8;
	[tilespmem:$0x1B280] =	vst v63  }
0x2f4: {  	s23 =	simm.s32 $0x17A80  }
0x2f5: {  	[tilespmem:s23], [sflag:$0x2] =	stream.indirect_vreg.gather [hbm4b:s5+s3], $0x80, v4, vm0, $0xb8;
	[tilespmem:$0x1B280] =	vst v63  }
0x2f6: {  	s24 =	simm.s32 $0x18280  }
0x2f7: {  	[tilespmem:s24], [sflag:$0x2] =	stream.indirect_vreg.gather [hbm4b:s2+s3], $0x80, v3, vm0, $0xb8;
	[tilespmem:$0x1B280] =	vst v63  }
0x2f8: {  	s25 =	simm.s32 $0x18A80  }
0x2f9: {  	[tilespmem:s25], [sflag:$0x2] =	stream.indirect_vreg.gather [hbm4b:s4+s3], $0x80, v3, vm0, $0xb8;
	[tilespmem:$0x1B280] =	vst v63  }
0x2fa: {  	_ = 	snop  }
0x2fb: {  	[tilespmem:s10], [sflag:$0x2] =	stream.indirect_vreg.gather [hbm4b:s5+s3], $0x80, v3, vm0, $0xb8;
	[tilespmem:$0x1B280] =	vst v63  }
0x2fc: {  	v3 =	vld.msk [tilespmem:$0x238], $0xff;
	_ =	sdelay $0x4  }
0x2fd: {  	v62 =	vshrl.u32 v3, $0x3  }
0x2fe: {  	v4 =	vmul.u32 $0x30, v62  }
0x2ff: {  	v3 =	vand.u32 $0x7, v3  }
0x300: {  	v3 =	vor.u32 v3, v4  }
0x301: {  	v3 =	vperm.xlane v3, v0;
	_ =	sdelay $0x1  }
0x302: {  	v3 =	vadd.s32 v1, v3;
	_ =	sdelay $0x3  }
0x303: {  	s26 =	simm.s32 $0x19A80  }
0x304: {  	[tilespmem:s26], [sflag:$0x2] =	stream.indirect_vreg.gather [hbm4b:s2+s3], $0x80, v3, vm0, $0xb8;
	[tilespmem:$0x1B280] =	vst v63  }
0x305: {  	s28 =	simm.s32 $0x1A280  }
0x306: {  	[tilespmem:s28], [sflag:$0x2] =	stream.indirect_vreg.gather [hbm4b:s4+s3], $0x80, v3, vm0, $0xb8;
	[tilespmem:$0x1B280] =	vst v63  }
0x307: {  	_ = 	snop  }
0x308: {  	[tilespmem:s29], [sflag:$0x2] =	stream.indirect_vreg.gather [hbm4b:s5+s3], $0x80, v3, vm0, $0xb8;
	[tilespmem:$0x1B280] =	vst v63  }
0x309: {  	_ =	swait.ge [sflag:s19], $0xD800  }
0x30a: {  	[sflag:s19] =	ssyncset.done $0x0  }
0x30b: {  	s28 =	rddreg [dreg:$0xa];
	[sflag:s19] =	ssyncadd.s32 $0xFFFF2800  }
0x30c: {  	[hbm4b:s28+s3] =	stream.linear.scatter [tilespmem:s1], [sflag:$0x3], $0xD800, $0x38;
	[tilespmem:$0x1B280] =	vst v63  }
0x30d: {  	_ =	swait.ge [sflag:s7], $0xD800  }
0x30e: {  	[sflag:s7] =	ssyncset.done $0x0  }
0x30f: {  	[sflag:s7] =	ssyncadd.s32 $0xFFFF2800  }
0x310: {  	v3 =	vld.msk [tilespmem:$0x240], $0xff;
	_ =	sdelay $0x4  }
0x311: {  	v63 =	vshrl.u32 v3, $0x3  }
0x312: {  	v4 =	vmul.u32 $0x30, v63  }
0x313: {  	v3 =	vand.u32 $0x7, v3  }
0x314: {  	v3 =	vor.u32 v3, v4  }
0x315: {  	v3 =	vperm.xlane v3, v0;
	_ =	sdelay $0x1  }
0x316: {  	v3 =	vadd.s32 v1, v3;
	_ =	sdelay $0x4  }
0x317: {  	[tilespmem:s1], [sflag:$0x1] =	stream.indirect_vreg.gather [hbm4b:s2+s3], $0x80, v3, vm0, $0xb8;
	[tilespmem:$0x1B280] =	vst v63  }
0x318: {  	_ = 	snop  }
0x319: {  	[tilespmem:s0], [sflag:$0x1] =	stream.indirect_vreg.gather [hbm4b:s4+s3], $0x80, v3, vm0, $0xb8;
	[tilespmem:$0x1B280] =	vst v63  }
0x31a: {  	s14 =	simm.s32 $0x1280  }
0x31b: {  	[tilespmem:s14], [sflag:$0x1] =	stream.indirect_vreg.gather [hbm4b:s5+s3], $0x80, v3, vm0, $0xb8;
	[tilespmem:$0x1B280] =	vst v63  }
0x31c: {  	_ =	swait.ge [sflag:s20], $0xD800  }
0x31d: {  	[sflag:s20] =	ssyncset.done $0x0  }
0x31e: {  	s29 =	rddreg [dreg:$0xb];
	[sflag:s20] =	ssyncadd.s32 $0xFFFF2800  }
0x31f: {  	[hbm4b:s29+s3] =	stream.linear.scatter [tilespmem:s30], [sflag:$0x3], $0xD800, $0x38;
	[tilespmem:$0x1B280] =	vst v63  }
0x320: {  	_ =	swait.ge [sflag:s7], $0xD800  }
0x321: {  	[sflag:s7] =	ssyncset.done $0x0  }
0x322: {  	[sflag:s7] =	ssyncadd.s32 $0xFFFF2800  }
0x323: {  	_ =	swait.ge [sflag:s19], $0x1800  }
0x324: {  	p0 =	sne.s32 s6, $0x1;
	[sflag:s19] =	ssyncset.done $0x0  }
.Ltmp0:
0x325: {  	s31 =	rddreg [dreg:$0xc];
	[sflag:s19] =	ssyncadd.s32 $0xFFFFE800;
	(pc) =	sbr.rel @p0 .LBB2_1-.Ltmp0, $4  }
0x326: {  	[hbm4b:s31+s3] =	stream.linear.scatter [tilespmem:s1], [sflag:$0x3], $0x1800, $0x38;
	[tilespmem:$0x1B280] =	vst v63  }
0x327: {  	_ =	swait.ge [sflag:s7], $0x1800  }
0x328: {  	[sflag:s7] =	ssyncset.done $0x0  }
0x329: {  	s6 =	sadd.s32 $0xFFFFFFFF, s6;
	[sflag:s7] =	ssyncadd.s32 $0xFFFFE800  }
0x32a: {  	_ =	sfence.sel $0x180000  }
0x32b: {  	[bflag:$0x0] =	sbarrier.arrive $0xFFFF  }
0x32c: {  	_ =	strace $0x90000047  }
0x32d: {  	s0 =	stileid.u32;
	[bflag:$0x2] =	sbarrier.arrive $0xFFFF  }
0x32e: {  	p0 =	sne.s32 s0, $0x0;
	s0 =	rddreg [dreg:$0x2]  }
0x32f: {  	s0 =	sadd.s32 @!p0 $0x100000, s0  }
0x330: {  	[sflag:s0] =	ssyncadd.tile.s32 @!p0 $0x1;
	_ =	shalt  }
.Lfunc_end2:
_tile_overlayer_lowered:
.L_overlay_start_2:
0x331: {  	(tag) =	ssettag $0x2  }
0x332: {  	s0 =	rddreg [dreg:$0x0];
	s2 =	stileid.u32  }
0x333: {  	s1 =	rddreg [dreg:$0x1];
	p0 =	sne.s32 s2, $0x0  }
0x334: {  	s3 =	rddreg [dreg:$0x2];
	[bflag:$0x3] =	sbarrier.arrive $0xFFFF;
	s2 =	simm.s32 @!p0 $0x1C03  }
0x335: {  	[timem:s3], [sflag:s2] =	dma.local @!p0 [hbm:s0], s1  }
0x336: {  	s0 =	simm.s32 @!p0 $0x3  }
0x337: {  	_ =	swait.ge @!p0 [sflag:s0], s1  }
0x338: {  	s1 =	ssub.s32 @!p0 $0x0, s1;
	[sflag:s0] =	ssyncset.done @!p0 $0x0  }
0x339: {  	[sflag:s0] =	ssyncadd.s32 @!p0 s1  }
0x33a: {  	[bflag:$0x3] =	sbarrier.arrive $0xFFFF  }
0x33b: {  	_ =	shalt  }

// kernel: sparse-core-data-format-call.cloned.1.call-start
scs
called_computation_lowered:
.L_overlay_start_0:
0x0: {  	s2 =	sld [smem:$0x3FD9]  }
0x1: {  	s3 =	sld [smem:$0x3FFE];
	_ =	sdelay $0x1  }
0x2: {  	s1 =	srdreg.scid  }
0x3: {  	s0 =	sand.u32 $0x1, s1  }
0x4: {  	s18 =	sshll.u32 s0, $0xA;
	s2 =	sadd.s32 s3, s2  }
0x5: {  	s2 =	sadd.s32 s2, s18  }
0x6: {  	[smem:$0x3FC3] =	sst s2  }
0x7: {  	_ = 	snop  }
0x8: {  	s2 =	sld [smem:$0x3FD0];
	(tm) =	ssettm $0x1  }
0x9: {  	s19 =	sld [smem:$0x3FFB];
	_ =	sdelay $0x3  }
0xa: {  	_ =	strace s19  }
0xb: {  	s3 =	sld [smem:$0x3FFC];
	_ =	sdelay $0x3  }
0xc: {  	_ =	strace s3  }
0xd: {  	s3 =	sld [smem:$0x3FFD];
	_ =	sdelay $0x3  }
0xe: {  	_ =	strace s3  }
0xf: {  	_ =	strace $0x8FFFFFFF  }
0x10: {  	s20 =	sld [smem:$0x3FDB];
	_ =	sdelay $0x1  }
0x11: {  	s4 =	simm.s32 $_scs_section_size  }
0x12: {  	s5 =	simm.s32 $_size__tile_overlayer_lowered;
	s6 =	simm.s32 $_tile_overlayer_lowered  }
0x13: {  	s23 =	simm.s32 $0x1BFF;
	s22 =	sshll.u32 s6, $0x1;
	s3 =	sadd.s32 s4, s20  }
0x14: {  	s7 =	simm.s32 $0x0;
	s21 =	sshll.u32 s5, $0x1;
	s5 =	sadd.s32 s22, s3  }
0x15: {  	[timem:s7], [sflag:s23] =	dma.local [hbm:s5], s21  }
0x16: {  	_ =	swait.ge [sflag:s23], s21  }
0x17: {  	s4 =	ssub.s32 $0x0, s21;
	[sflag:s23] =	ssyncset.done $0x0  }
0x18: {  	[sflag:s23] =	ssyncadd.s32 s4;
	_ =	sdelay $0x1  }
0x19: {  	s24 =	simm.s32 $0x1B8B  }
0x1a: {  	_ =	swait.ge [sflag:s24], $0x1  }
0x1b: {  	[sflag:s24] =	ssyncset.done $0x0  }
0x1c: {  	s26 =	simm.s32 $0x1B8E;
	s25 =	sld [smem:$0x3FFE];
	[sflag:s24] =	ssyncadd.s32 $0xFFFFFFFF  }
0x1d: {  	s27 =	simm.s32 $execute0_lowered;
	[smem:$0x3FD2] =	sst s26  }
0x1e: {  	s5 =	sshll.u32 s27, $0x1;
	_ =	strace $0x80000049;
	[dreg:$0x1] =	wrdreg $0xFFFFFFFF  }
0x1f: {  	s28 =	simm.s32 $_size_execute0_lowered;
	s3 =	sadd.s32 s3, s5;
	[dreg:$0x0] =	wrdreg $0x0  }
0x20: {  	s5 =	sshll.u32 s28, $0x1;
	[dreg:$0x2] =	wrdreg s3  }
0x21: {  	[dreg:$0x3] =	wrdreg s5  }
0x22: {  	[dreg:$0x4] =	wrdreg $0xC0  }
0x23: {  	_ =	task [dreg:s7], $0x5FFFF  }
0x24: {  	[dreg:$0x1] =	wrdreg $0xFFFFFFFF  }
0x25: {  	[dreg:$0x0] =	wrdreg $0x60  }
0x26: {  	[dreg:$0x2] =	wrdreg s25  }
0x27: {  	[dreg:$0x3] =	wrdreg s2  }
0x28: {  	[dreg:$0x4] =	wrdreg $0x9  }
0x29: {  	_ =	task.clear_ibuf [dreg:s7], $0x5FFFF;
	_ =	strace $0x90000049  }
0x2a: {  	s29 =	simm.s32 $0x9;
	_ =	strace $0x8000004B  }
0x2b: {  	_ =	swait.ge [sflag:s29], $0x1  }
0x2c: {  	[sflag:s29] =	ssyncadd.s32 $0xFFFFFFFF  }
0x2d: {  	_ =	strace $0x9000004B  }
0x2e: {  	_ =	sfence  }
0x2f: {  	s30 =	sld [smem:$0x0];
	_ =	sdelay $0x2  }
0x30: {  	s31 =	sshll.u32 s1, $0xD;
	s1 =	sshrl.u32 s1, $0x2  }
0x31: {  	s3 =	sand.u32 $0x4000, s31;
	s1 =	sadd.s32 s1, s30  }
0x32: {  	s0 =	sor.u32 s3, s0;
	s1 =	sshll.u32 s1, $0x11  }
0x33: {  	s0 =	sor.u32 s1, s0  }
0x34: {  	s0 =	sadd.s32 $0x8F2B, s0  }
0x35: {  	[sflag:s0] =	ssyncadd.remote.s32 $0x1  }
0x36: {  	_ =	sfence.sel $0xFFFF  }
0x37: {  	[dreg:$0x0] =	wrdreg $0xFFFFFFFF;
	(pc) =	sbr.abs _section_cstart, $3  }
0x38: {  	[dreg:$0x1] =	wrdreg $0xFFFFFFFF  }
0x39: {  	_ =	task.clear_ibuf [dreg:s7], $0x2FFFF;
	_ =	strace $0x9FFFFFFF  }
0x3a: {  	(tm) =	ssettm $0x7FFFFFFF  }
0x3b: {  	_ =	shalt  }
tec
execute0_lowered:
.L_overlay_start_1:
0x0: {  	(tag) =	ssettag $0x1  }
0x1: {  	s5 =	rddreg [dreg:$0x0]  }
0x2: {  	s0 =	srdreg.scid;
	s3 =	rddreg [dreg:$0x1]  }
0x3: {  	s31 =	simm.s32 $0x2;
	s17 =	simm.s32 $0x0;
	s8 =	simm.s32 $0x1800  }
0x4: {  	s9 =	simm.s32 $0x0;
	s19 =	simm.s32 $0x0;
	s1 =	sshll.u32 s0, $0x4  }
0x5: {  	s18 =	simm.s32 $0x0;
	s0 =	stileid.u32;
	s1 =	sand.u32 $0x10, s1  }
0x6: {  	s10 =	simm.s32 $0x0;
	s11 =	simm.s32 $0x0;
	s1 =	sor.u32 s0, s1  }
0x7: {  	s12 =	simm.s32 $0x0;
	s13 =	simm.s32 $0x0;
	s2 =	sshll.u32 s1, $0x2  }
.Ltmp0:
0x8: {  	s15 =	simm.s32 $0x0;
	s4 =	ssub.s32 $0x240, s2;
	(pc) =	sbr.rel .LBB1_1-.Ltmp0, $4  }
0x9: {  	s16 =	simm.s32 $0x0;
	s1 =	rddreg [dreg:$0x2];
	s6 =	sshrl.u32 s4, $0x7  }
0xa: {  	_ =	strace $0x8000004A;
	s4 =	simm.s32 $0x1;
	s7 =	smul.u32 $0x6, s6  }
0xb: {  	s5 =	sadd.s32 $0x1A00, s5;
	s14 =	smov.u32 s2;
	[sflag:s4] =	ssyncpa.u1 $0x0  }
0xc: {  	[sflag:s31] =	ssyncpa.u1 $0x0;
	s6 =	sadd.s32 $0x6, s7;
	s7 =	sadd.s32 $0x7, s7  }
.LBB1_7:
0xd: {  	p0 =	slt.u32 s16, $0x2  }
0xe: {  	p1 =	sgt.s32 @!p0 s19, $0x23D  }
0xf: {  	s20 =	smov.u32 s19;
	s21 =	sshra.s32 @!p0 s19, $0x1F;
	p1 =	por !p1, p0  }
0x10: {  	s19 =	sand.u32 @!p0 s21, s19;
	s20 =	simm.s32 @p1 $0x23D  }
0x11: {  	p2 =	sgt.s32 @!p0 s17, $0x280;
	s19 =	ssub.s32 @!p0 s20, s19  }
0x12: {  	p2 =	por !p2, p0;
	s21 =	sshra.s32 @!p0 s17, $0x1F;
	s20 =	sadd.s32 @!p0 $0xFFFFFDC3, s19  }
0x13: {  	s19 =	ssub.s32 @!p0 $0x241, s19;
	p1 =	sgt.s32 @!p0 s20, $0x3;
	s20 =	ssub.s32 @!p0 $0x0, s18  }
0x14: {  	p1 =	por !p1, p0;
	s18 =	smin.u32 @!p0 s18, s20;
	s20 =	smov.u32 s17  }
0x15: {  	s17 =	sand.u32 @!p0 s21, s17;
	s21 =	smov.u32 s14;
	s20 =	simm.s32 @p2 $0x280  }
0x16: {  	p2 =	sgt.s32 @!p0 s18, $0x1F;
	s18 =	ssub.s32 @!p0 $0x20, s18;
	s17 =	ssub.s32 @!p0 s20, s17  }
0x17: {  	s19 =	simm.s32 @!p1 $0x0;
	p2 =	por !p2, p0;
	s20 =	sadd.s32 @!p0 $0xFFFFFD80, s17  }
0x18: {  	s18 =	simm.s32 @!p2 $0x0;
	s17 =	ssub.s32 @!p0 $0x300, s17;
	p1 =	sgt.s32 @!p0 s20, $0x7F  }
0x19: {  	s18 =	smul.u32 @!p0 s18, s19;
	s20 =	sadd.s32 $0x80, s13;
	p1 =	por !p1, p0  }
0x1a: {  	s19 =	sadd.s32 $0x80, s14;
	s17 =	simm.s32 @!p1 $0x0;
	p1 =	sgt.s32 s20, $0x2FF  }
0x1b: {  	s22 =	smov.u32 s15;
	s21 =	smov.u32 @p1 s19  }
0x1c: {  	s17 =	smul.u32 @!p0 s17, s18;
	s18 =	sadd.s32 $0x20, s15;
	p2 =	sgt.s32 s21, $0x240  }
0x1d: {  	s9 =	sadd.s32 $0x4000, s9;
	s23 =	simm.s32 @!p0 $0x2;
	s22 =	smov.u32 @p2 s18  }
0x1e: {  	s20 =	simm.s32 @p1 $0x0;
	s19 =	smov.u32 s11;
	p1 =	sgt.s32 s22, $0x1F  }
0x1f: {  	s11 =	smov.u32 s14;
	s22 =	simm.s32 @p1 $0x0;
	p1 =	sne.s32 s16, s7  }
.Ltmp1:
0x20: {  	s17 =	sand.u32 @!p0 $0x3FFFFFFF, s17;
	s21 =	smov.u32 @p2 s2;
	(pc) =	sbr.rel @!p1 .LBB1_8-.Ltmp1, $4  }
0x21: {  	s18 =	smov.u32 s12;
	s12 =	smov.u32 s15;
	_ =	swait.ge @!p0 [sflag:s23], s17  }
0x22: {  	s24 =	ssub.s32 @!p0 $0x0, s17;
	s17 =	smov.u32 s10;
	s10 =	smov.u32 s13  }
0x23: {  	s13 =	smov.u32 s20;
	s14 =	smov.u32 s21;
	[sflag:s23] =	ssyncset.done @!p0 $0x0  }
0x24: {  	s16 =	sadd.s32 $0x1, s16;
	[sflag:s23] =	ssyncadd.s32 @!p0 s24;
	s15 =	smov.u32 s22  }
.LBB1_1:
0x25: {  	p0 =	sge.u32 s16, s6  }
0x26: {  	s20 =	sshrl.u32 @!p0 s14, $0x3  }
0x27: {  	s21 =	sshll.u32 @!p0 s13, $0x3;
	s20 =	smul.u32 @!p0 $0x1800, s20  }
0x28: {  	s22 =	sshll.u32 @!p0 s14, $0x7;
	s21 =	sand.u32 @!p0 $0xFFFFFC00, s21  }
0x29: {  	s20 =	sadd.s32 @!p0 s20, s21;
	s21 =	sand.u32 @!p0 $0x380, s22  }
0x2a: {  	s20 =	sor.u32 @!p0 s21, s20  }
0x2b: {  	s21 =	smulhi.u32 @!p0 $0xAAAAAAAB, s20;
	_ =	sdelay $0x1  }
0x2c: {  	s22 =	sand.u32 @!p0 $0x7F, s13;
	s21 =	sshrl.u32 @!p0 s21, $0x9  }
0x2d: {  	s20 =	sor.u32 @!p0 s22, s20;
	s22 =	smulhi.u32 @!p0 $0xE07039, s21  }
0x2e: {  	s23 =	smulhi.u32 @!p0 $0xAAAAAAAB, s20  }
0x2f: {  	s22 =	sshrl.u32 @!p0 s22, $0x1  }
0x30: {  	s23 =	sshrl.u32 @!p0 s23, $0x9;
	s22 =	smul.u32 @!p0 $0x248, s22  }
0x31: {  	s23 =	smul.u32 @!p0 $0x300, s23  }
0x32: {  	s24 =	sxor.u32 @!p0 $0xFFFFFFFF, s16;
	s21 =	ssub.s32 @!p0 s21, s22;
	s22 =	smul.u32 @!p0 $0xDB00, s15  }
0x33: {  	s24 =	sshll.u32 @!p0 s24, $0xE;
	s20 =	ssub.s32 @!p0 s20, s23;
	s21 =	smul.u32 @!p0 $0x60, s21  }
0x34: {  	s23 =	sand.u32 @!p0 $0x4000, s24;
	s24 =	sand.u32 @!p0 $0x7, s20;
	s22 =	sadd.s32 @!p0 s5, s22  }
0x35: {  	s20 =	sshrl.u32 @!p0 s20, $0x3;
	s21 =	sadd.s32 @!p0 s21, s22;
	s22 =	sshll.u32 @!p0 s24, $0x12  }
0x36: {  	s20 =	sadd.s32 @!p0 s20, s21;
	s21 =	sor.u32 @!p0 $0x200, s22;
	s22 =	simm.s32 @!p0 $0x6D800  }
0x37: {  	[tilespmem:s23], [sflag:$0x1] =	stream.strided.gather @!p0 [hbm4b:s20+s21], $0x4000, s22, s21, $0x38;
	[tilespmem:$0x10000] =	vst v63  }
0x38: {  	p0 =	seq.s32 s16, $0x0  }
0x39: {  	p1 =	sge.u32 @!p0 s16, s7  }
0x3a: {  	p0 =	por p0, p1  }
.Ltmp2:
0x3b: {  	_ = 	snop;
	(pc) =	sbr.rel @p0 .LBB1_7-.Ltmp2, $1  }
0x3c: {  	_ =	sdelay $0x3  }
0x3d: {  	s20 =	sand.u32 $0x4000, s9  }
0x3e: {  	_ =	swait.ge [sflag:s4], $0x4000;
	s23 =	sshll.u32 s16, $0xE;
	s21 =	sor.u32 $0x8040, s20  }
0x3f: {  	s22 =	sor.u32 $0x40, s20;
	[sflag:s4] =	ssyncset.done $0x0;
	s31 =	sand.u32 $0x4000, s23  }
0x40: {  	s23 =	simm.s32 $0x0;
	[sflag:s4] =	ssyncadd.s32 $0xFFFFC000;
	s20 =	sor.u32 $0x8000, s31  }
.LBB1_3:
0x41: {  	v0 =	vmov s22;
	_ =	sdelay $0x3  }
0x42: {  	s25 =	simm.s32 $0x0  }
0x43: {  	v6 =	vld.idx.msk [tilespmem:v0+s25+$0x30 ss:$0x1], $0xffff  }
0x44: {  	v7 =	vld.idx.msk [tilespmem:v0+s25+$0xFFFFFFC0 ss:$0x1], $0xffff  }
0x45: {  	v5 =	vld.idx.msk [tilespmem:v0+s25+$0xFFFFFFD0 ss:$0x1], $0xffff  }
0x46: {  	v4 =	vld.idx.msk [tilespmem:v0+s25+$0xFFFFFFE0 ss:$0x1], $0xffff  }
0x47: {  	v3 =	vld.idx.msk [tilespmem:v0+s25+$0xFFFFFFF0 ss:$0x1], $0xffff  }
0x48: {  	v1 =	vld.idx.msk [tilespmem:v0+s25+$0x0 ss:$0x1], $0xffff  }
0x49: {  	v2 =	vld.idx.msk [tilespmem:v0+s25+$0x10 ss:$0x1], $0xffff;
	[tilespmem:s21+$0x30] =	vst v6  }
0x4a: {  	s24 =	simm.s32 $0x80;
	s26 =	simm.s32 $0x400;
	[tilespmem:s21+$0xFFFFFFC0] =	vst v7;
	v6 =	vld.idx.msk [tilespmem:v0+s25+$0x20 ss:$0x1], $0xffff;
	s25 =	smov.u32 s21  }
.LBB1_4:
0x4b: {  	p0 =	sne.s32 s26, $0x600;
	v7 =	vld.idx.msk [tilespmem:v0+s24+$0x30 ss:$0x1], $0xffff;
	[tilespmem:s25+$0xFFFFFFD0] =	vst v5  }
0x4c: {  	v8 =	vld.idx.msk [tilespmem:v0+s24+$0xFFFFFFC0 ss:$0x1], $0xffff;
	[tilespmem:s25+$0xFFFFFFE0] =	vst v4  }
0x4d: {  	v5 =	vld.idx.msk [tilespmem:v0+s24+$0xFFFFFFD0 ss:$0x1], $0xffff;
	[tilespmem:s25+$0xFFFFFFF0] =	vst v3  }
.Ltmp3:
0x4e: {  	v4 =	vld.idx.msk [tilespmem:v0+s24+$0xFFFFFFE0 ss:$0x1], $0xffff;
	[tilespmem:s25+$0x0] =	vst v1;
	(pc) =	sbr.rel @p0 .LBB1_4-.Ltmp3, $4  }
0x4f: {  	v3 =	vld.idx.msk [tilespmem:v0+s24+$0xFFFFFFF0 ss:$0x1], $0xffff;
	[tilespmem:s25+$0x10] =	vst v2  }
0x50: {  	v1 =	vld.idx.msk [tilespmem:v0+s24+$0x0 ss:$0x1], $0xffff;
	[tilespmem:s25+$0x20] =	vst v6;
	s25 =	sadd.s32 $0x1000, s25  }
0x51: {  	v2 =	vld.idx.msk [tilespmem:v0+s24+$0x10 ss:$0x1], $0xffff;
	[tilespmem:s25+$0x30] =	vst v7  }
0x52: {  	[tilespmem:s25+$0xFFFFFFC0] =	vst v8;
	v6 =	vld.idx.msk [tilespmem:v0+s24+$0x20 ss:$0x1], $0xffff;
	s24 =	sshra.s32 s26, $0x2;
	s26 =	sadd.s32 $0x200, s26  }
0x53: {  	_ =	sdelay $0x2  }
0x54: {  	[tilespmem:s25+$0xFFFFFFD0] =	vst v5  }
0x55: {  	v56 =	vld.idx.msk [tilespmem:v0+s24+$0x30 ss:$0x1], $0xffff;
	[tilespmem:s25+$0xFFFFFFE0] =	vst v4  }
0x56: {  	v57 =	vld.idx.msk [tilespmem:v0+s24+$0xFFFFFFC0 ss:$0x1], $0xffff;
	[tilespmem:s25+$0xFFFFFFF0] =	vst v3  }
0x57: {  	v58 =	vld.idx.msk [tilespmem:v0+s24+$0xFFFFFFD0 ss:$0x1], $0xffff;
	[tilespmem:s25+$0x0] =	vst v1  }
0x58: {  	v59 =	vld.idx.msk [tilespmem:v0+s24+$0xFFFFFFE0 ss:$0x1], $0xffff;
	[tilespmem:s25+$0x10] =	vst v2  }
0x59: {  	v60 =	vld.idx.msk [tilespmem:v0+s24+$0xFFFFFFF0 ss:$0x1], $0xffff;
	s31 =	sadd.s32 $0x1000, s25;
	[tilespmem:s25+$0x20] =	vst v6  }
0x5a: {  	v61 =	vld.idx.msk [tilespmem:v0+s24+$0x0 ss:$0x1], $0xffff;
	[tilespmem:s31+$0x30] =	vst v56  }
0x5b: {  	v62 =	vld.idx.msk [tilespmem:v0+s24+$0x10 ss:$0x1], $0xffff;
	s23 =	sadd.s32 $0x1, s23;
	[tilespmem:s31+$0xFFFFFFC0] =	vst v57  }
0x5c: {  	v63 =	vld.idx.msk [tilespmem:v0+s24+$0x20 ss:$0x1], $0xffff;
	p0 =	sne.s32 s23, $0x20;
	[tilespmem:s31+$0xFFFFFFD0] =	vst v58  }
.Ltmp4:
0x5d: {  	[tilespmem:s31+$0xFFFFFFE0] =	vst v59;
	(pc) =	sbr.rel @p0 .LBB1_3-.Ltmp4, $4  }
0x5e: {  	[tilespmem:s31+$0xFFFFFFF0] =	vst v60  }
0x5f: {  	[tilespmem:s31+$0x0] =	vst v61  }
0x60: {  	[tilespmem:s31+$0x10] =	vst v62  }
0x61: {  	s21 =	sadd.s32 $0x80, s21;
	s22 =	sadd.s32 $0x200, s22;
	[tilespmem:s31+$0x20] =	vst v63  }
0x62: {  	s21 =	sshrl.u32 s12, $0x3  }
0x63: {  	s22 =	sshll.u32 s10, $0x3;
	s23 =	sshll.u32 s12, $0x7;
	s24 =	sand.u32 $0x7F, s10  }
0x64: {  	p0 =	sgt.s32 s11, $0x23D;
	s30 =	sshra.s32 s11, $0x1F;
	s26 =	smov.u32 s10  }
0x65: {  	s27 =	sshra.s32 s10, $0x1F;
	s21 =	smul.u32 $0x1800, s21;
	s22 =	sand.u32 $0xFFFFFC00, s22  }
0x66: {  	s29 =	sand.u32 $0x380, s23;
	s23 =	sand.u32 s30, s11;
	s31 =	sand.u32 s27, s10  }
0x67: {  	s27 =	ssub.s32 $0x0, s12;
	s21 =	sadd.s32 s21, s22;
	s22 =	smov.u32 s11  }
0x68: {  	s21 =	sor.u32 s29, s21;
	s22 =	simm.s32 @!p0 $0x23D;
	p0 =	sgt.s32 s10, $0x280  }
0x69: {  	s29 =	smul.u32 $0xC00, s11;
	s24 =	sor.u32 s24, s21;
	s22 =	ssub.s32 s22, s23  }
0x6a: {  	s26 =	simm.s32 @!p0 $0x280;
	s21 =	smulhi.u32 $0xAAAAAAAB, s21;
	s23 =	sadd.s32 $0xFFFFFDC3, s22  }
0x6b: {  	s25 =	smulhi.u32 $0xAAAAAAAB, s24;
	s22 =	ssub.s32 $0x241, s22;
	p1 =	sgt.s32 s23, $0x3  }
0x6c: {  	s23 =	ssub.s32 s26, s31;
	s26 =	smin.u32 s12, s27;
	s21 =	sshrl.u32 s21, $0x9  }
0x6d: {  	s25 =	sshrl.u32 s25, $0x9;
	s22 =	simm.s32 @p1 $0x0;
	p0 =	sgt.s32 s26, $0x1F  }
0x6e: {  	s26 =	ssub.s32 $0x20, s26;
	s21 =	sand.u32 $0x1F, s21;
	s25 =	smul.u32 $0x300, s25  }
0x6f: {  	s28 =	sadd.s32 $0xFFFFFD80, s23;
	s26 =	simm.s32 @p0 $0x0;
	s21 =	smul.u32 $0x60, s21  }
0x70: {  	s23 =	ssub.s32 $0x300, s23;
	p0 =	sgt.s32 s28, $0x7F;
	s22 =	smul.u32 s26, s22  }
.Ltmp5:
0x71: {  	s23 =	simm.s32 @p0 $0x0;
	s24 =	ssub.s32 s24, s25;
	(pc) =	sbr.rel .LBB1_7-.Ltmp5, $4  }
0x72: {  	s30 =	sadd.s32 s3, s29;
	s22 =	smul.u32 s23, s22;
	s25 =	sand.u32 $0x7, s24  }
0x73: {  	s21 =	sadd.s32 s21, s30;
	s24 =	sshrl.u32 s24, $0x3;
	s31 =	sshll.u32 s25, $0x12  }
0x74: {  	s21 =	sadd.s32 s24, s21;
	s22 =	sand.u32 $0x3FFFFFFF, s22;
	s23 =	sor.u32 $0x400, s31  }
0x75: {  	[hbm4b:s21+s23] =	stream.strided.scatter [tilespmem:s20], [sflag:$0x2], s22, s8, s23, $0x38;
	[tilespmem:$0x10000] =	vst v63  }
.LBB1_8:
0x76: {  	_ =	sfence.sel $0x180000  }
0x77: {  	s2 =	simm.s32 $0x1;
	[bflag:$0x0] =	sbarrier.arrive $0xFFFF  }
0x78: {  	s31 =	simm.s32 $0x2;
	[sflag:s2] =	ssyncpa.u1 $0x1  }
0x79: {  	[sflag:s31] =	ssyncpa.u1 $0x1  }
0x7a: {  	p0 =	sne.s32 s0, $0x0;
	_ =	strace $0x9000004A  }
0x7b: {  	s0 =	sadd.s32 @!p0 $0x100000, s1;
	[bflag:$0x2] =	sbarrier.arrive $0xFFFF  }
0x7c: {  	[sflag:s0] =	ssyncadd.tile.s32 @!p0 $0x1;
	_ =	shalt  }
.Lfunc_end1:
_tile_overlayer_lowered:
.L_overlay_start_2:
0x7d: {  	(tag) =	ssettag $0x2  }
0x7e: {  	s0 =	rddreg [dreg:$0x0];
	s2 =	stileid.u32  }
0x7f: {  	s1 =	rddreg [dreg:$0x1];
	p0 =	sne.s32 s2, $0x0  }
0x80: {  	s3 =	rddreg [dreg:$0x2];
	[bflag:$0x3] =	sbarrier.arrive $0xFFFF;
	s2 =	simm.s32 @!p0 $0x1C01  }
0x81: {  	[timem:s3], [sflag:s2] =	dma.local @!p0 [hbm:s0], s1  }
0x82: {  	s0 =	simm.s32 @!p0 $0x1  }
0x83: {  	_ =	swait.ge @!p0 [sflag:s0], s1  }
0x84: {  	s1 =	ssub.s32 @!p0 $0x0, s1;
	[sflag:s0] =	ssyncset.done @!p0 $0x0  }
0x85: {  	[sflag:s0] =	ssyncadd.s32 @!p0 s1  }
0x86: {  	[bflag:$0x3] =	sbarrier.arrive $0xFFFF  }
0x87: {  	_ =	shalt  }

</sc_bundles>
